<compile_context>
chip_gen: v7x
topology: tpu7x:2x2x1
jax: 0.10.2.dev20260603
libtpu: 0.0.44.dev20260713+nightly
codegen_flags: <defaults>
</compile_context>

<pallas_src>
import functools

import jax
import jax.numpy as jnp
from jax import lax
from jax.experimental import pallas as pl
from jax.experimental.pallas import tpu as pltpu
from jax.experimental.pallas import tpu_sc as plsc

NC = 2
NS = 16
NW = NC * NS
CHUNK = 64
NBUF = 10
K = NBUF - 1


def kernel(x, weight):
    BATCH, H = x.shape
    B = x.size
    D = weight.shape[1]
    n_chunks = B // (NW * CHUNK)
    assert B == NW * n_chunks * CHUNK
    assert (n_chunks - NBUF) % NBUF == 0 and n_chunks > 2 * NBUF
    idx = x.T.reshape(NW, n_chunks, CHUNK).astype(jnp.int32)

    mesh = plsc.VectorSubcoreMesh(
        core_axis_name="c", subcore_axis_name="s",
        num_cores=NC, num_subcores=NS,
    )

    @functools.partial(
        pl.kernel,
        out_type=jax.ShapeDtypeStruct((B, D), jnp.float32),
        mesh=mesh,
        scratch_types=[
            pltpu.VMEM((n_chunks, CHUNK), jnp.int32),
            pltpu.VMEM((NBUF, CHUNK, D), jnp.float32),
            pltpu.SemaphoreType.DMA((NBUF,)),
            pltpu.SemaphoreType.DMA((NBUF,)),
        ],
    )
    def emb(x_hbm, w_hbm, out_hbm, idx_v, rows_v, gsem, ssem):
        wid = lax.axis_index("s") * NC + lax.axis_index("c")
        base = wid * (n_chunks * CHUNK)
        pltpu.sync_copy(x_hbm.at[wid], idx_v)

        def start_gather(j, b):
            pltpu.async_copy(w_hbm.at[idx_v.at[j]], rows_v.at[b], gsem.at[b])

        def wait_gather(b):
            pltpu.make_async_copy(
                w_hbm.at[pl.ds(0, CHUNK)], rows_v.at[b], gsem.at[b]
            ).wait()

        def start_store(j, b):
            pltpu.async_copy(
                rows_v.at[b], out_hbm.at[pl.ds(base + j * CHUNK, CHUNK)],
                ssem.at[b],
            )

        def wait_store(b):
            pltpu.make_async_copy(
                w_hbm.at[pl.ds(0, CHUNK)], rows_v.at[b], ssem.at[b]
            ).wait()

        for j in range(K):
            start_gather(j, j)
        start_gather(K, K)
        wait_gather(0)
        start_store(0, 0)

        @pl.loop(NBUF, n_chunks, step=NBUF)
        def group(j0):
            for b in range(NBUF):
                j = j0 + b
                wait_store(b)
                start_gather(j, b)
                bc = (b + 1) % NBUF
                wait_gather(bc)
                start_store(j - K, bc)

        for j in range(n_chunks, n_chunks + K):
            bc = (j - K) % NBUF
            wait_gather(bc)
            start_store(j - K, bc)
        for j in range(n_chunks - NBUF, n_chunks):
            wait_store(j % NBUF)

    out = emb(idx, weight)
    return out.reshape(H, BATCH, D).transpose(1, 0, 2)

# --- scband reference (transcript-rebuilt; emitter-appended) ---
"""Pipeline reference for scband-compressed-embedding-57329223467084 (READ-ONLY COPY).

The authoritative reference and input builder live on the scoring server;
editing this copy changes nothing except your own understanding.
"""

import jax, jax.numpy as jnp
import numpy as np

NUM_EMBEDDINGS = 100000
EMBEDDING_DIM = 128
BATCH = 4096
HIST_LEN = 50

def setup_inputs(seed: int = 0) -> dict:
    key = jax.random.key(seed)
    k1, k2 = jax.random.split(key)
    x = jax.random.randint(k1, (BATCH, HIST_LEN), 0, NUM_EMBEDDINGS, dtype=jnp.int64 if jax.config.jax_enable_x64 else jnp.int32)
    weight = jax.random.normal(k2, (NUM_EMBEDDINGS, EMBEDDING_DIM), dtype=jnp.float32)
    return {"x": x, "weight": weight}

def reference(x, weight):
    # F.embedding(x, weight, padding_idx=None) -> plain row gather
    return jnp.take(weight, x, axis=0)

if __name__ == "__main__":
    import jax
    _d = setup_inputs()
    print(jax.jit(kernel)(*tuple(_d.values())))

</pallas_src>

<mosaic_0001>
#map = affine_map<(d0, d1) -> (0, 0, 0)>
#map1 = affine_map<(d0, d1) -> (0, 0)>
module attributes {stable_mosaic.version = 14 : i64} {
  func.func @emb(%arg0: i32, %arg1: i32, %arg2: memref<32x100x64xi32, #tpu.memory_space<hbm>>, %arg3: memref<100000x128xf32, #tpu.memory_space<hbm>>, %arg4: memref<204800x128xf32, #tpu.memory_space<hbm>>, %arg5: memref<100x64xi32, #tpu.memory_space<vmem>>, %arg6: memref<10x64x128xf32, #tpu.memory_space<vmem>>, %arg7: memref<10x!tpu.dma_semaphore, #tpu.memory_space<semaphore_mem>>, %arg8: memref<10x!tpu.dma_semaphore, #tpu.memory_space<semaphore_mem>>) attributes {dimension_semantics = [#tpu.dimension_semantics<core_parallel>, #tpu.dimension_semantics<subcore_parallel>], iteration_bounds = array<i64: 2, 16>, scalar_prefetch = 0 : i64, scratch_operands = 4 : i64, tpu.core_type = #tpu.core_type<sc_vector_subcore>, window_params = [{transform_indices = #map}, {transform_indices = #map1}, {transform_indices = #map1}]} {
    %mul3A = arith.constant 2 : i32
    %mul3A_0 = arith.muli %arg1, %mul3A : i32
    %add3A = arith.addi %mul3A_0, %arg0 : i32
    %mul3A_1 = arith.constant 6400 : i32
    %mul3A_2 = arith.muli %add3A, %mul3A_1 : i32
    "tpu.region"() ({
      %run_scoped3A = tpu.sem_alloc : memref<!tpu.dma_semaphore, #tpu.memory_space<semaphore_mem>>
      %dma_start3A_695 = arith.constant 0 : i32
      %dma_start3A_696 = arith.constant 0 : i32
      %dma_start3A_697 = tpu.memref_slice %arg2[%add3A, %dma_start3A_695, %dma_start3A_696] : memref<32x100x64xi32, #tpu.memory_space<hbm>> -> memref<1x100x64xi32, #tpu.memory_space<hbm>>
      %dma_start3A_698 = tpu.memref_squeeze %dma_start3A_697 : memref<1x100x64xi32, #tpu.memory_space<hbm>> -> memref<100x64xi32, #tpu.memory_space<hbm>>
      %dma_start3A_699 = arith.constant 0 : i32
      %dma_start3A_700 = arith.constant 0 : i32
      %dma_start3A_701 = tpu.memref_slice %arg2[%add3A, %dma_start3A_699, %dma_start3A_700] : memref<32x100x64xi32, #tpu.memory_space<hbm>> -> memref<1x100x64xi32, #tpu.memory_space<hbm>>
      %dma_start3A_702 = tpu.memref_squeeze %dma_start3A_701 : memref<1x100x64xi32, #tpu.memory_space<hbm>> -> memref<100x64xi32, #tpu.memory_space<hbm>>
      tpu.enqueue_dma source(%dma_start3A_702 : memref<100x64xi32, #tpu.memory_space<hbm>>) target(%arg5 : memref<100x64xi32, #tpu.memory_space<vmem>>) target_semaphore(%run_scoped3A : memref<!tpu.dma_semaphore, #tpu.memory_space<semaphore_mem>>)
      %dma_wait3A_703 = arith.constant 0 : i32
      %dma_wait3A_704 = arith.constant 0 : i32
      %dma_wait3A_705 = tpu.memref_slice %arg2[%add3A, %dma_wait3A_703, %dma_wait3A_704] : memref<32x100x64xi32, #tpu.memory_space<hbm>> -> memref<1x100x64xi32, #tpu.memory_space<hbm>>
      %dma_wait3A_706 = tpu.memref_squeeze %dma_wait3A_705 : memref<1x100x64xi32, #tpu.memory_space<hbm>> -> memref<100x64xi32, #tpu.memory_space<hbm>>
      %dma_wait3A_707 = arith.constant 0 : i32
      %dma_wait3A_708 = arith.constant 0 : i32
      %dma_wait3A_709 = tpu.memref_slice %arg2[%add3A, %dma_wait3A_707, %dma_wait3A_708] : memref<32x100x64xi32, #tpu.memory_space<hbm>> -> memref<1x100x64xi32, #tpu.memory_space<hbm>>
      %dma_wait3A_710 = tpu.memref_squeeze %dma_wait3A_709 : memref<1x100x64xi32, #tpu.memory_space<hbm>> -> memref<100x64xi32, #tpu.memory_space<hbm>>
      tpu.wait_dma2 semaphore(%run_scoped3A : memref<!tpu.dma_semaphore, #tpu.memory_space<semaphore_mem>>) src(%dma_wait3A_710 : memref<100x64xi32, #tpu.memory_space<hbm>>) dst(%arg5 : memref<100x64xi32, #tpu.memory_space<vmem>>)
      tpu.yield
    }) : () -> ()
    %dma_start3A = arith.constant 0 : i32
    %dma_start3A_3 = arith.constant 0 : i32
    %dma_start3A_4 = arith.constant 0 : i32
    %dma_start3A_5 = arith.constant 0 : i32
    %dma_start3A_6 = arith.constant 0 : i32
    %dma_start3A_7 = tpu.memref_slice %arg6[%dma_start3A_3, %dma_start3A_5, %dma_start3A_6] : memref<10x64x128xf32, #tpu.memory_space<vmem>> -> memref<1x64x128xf32, #tpu.memory_space<vmem>>
    %dma_start3A_8 = tpu.memref_squeeze %dma_start3A_7 : memref<1x64x128xf32, #tpu.memory_space<vmem>> -> memref<64x128xf32, #tpu.memory_space<vmem>>
    %dma_start3A_9 = arith.constant 0 : i32
    %dma_start3A_10 = tpu.memref_slice %arg5[%dma_start3A, %dma_start3A_9] : memref<100x64xi32, #tpu.memory_space<vmem>> -> memref<1x64xi32, #tpu.memory_space<vmem>>
    %dma_start3A_11 = tpu.memref_squeeze %dma_start3A_10 : memref<1x64xi32, #tpu.memory_space<vmem>> -> memref<64xi32, #tpu.memory_space<vmem>>
    %dma_start3A_12 = arith.constant 0 : i32
    %dma_start3A_13 = arith.constant 0 : i32
    %dma_start3A_14 = tpu.memref_slice %arg3[%dma_start3A_12, %dma_start3A_13] : memref<100000x128xf32, #tpu.memory_space<hbm>> -> memref<100000x128xf32, #tpu.memory_space<hbm>>
    %dma_start3A_15 = tpu.memref_slice %arg7[%dma_start3A_4] : memref<10x!tpu.dma_semaphore, #tpu.memory_space<semaphore_mem>> -> memref<1x!tpu.dma_semaphore, #tpu.memory_space<semaphore_mem>>
    %dma_start3A_16 = tpu.memref_squeeze %dma_start3A_15 : memref<1x!tpu.dma_semaphore, #tpu.memory_space<semaphore_mem>> -> memref<!tpu.dma_semaphore, #tpu.memory_space<semaphore_mem>>
    tpu.enqueue_indirect_dma source(%dma_start3A_14 : memref<100000x128xf32, #tpu.memory_space<hbm>>) target(%dma_start3A_8 : memref<64x128xf32, #tpu.memory_space<vmem>>) offsets(%dma_start3A_11 : memref<64xi32, #tpu.memory_space<vmem>>) semaphore(%dma_start3A_16 : memref<!tpu.dma_semaphore, #tpu.memory_space<semaphore_mem>>)
    %dma_start3A_17 = arith.constant 1 : i32
    %dma_start3A_18 = arith.constant 1 : i32
    %dma_start3A_19 = arith.constant 1 : i32
    %dma_start3A_20 = arith.constant 0 : i32
    %dma_start3A_21 = arith.constant 0 : i32
    %dma_start3A_22 = tpu.memref_slice %arg6[%dma_start3A_18, %dma_start3A_20, %dma_start3A_21] : memref<10x64x128xf32, #tpu.memory_space<vmem>> -> memref<1x64x128xf32, #tpu.memory_space<vmem>>
    %dma_start3A_23 = tpu.memref_squeeze %dma_start3A_22 : memref<1x64x128xf32, #tpu.memory_space<vmem>> -> memref<64x128xf32, #tpu.memory_space<vmem>>
    %dma_start3A_24 = arith.constant 0 : i32
    %dma_start3A_25 = tpu.memref_slice %arg5[%dma_start3A_17, %dma_start3A_24] : memref<100x64xi32, #tpu.memory_space<vmem>> -> memref<1x64xi32, #tpu.memory_space<vmem>>
    %dma_start3A_26 = tpu.memref_squeeze %dma_start3A_25 : memref<1x64xi32, #tpu.memory_space<vmem>> -> memref<64xi32, #tpu.memory_space<vmem>>
    %dma_start3A_27 = arith.constant 0 : i32
    %dma_start3A_28 = arith.constant 0 : i32
    %dma_start3A_29 = tpu.memref_slice %arg3[%dma_start3A_27, %dma_start3A_28] : memref<100000x128xf32, #tpu.memory_space<hbm>> -> memref<100000x128xf32, #tpu.memory_space<hbm>>
    %dma_start3A_30 = tpu.memref_slice %arg7[%dma_start3A_19] : memref<10x!tpu.dma_semaphore, #tpu.memory_space<semaphore_mem>> -> memref<1x!tpu.dma_semaphore, #tpu.memory_space<semaphore_mem>>
    %dma_start3A_31 = tpu.memref_squeeze %dma_start3A_30 : memref<1x!tpu.dma_semaphore, #tpu.memory_space<semaphore_mem>> -> memref<!tpu.dma_semaphore, #tpu.memory_space<semaphore_mem>>
    tpu.enqueue_indirect_dma source(%dma_start3A_29 : memref<100000x128xf32, #tpu.memory_space<hbm>>) target(%dma_start3A_23 : memref<64x128xf32, #tpu.memory_space<vmem>>) offsets(%dma_start3A_26 : memref<64xi32, #tpu.memory_space<vmem>>) semaphore(%dma_start3A_31 : memref<!tpu.dma_semaphore, #tpu.memory_space<semaphore_mem>>)
    %dma_start3A_32 = arith.constant 2 : i32
    %dma_start3A_33 = arith.constant 2 : i32
    %dma_start3A_34 = arith.constant 2 : i32
    %dma_start3A_35 = arith.constant 0 : i32
    %dma_start3A_36 = arith.constant 0 : i32
    %dma_start3A_37 = tpu.memref_slice %arg6[%dma_start3A_33, %dma_start3A_35, %dma_start3A_36] : memref<10x64x128xf32, #tpu.memory_space<vmem>> -> memref<1x64x128xf32, #tpu.memory_space<vmem>>
    %dma_start3A_38 = tpu.memref_squeeze %dma_start3A_37 : memref<1x64x128xf32, #tpu.memory_space<vmem>> -> memref<64x128xf32, #tpu.memory_space<vmem>>
    %dma_start3A_39 = arith.constant 0 : i32
    %dma_start3A_40 = tpu.memref_slice %arg5[%dma_start3A_32, %dma_start3A_39] : memref<100x64xi32, #tpu.memory_space<vmem>> -> memref<1x64xi32, #tpu.memory_space<vmem>>
    %dma_start3A_41 = tpu.memref_squeeze %dma_start3A_40 : memref<1x64xi32, #tpu.memory_space<vmem>> -> memref<64xi32, #tpu.memory_space<vmem>>
    %dma_start3A_42 = arith.constant 0 : i32
    %dma_start3A_43 = arith.constant 0 : i32
    %dma_start3A_44 = tpu.memref_slice %arg3[%dma_start3A_42, %dma_start3A_43] : memref<100000x128xf32, #tpu.memory_space<hbm>> -> memref<100000x128xf32, #tpu.memory_space<hbm>>
    %dma_start3A_45 = tpu.memref_slice %arg7[%dma_start3A_34] : memref<10x!tpu.dma_semaphore, #tpu.memory_space<semaphore_mem>> -> memref<1x!tpu.dma_semaphore, #tpu.memory_space<semaphore_mem>>
    %dma_start3A_46 = tpu.memref_squeeze %dma_start3A_45 : memref<1x!tpu.dma_semaphore, #tpu.memory_space<semaphore_mem>> -> memref<!tpu.dma_semaphore, #tpu.memory_space<semaphore_mem>>
    tpu.enqueue_indirect_dma source(%dma_start3A_44 : memref<100000x128xf32, #tpu.memory_space<hbm>>) target(%dma_start3A_38 : memref<64x128xf32, #tpu.memory_space<vmem>>) offsets(%dma_start3A_41 : memref<64xi32, #tpu.memory_space<vmem>>) semaphore(%dma_start3A_46 : memref<!tpu.dma_semaphore, #tpu.memory_space<semaphore_mem>>)
    %dma_start3A_47 = arith.constant 3 : i32
    %dma_start3A_48 = arith.constant 3 : i32
    %dma_start3A_49 = arith.constant 3 : i32
    %dma_start3A_50 = arith.constant 0 : i32
    %dma_start3A_51 = arith.constant 0 : i32
    %dma_start3A_52 = tpu.memref_slice %arg6[%dma_start3A_48, %dma_start3A_50, %dma_start3A_51] : memref<10x64x128xf32, #tpu.memory_space<vmem>> -> memref<1x64x128xf32, #tpu.memory_space<vmem>>
    %dma_start3A_53 = tpu.memref_squeeze %dma_start3A_52 : memref<1x64x128xf32, #tpu.memory_space<vmem>> -> memref<64x128xf32, #tpu.memory_space<vmem>>
    %dma_start3A_54 = arith.constant 0 : i32
    %dma_start3A_55 = tpu.memref_slice %arg5[%dma_start3A_47, %dma_start3A_54] : memref<100x64xi32, #tpu.memory_space<vmem>> -> memref<1x64xi32, #tpu.memory_space<vmem>>
    %dma_start3A_56 = tpu.memref_squeeze %dma_start3A_55 : memref<1x64xi32, #tpu.memory_space<vmem>> -> memref<64xi32, #tpu.memory_space<vmem>>
    %dma_start3A_57 = arith.constant 0 : i32
    %dma_start3A_58 = arith.constant 0 : i32
    %dma_start3A_59 = tpu.memref_slice %arg3[%dma_start3A_57, %dma_start3A_58] : memref<100000x128xf32, #tpu.memory_space<hbm>> -> memref<100000x128xf32, #tpu.memory_space<hbm>>
    %dma_start3A_60 = tpu.memref_slice %arg7[%dma_start3A_49] : memref<10x!tpu.dma_semaphore, #tpu.memory_space<semaphore_mem>> -> memref<1x!tpu.dma_semaphore, #tpu.memory_space<semaphore_mem>>
    %dma_start3A_61 = tpu.memref_squeeze %dma_start3A_60 : memref<1x!tpu.dma_semaphore, #tpu.memory_space<semaphore_mem>> -> memref<!tpu.dma_semaphore, #tpu.memory_space<semaphore_mem>>
    tpu.enqueue_indirect_dma source(%dma_start3A_59 : memref<100000x128xf32, #tpu.memory_space<hbm>>) target(%dma_start3A_53 : memref<64x128xf32, #tpu.memory_space<vmem>>) offsets(%dma_start3A_56 : memref<64xi32, #tpu.memory_space<vmem>>) semaphore(%dma_start3A_61 : memref<!tpu.dma_semaphore, #tpu.memory_space<semaphore_mem>>)
    %dma_start3A_62 = arith.constant 4 : i32
    %dma_start3A_63 = arith.constant 4 : i32
    %dma_start3A_64 = arith.constant 4 : i32
    %dma_start3A_65 = arith.constant 0 : i32
    %dma_start3A_66 = arith.constant 0 : i32
    %dma_start3A_67 = tpu.memref_slice %arg6[%dma_start3A_63, %dma_start3A_65, %dma_start3A_66] : memref<10x64x128xf32, #tpu.memory_space<vmem>> -> memref<1x64x128xf32, #tpu.memory_space<vmem>>
    %dma_start3A_68 = tpu.memref_squeeze %dma_start3A_67 : memref<1x64x128xf32, #tpu.memory_space<vmem>> -> memref<64x128xf32, #tpu.memory_space<vmem>>
    %dma_start3A_69 = arith.constant 0 : i32
    %dma_start3A_70 = tpu.memref_slice %arg5[%dma_start3A_62, %dma_start3A_69] : memref<100x64xi32, #tpu.memory_space<vmem>> -> memref<1x64xi32, #tpu.memory_space<vmem>>
    %dma_start3A_71 = tpu.memref_squeeze %dma_start3A_70 : memref<1x64xi32, #tpu.memory_space<vmem>> -> memref<64xi32, #tpu.memory_space<vmem>>
    %dma_start3A_72 = arith.constant 0 : i32
    %dma_start3A_73 = arith.constant 0 : i32
    %dma_start3A_74 = tpu.memref_slice %arg3[%dma_start3A_72, %dma_start3A_73] : memref<100000x128xf32, #tpu.memory_space<hbm>> -> memref<100000x128xf32, #tpu.memory_space<hbm>>
    %dma_start3A_75 = tpu.memref_slice %arg7[%dma_start3A_64] : memref<10x!tpu.dma_semaphore, #tpu.memory_space<semaphore_mem>> -> memref<1x!tpu.dma_semaphore, #tpu.memory_space<semaphore_mem>>
    %dma_start3A_76 = tpu.memref_squeeze %dma_start3A_75 : memref<1x!tpu.dma_semaphore, #tpu.memory_space<semaphore_mem>> -> memref<!tpu.dma_semaphore, #tpu.memory_space<semaphore_mem>>
    tpu.enqueue_indirect_dma source(%dma_start3A_74 : memref<100000x128xf32, #tpu.memory_space<hbm>>) target(%dma_start3A_68 : memref<64x128xf32, #tpu.memory_space<vmem>>) offsets(%dma_start3A_71 : memref<64xi32, #tpu.memory_space<vmem>>) semaphore(%dma_start3A_76 : memref<!tpu.dma_semaphore, #tpu.memory_space<semaphore_mem>>)
    %dma_start3A_77 = arith.constant 5 : i32
    %dma_start3A_78 = arith.constant 5 : i32
    %dma_start3A_79 = arith.constant 5 : i32
    %dma_start3A_80 = arith.constant 0 : i32
    %dma_start3A_81 = arith.constant 0 : i32
    %dma_start3A_82 = tpu.memref_slice %arg6[%dma_start3A_78, %dma_start3A_80, %dma_start3A_81] : memref<10x64x128xf32, #tpu.memory_space<vmem>> -> memref<1x64x128xf32, #tpu.memory_space<vmem>>
    %dma_start3A_83 = tpu.memref_squeeze %dma_start3A_82 : memref<1x64x128xf32, #tpu.memory_space<vmem>> -> memref<64x128xf32, #tpu.memory_space<vmem>>
    %dma_start3A_84 = arith.constant 0 : i32
    %dma_start3A_85 = tpu.memref_slice %arg5[%dma_start3A_77, %dma_start3A_84] : memref<100x64xi32, #tpu.memory_space<vmem>> -> memref<1x64xi32, #tpu.memory_space<vmem>>
    %dma_start3A_86 = tpu.memref_squeeze %dma_start3A_85 : memref<1x64xi32, #tpu.memory_space<vmem>> -> memref<64xi32, #tpu.memory_space<vmem>>
    %dma_start3A_87 = arith.constant 0 : i32
    %dma_start3A_88 = arith.constant 0 : i32
    %dma_start3A_89 = tpu.memref_slice %arg3[%dma_start3A_87, %dma_start3A_88] : memref<100000x128xf32, #tpu.memory_space<hbm>> -> memref<100000x128xf32, #tpu.memory_space<hbm>>
    %dma_start3A_90 = tpu.memref_slice %arg7[%dma_start3A_79] : memref<10x!tpu.dma_semaphore, #tpu.memory_space<semaphore_mem>> -> memref<1x!tpu.dma_semaphore, #tpu.memory_space<semaphore_mem>>
    %dma_start3A_91 = tpu.memref_squeeze %dma_start3A_90 : memref<1x!tpu.dma_semaphore, #tpu.memory_space<semaphore_mem>> -> memref<!tpu.dma_semaphore, #tpu.memory_space<semaphore_mem>>
    tpu.enqueue_indirect_dma source(%dma_start3A_89 : memref<100000x128xf32, #tpu.memory_space<hbm>>) target(%dma_start3A_83 : memref<64x128xf32, #tpu.memory_space<vmem>>) offsets(%dma_start3A_86 : memref<64xi32, #tpu.memory_space<vmem>>) semaphore(%dma_start3A_91 : memref<!tpu.dma_semaphore, #tpu.memory_space<semaphore_mem>>)
    %dma_start3A_92 = arith.constant 6 : i32
    %dma_start3A_93 = arith.constant 6 : i32
    %dma_start3A_94 = arith.constant 6 : i32
    %dma_start3A_95 = arith.constant 0 : i32
    %dma_start3A_96 = arith.constant 0 : i32
    %dma_start3A_97 = tpu.memref_slice %arg6[%dma_start3A_93, %dma_start3A_95, %dma_start3A_96] : memref<10x64x128xf32, #tpu.memory_space<vmem>> -> memref<1x64x128xf32, #tpu.memory_space<vmem>>
    %dma_start3A_98 = tpu.memref_squeeze %dma_start3A_97 : memref<1x64x128xf32, #tpu.memory_space<vmem>> -> memref<64x128xf32, #tpu.memory_space<vmem>>
    %dma_start3A_99 = arith.constant 0 : i32
    %dma_start3A_100 = tpu.memref_slice %arg5[%dma_start3A_92, %dma_start3A_99] : memref<100x64xi32, #tpu.memory_space<vmem>> -> memref<1x64xi32, #tpu.memory_space<vmem>>
    %dma_start3A_101 = tpu.memref_squeeze %dma_start3A_100 : memref<1x64xi32, #tpu.memory_space<vmem>> -> memref<64xi32, #tpu.memory_space<vmem>>
    %dma_start3A_102 = arith.constant 0 : i32
    %dma_start3A_103 = arith.constant 0 : i32
    %dma_start3A_104 = tpu.memref_slice %arg3[%dma_start3A_102, %dma_start3A_103] : memref<100000x128xf32, #tpu.memory_space<hbm>> -> memref<100000x128xf32, #tpu.memory_space<hbm>>
    %dma_start3A_105 = tpu.memref_slice %arg7[%dma_start3A_94] : memref<10x!tpu.dma_semaphore, #tpu.memory_space<semaphore_mem>> -> memref<1x!tpu.dma_semaphore, #tpu.memory_space<semaphore_mem>>
    %dma_start3A_106 = tpu.memref_squeeze %dma_start3A_105 : memref<1x!tpu.dma_semaphore, #tpu.memory_space<semaphore_mem>> -> memref<!tpu.dma_semaphore, #tpu.memory_space<semaphore_mem>>
    tpu.enqueue_indirect_dma source(%dma_start3A_104 : memref<100000x128xf32, #tpu.memory_space<hbm>>) target(%dma_start3A_98 : memref<64x128xf32, #tpu.memory_space<vmem>>) offsets(%dma_start3A_101 : memref<64xi32, #tpu.memory_space<vmem>>) semaphore(%dma_start3A_106 : memref<!tpu.dma_semaphore, #tpu.memory_space<semaphore_mem>>)
    %dma_start3A_107 = arith.constant 7 : i32
    %dma_start3A_108 = arith.constant 7 : i32
    %dma_start3A_109 = arith.constant 7 : i32
    %dma_start3A_110 = arith.constant 0 : i32
    %dma_start3A_111 = arith.constant 0 : i32
    %dma_start3A_112 = tpu.memref_slice %arg6[%dma_start3A_108, %dma_start3A_110, %dma_start3A_111] : memref<10x64x128xf32, #tpu.memory_space<vmem>> -> memref<1x64x128xf32, #tpu.memory_space<vmem>>
    %dma_start3A_113 = tpu.memref_squeeze %dma_start3A_112 : memref<1x64x128xf32, #tpu.memory_space<vmem>> -> memref<64x128xf32, #tpu.memory_space<vmem>>
    %dma_start3A_114 = arith.constant 0 : i32
    %dma_start3A_115 = tpu.memref_slice %arg5[%dma_start3A_107, %dma_start3A_114] : memref<100x64xi32, #tpu.memory_space<vmem>> -> memref<1x64xi32, #tpu.memory_space<vmem>>
    %dma_start3A_116 = tpu.memref_squeeze %dma_start3A_115 : memref<1x64xi32, #tpu.memory_space<vmem>> -> memref<64xi32, #tpu.memory_space<vmem>>
    %dma_start3A_117 = arith.constant 0 : i32
    %dma_start3A_118 = arith.constant 0 : i32
    %dma_start3A_119 = tpu.memref_slice %arg3[%dma_start3A_117, %dma_start3A_118] : memref<100000x128xf32, #tpu.memory_space<hbm>> -> memref<100000x128xf32, #tpu.memory_space<hbm>>
    %dma_start3A_120 = tpu.memref_slice %arg7[%dma_start3A_109] : memref<10x!tpu.dma_semaphore, #tpu.memory_space<semaphore_mem>> -> memref<1x!tpu.dma_semaphore, #tpu.memory_space<semaphore_mem>>
    %dma_start3A_121 = tpu.memref_squeeze %dma_start3A_120 : memref<1x!tpu.dma_semaphore, #tpu.memory_space<semaphore_mem>> -> memref<!tpu.dma_semaphore, #tpu.memory_space<semaphore_mem>>
    tpu.enqueue_indirect_dma source(%dma_start3A_119 : memref<100000x128xf32, #tpu.memory_space<hbm>>) target(%dma_start3A_113 : memref<64x128xf32, #tpu.memory_space<vmem>>) offsets(%dma_start3A_116 : memref<64xi32, #tpu.memory_space<vmem>>) semaphore(%dma_start3A_121 : memref<!tpu.dma_semaphore, #tpu.memory_space<semaphore_mem>>)
    %dma_start3A_122 = arith.constant 8 : i32
    %dma_start3A_123 = arith.constant 8 : i32
    %dma_start3A_124 = arith.constant 8 : i32
    %dma_start3A_125 = arith.constant 0 : i32
    %dma_start3A_126 = arith.constant 0 : i32
    %dma_start3A_127 = tpu.memref_slice %arg6[%dma_start3A_123, %dma_start3A_125, %dma_start3A_126] : memref<10x64x128xf32, #tpu.memory_space<vmem>> -> memref<1x64x128xf32, #tpu.memory_space<vmem>>
    %dma_start3A_128 = tpu.memref_squeeze %dma_start3A_127 : memref<1x64x128xf32, #tpu.memory_space<vmem>> -> memref<64x128xf32, #tpu.memory_space<vmem>>
    %dma_start3A_129 = arith.constant 0 : i32
    %dma_start3A_130 = tpu.memref_slice %arg5[%dma_start3A_122, %dma_start3A_129] : memref<100x64xi32, #tpu.memory_space<vmem>> -> memref<1x64xi32, #tpu.memory_space<vmem>>
    %dma_start3A_131 = tpu.memref_squeeze %dma_start3A_130 : memref<1x64xi32, #tpu.memory_space<vmem>> -> memref<64xi32, #tpu.memory_space<vmem>>
    %dma_start3A_132 = arith.constant 0 : i32
    %dma_start3A_133 = arith.constant 0 : i32
    %dma_start3A_134 = tpu.memref_slice %arg3[%dma_start3A_132, %dma_start3A_133] : memref<100000x128xf32, #tpu.memory_space<hbm>> -> memref<100000x128xf32, #tpu.memory_space<hbm>>
    %dma_start3A_135 = tpu.memref_slice %arg7[%dma_start3A_124] : memref<10x!tpu.dma_semaphore, #tpu.memory_space<semaphore_mem>> -> memref<1x!tpu.dma_semaphore, #tpu.memory_space<semaphore_mem>>
    %dma_start3A_136 = tpu.memref_squeeze %dma_start3A_135 : memref<1x!tpu.dma_semaphore, #tpu.memory_space<semaphore_mem>> -> memref<!tpu.dma_semaphore, #tpu.memory_space<semaphore_mem>>
    tpu.enqueue_indirect_dma source(%dma_start3A_134 : memref<100000x128xf32, #tpu.memory_space<hbm>>) target(%dma_start3A_128 : memref<64x128xf32, #tpu.memory_space<vmem>>) offsets(%dma_start3A_131 : memref<64xi32, #tpu.memory_space<vmem>>) semaphore(%dma_start3A_136 : memref<!tpu.dma_semaphore, #tpu.memory_space<semaphore_mem>>)
    %dma_start3A_137 = arith.constant 9 : i32
    %dma_start3A_138 = arith.constant 9 : i32
    %dma_start3A_139 = arith.constant 9 : i32
    %dma_start3A_140 = arith.constant 0 : i32
    %dma_start3A_141 = arith.constant 0 : i32
    %dma_start3A_142 = tpu.memref_slice %arg6[%dma_start3A_138, %dma_start3A_140, %dma_start3A_141] : memref<10x64x128xf32, #tpu.memory_space<vmem>> -> memref<1x64x128xf32, #tpu.memory_space<vmem>>
    %dma_start3A_143 = tpu.memref_squeeze %dma_start3A_142 : memref<1x64x128xf32, #tpu.memory_space<vmem>> -> memref<64x128xf32, #tpu.memory_space<vmem>>
    %dma_start3A_144 = arith.constant 0 : i32
    %dma_start3A_145 = tpu.memref_slice %arg5[%dma_start3A_137, %dma_start3A_144] : memref<100x64xi32, #tpu.memory_space<vmem>> -> memref<1x64xi32, #tpu.memory_space<vmem>>
    %dma_start3A_146 = tpu.memref_squeeze %dma_start3A_145 : memref<1x64xi32, #tpu.memory_space<vmem>> -> memref<64xi32, #tpu.memory_space<vmem>>
    %dma_start3A_147 = arith.constant 0 : i32
    %dma_start3A_148 = arith.constant 0 : i32
    %dma_start3A_149 = tpu.memref_slice %arg3[%dma_start3A_147, %dma_start3A_148] : memref<100000x128xf32, #tpu.memory_space<hbm>> -> memref<100000x128xf32, #tpu.memory_space<hbm>>
    %dma_start3A_150 = tpu.memref_slice %arg7[%dma_start3A_139] : memref<10x!tpu.dma_semaphore, #tpu.memory_space<semaphore_mem>> -> memref<1x!tpu.dma_semaphore, #tpu.memory_space<semaphore_mem>>
    %dma_start3A_151 = tpu.memref_squeeze %dma_start3A_150 : memref<1x!tpu.dma_semaphore, #tpu.memory_space<semaphore_mem>> -> memref<!tpu.dma_semaphore, #tpu.memory_space<semaphore_mem>>
    tpu.enqueue_indirect_dma source(%dma_start3A_149 : memref<100000x128xf32, #tpu.memory_space<hbm>>) target(%dma_start3A_143 : memref<64x128xf32, #tpu.memory_space<vmem>>) offsets(%dma_start3A_146 : memref<64xi32, #tpu.memory_space<vmem>>) semaphore(%dma_start3A_151 : memref<!tpu.dma_semaphore, #tpu.memory_space<semaphore_mem>>)
    %dma_wait3A = arith.constant 0 : i32
    %dma_wait3A_152 = arith.constant 0 : i32
    %dma_wait3A_153 = arith.constant 0 : i32
    %dma_wait3A_154 = arith.constant 0 : i32
    %dma_wait3A_155 = tpu.memref_slice %arg6[%dma_wait3A, %dma_wait3A_153, %dma_wait3A_154] : memref<10x64x128xf32, #tpu.memory_space<vmem>> -> memref<1x64x128xf32, #tpu.memory_space<vmem>>
    %dma_wait3A_156 = tpu.memref_squeeze %dma_wait3A_155 : memref<1x64x128xf32, #tpu.memory_space<vmem>> -> memref<64x128xf32, #tpu.memory_space<vmem>>
    %dma_wait3A_157 = arith.constant 0 : i32
    %dma_wait3A_158 = arith.constant 0 : i32
    %dma_wait3A_159 = tpu.memref_slice %arg3[%dma_wait3A_157, %dma_wait3A_158] : memref<100000x128xf32, #tpu.memory_space<hbm>> -> memref<64x128xf32, #tpu.memory_space<hbm>>
    %dma_wait3A_160 = tpu.memref_slice %arg7[%dma_wait3A_152] : memref<10x!tpu.dma_semaphore, #tpu.memory_space<semaphore_mem>> -> memref<1x!tpu.dma_semaphore, #tpu.memory_space<semaphore_mem>>
    %dma_wait3A_161 = tpu.memref_squeeze %dma_wait3A_160 : memref<1x!tpu.dma_semaphore, #tpu.memory_space<semaphore_mem>> -> memref<!tpu.dma_semaphore, #tpu.memory_space<semaphore_mem>>
    %dma_wait3A_162 = arith.constant 0 : i32
    %dma_wait3A_163 = arith.constant 0 : i32
    %dma_wait3A_164 = tpu.memref_slice %arg6[%dma_wait3A, %dma_wait3A_162, %dma_wait3A_163] : memref<10x64x128xf32, #tpu.memory_space<vmem>> -> memref<1x64x128xf32, #tpu.memory_space<vmem>>
    %dma_wait3A_165 = tpu.memref_squeeze %dma_wait3A_164 : memref<1x64x128xf32, #tpu.memory_space<vmem>> -> memref<64x128xf32, #tpu.memory_space<vmem>>
    %dma_wait3A_166 = arith.constant 0 : i32
    %dma_wait3A_167 = arith.constant 0 : i32
    %dma_wait3A_168 = tpu.memref_slice %arg3[%dma_wait3A_166, %dma_wait3A_167] : memref<100000x128xf32, #tpu.memory_space<hbm>> -> memref<64x128xf32, #tpu.memory_space<hbm>>
    tpu.wait_dma2 semaphore(%dma_wait3A_161 : memref<!tpu.dma_semaphore, #tpu.memory_space<semaphore_mem>>) src(%dma_wait3A_168 : memref<64x128xf32, #tpu.memory_space<hbm>>) dst(%dma_wait3A_165 : memref<64x128xf32, #tpu.memory_space<vmem>>)
    %add3A_169 = arith.constant 0 : i32
    %add3A_170 = arith.addi %mul3A_2, %add3A_169 : i32
    %dma_start3A_171 = arith.constant 0 : i32
    %dma_start3A_172 = arith.constant 0 : i32
    %dma_start3A_173 = arith.constant 0 : i32
    %dma_start3A_174 = arith.constant 0 : i32
    %dma_start3A_175 = tpu.memref_slice %arg6[%dma_start3A_171, %dma_start3A_173, %dma_start3A_174] : memref<10x64x128xf32, #tpu.memory_space<vmem>> -> memref<1x64x128xf32, #tpu.memory_space<vmem>>
    %dma_start3A_176 = tpu.memref_squeeze %dma_start3A_175 : memref<1x64x128xf32, #tpu.memory_space<vmem>> -> memref<64x128xf32, #tpu.memory_space<vmem>>
    %dma_start3A_177 = arith.constant 0 : i32
    %dma_start3A_178 = tpu.memref_slice %arg4[%add3A_170, %dma_start3A_177] : memref<204800x128xf32, #tpu.memory_space<hbm>> -> memref<64x128xf32, #tpu.memory_space<hbm>>
    %dma_start3A_179 = tpu.memref_slice %arg8[%dma_start3A_172] : memref<10x!tpu.dma_semaphore, #tpu.memory_space<semaphore_mem>> -> memref<1x!tpu.dma_semaphore, #tpu.memory_space<semaphore_mem>>
    %dma_start3A_180 = tpu.memref_squeeze %dma_start3A_179 : memref<1x!tpu.dma_semaphore, #tpu.memory_space<semaphore_mem>> -> memref<!tpu.dma_semaphore, #tpu.memory_space<semaphore_mem>>
    %dma_start3A_181 = arith.constant 0 : i32
    %dma_start3A_182 = tpu.memref_slice %arg4[%add3A_170, %dma_start3A_181] : memref<204800x128xf32, #tpu.memory_space<hbm>> -> memref<64x128xf32, #tpu.memory_space<hbm>>
    %dma_start3A_183 = arith.constant 0 : i32
    %dma_start3A_184 = arith.constant 0 : i32
    %dma_start3A_185 = tpu.memref_slice %arg6[%dma_start3A_171, %dma_start3A_183, %dma_start3A_184] : memref<10x64x128xf32, #tpu.memory_space<vmem>> -> memref<1x64x128xf32, #tpu.memory_space<vmem>>
    %dma_start3A_186 = tpu.memref_squeeze %dma_start3A_185 : memref<1x64x128xf32, #tpu.memory_space<vmem>> -> memref<64x128xf32, #tpu.memory_space<vmem>>
    tpu.enqueue_dma source(%dma_start3A_186 : memref<64x128xf32, #tpu.memory_space<vmem>>) target(%dma_start3A_182 : memref<64x128xf32, #tpu.memory_space<hbm>>) target_semaphore(%dma_start3A_180 : memref<!tpu.dma_semaphore, #tpu.memory_space<semaphore_mem>>)
    %scan3A = arith.constant 0 : i32
    %scan3A_187 = arith.constant 9 : i32
    %scan3A_188 = arith.addi %scan3A, %scan3A_187 : i32
    %scan3A_189 = arith.constant 1 : i32
    scf.for %scan3A_695 = %scan3A to %scan3A_188 step %scan3A_189  : i32 {
      %mul3A_696 = arith.constant 10 : i32
      %mul3A_697 = arith.muli %scan3A_695, %mul3A_696 : i32
      %add3A_698 = arith.constant 10 : i32
      %add3A_699 = arith.addi %add3A_698, %mul3A_697 : i32
      %add3A_700 = arith.constant 0 : i32
      %add3A_701 = arith.addi %add3A_699, %add3A_700 : i32
      %dma_wait3A_702 = arith.constant 0 : i32
      %dma_wait3A_703 = arith.constant 0 : i32
      %dma_wait3A_704 = arith.constant 0 : i32
      %dma_wait3A_705 = arith.constant 0 : i32
      %dma_wait3A_706 = tpu.memref_slice %arg6[%dma_wait3A_702, %dma_wait3A_704, %dma_wait3A_705] : memref<10x64x128xf32, #tpu.memory_space<vmem>> -> memref<1x64x128xf32, #tpu.memory_space<vmem>>
      %dma_wait3A_707 = tpu.memref_squeeze %dma_wait3A_706 : memref<1x64x128xf32, #tpu.memory_space<vmem>> -> memref<64x128xf32, #tpu.memory_space<vmem>>
      %dma_wait3A_708 = arith.constant 0 : i32
      %dma_wait3A_709 = arith.constant 0 : i32
      %dma_wait3A_710 = tpu.memref_slice %arg3[%dma_wait3A_708, %dma_wait3A_709] : memref<100000x128xf32, #tpu.memory_space<hbm>> -> memref<64x128xf32, #tpu.memory_space<hbm>>
      %dma_wait3A_711 = tpu.memref_slice %arg8[%dma_wait3A_703] : memref<10x!tpu.dma_semaphore, #tpu.memory_space<semaphore_mem>> -> memref<1x!tpu.dma_semaphore, #tpu.memory_space<semaphore_mem>>
      %dma_wait3A_712 = tpu.memref_squeeze %dma_wait3A_711 : memref<1x!tpu.dma_semaphore, #tpu.memory_space<semaphore_mem>> -> memref<!tpu.dma_semaphore, #tpu.memory_space<semaphore_mem>>
      %dma_wait3A_713 = arith.constant 0 : i32
      %dma_wait3A_714 = arith.constant 0 : i32
      %dma_wait3A_715 = tpu.memref_slice %arg6[%dma_wait3A_702, %dma_wait3A_713, %dma_wait3A_714] : memref<10x64x128xf32, #tpu.memory_space<vmem>> -> memref<1x64x128xf32, #tpu.memory_space<vmem>>
      %dma_wait3A_716 = tpu.memref_squeeze %dma_wait3A_715 : memref<1x64x128xf32, #tpu.memory_space<vmem>> -> memref<64x128xf32, #tpu.memory_space<vmem>>
      %dma_wait3A_717 = arith.constant 0 : i32
      %dma_wait3A_718 = arith.constant 0 : i32
      %dma_wait3A_719 = tpu.memref_slice %arg3[%dma_wait3A_717, %dma_wait3A_718] : memref<100000x128xf32, #tpu.memory_space<hbm>> -> memref<64x128xf32, #tpu.memory_space<hbm>>
      tpu.wait_dma2 semaphore(%dma_wait3A_712 : memref<!tpu.dma_semaphore, #tpu.memory_space<semaphore_mem>>) src(%dma_wait3A_719 : memref<64x128xf32, #tpu.memory_space<hbm>>) dst(%dma_wait3A_716 : memref<64x128xf32, #tpu.memory_space<vmem>>)
      %dma_start3A_720 = arith.constant 0 : i32
      %dma_start3A_721 = arith.constant 0 : i32
      %dma_start3A_722 = arith.constant 0 : i32
      %dma_start3A_723 = arith.constant 0 : i32
      %dma_start3A_724 = tpu.memref_slice %arg6[%dma_start3A_720, %dma_start3A_722, %dma_start3A_723] : memref<10x64x128xf32, #tpu.memory_space<vmem>> -> memref<1x64x128xf32, #tpu.memory_space<vmem>>
      %dma_start3A_725 = tpu.memref_squeeze %dma_start3A_724 : memref<1x64x128xf32, #tpu.memory_space<vmem>> -> memref<64x128xf32, #tpu.memory_space<vmem>>
      %dma_start3A_726 = arith.constant 0 : i32
      %dma_start3A_727 = tpu.memref_slice %arg5[%add3A_701, %dma_start3A_726] : memref<100x64xi32, #tpu.memory_space<vmem>> -> memref<1x64xi32, #tpu.memory_space<vmem>>
      %dma_start3A_728 = tpu.memref_squeeze %dma_start3A_727 : memref<1x64xi32, #tpu.memory_space<vmem>> -> memref<64xi32, #tpu.memory_space<vmem>>
      %dma_start3A_729 = arith.constant 0 : i32
      %dma_start3A_730 = arith.constant 0 : i32
      %dma_start3A_731 = tpu.memref_slice %arg3[%dma_start3A_729, %dma_start3A_730] : memref<100000x128xf32, #tpu.memory_space<hbm>> -> memref<100000x128xf32, #tpu.memory_space<hbm>>
      %dma_start3A_732 = tpu.memref_slice %arg7[%dma_start3A_721] : memref<10x!tpu.dma_semaphore, #tpu.memory_space<semaphore_mem>> -> memref<1x!tpu.dma_semaphore, #tpu.memory_space<semaphore_mem>>
      %dma_start3A_733 = tpu.memref_squeeze %dma_start3A_732 : memref<1x!tpu.dma_semaphore, #tpu.memory_space<semaphore_mem>> -> memref<!tpu.dma_semaphore, #tpu.memory_space<semaphore_mem>>
      tpu.enqueue_indirect_dma source(%dma_start3A_731 : memref<100000x128xf32, #tpu.memory_space<hbm>>) target(%dma_start3A_725 : memref<64x128xf32, #tpu.memory_space<vmem>>) offsets(%dma_start3A_728 : memref<64xi32, #tpu.memory_space<vmem>>) semaphore(%dma_start3A_733 : memref<!tpu.dma_semaphore, #tpu.memory_space<semaphore_mem>>)
      %dma_wait3A_734 = arith.constant 1 : i32
      %dma_wait3A_735 = arith.constant 1 : i32
      %dma_wait3A_736 = arith.constant 0 : i32
      %dma_wait3A_737 = arith.constant 0 : i32
      %dma_wait3A_738 = tpu.memref_slice %arg6[%dma_wait3A_734, %dma_wait3A_736, %dma_wait3A_737] : memref<10x64x128xf32, #tpu.memory_space<vmem>> -> memref<1x64x128xf32, #tpu.memory_space<vmem>>
      %dma_wait3A_739 = tpu.memref_squeeze %dma_wait3A_738 : memref<1x64x128xf32, #tpu.memory_space<vmem>> -> memref<64x128xf32, #tpu.memory_space<vmem>>
      %dma_wait3A_740 = arith.constant 0 : i32
      %dma_wait3A_741 = arith.constant 0 : i32
      %dma_wait3A_742 = tpu.memref_slice %arg3[%dma_wait3A_740, %dma_wait3A_741] : memref<100000x128xf32, #tpu.memory_space<hbm>> -> memref<64x128xf32, #tpu.memory_space<hbm>>
      %dma_wait3A_743 = tpu.memref_slice %arg7[%dma_wait3A_735] : memref<10x!tpu.dma_semaphore, #tpu.memory_space<semaphore_mem>> -> memref<1x!tpu.dma_semaphore, #tpu.memory_space<semaphore_mem>>
      %dma_wait3A_744 = tpu.memref_squeeze %dma_wait3A_743 : memref<1x!tpu.dma_semaphore, #tpu.memory_space<semaphore_mem>> -> memref<!tpu.dma_semaphore, #tpu.memory_space<semaphore_mem>>
      %dma_wait3A_745 = arith.constant 0 : i32
      %dma_wait3A_746 = arith.constant 0 : i32
      %dma_wait3A_747 = tpu.memref_slice %arg6[%dma_wait3A_734, %dma_wait3A_745, %dma_wait3A_746] : memref<10x64x128xf32, #tpu.memory_space<vmem>> -> memref<1x64x128xf32, #tpu.memory_space<vmem>>
      %dma_wait3A_748 = tpu.memref_squeeze %dma_wait3A_747 : memref<1x64x128xf32, #tpu.memory_space<vmem>> -> memref<64x128xf32, #tpu.memory_space<vmem>>
      %dma_wait3A_749 = arith.constant 0 : i32
      %dma_wait3A_750 = arith.constant 0 : i32
      %dma_wait3A_751 = tpu.memref_slice %arg3[%dma_wait3A_749, %dma_wait3A_750] : memref<100000x128xf32, #tpu.memory_space<hbm>> -> memref<64x128xf32, #tpu.memory_space<hbm>>
      tpu.wait_dma2 semaphore(%dma_wait3A_744 : memref<!tpu.dma_semaphore, #tpu.memory_space<semaphore_mem>>) src(%dma_wait3A_751 : memref<64x128xf32, #tpu.memory_space<hbm>>) dst(%dma_wait3A_748 : memref<64x128xf32, #tpu.memory_space<vmem>>)
      %sub3A = arith.constant 9 : i32
      %sub3A_752 = arith.subi %add3A_701, %sub3A : i32
      %mul3A_753 = arith.constant 64 : i32
      %mul3A_754 = arith.muli %sub3A_752, %mul3A_753 : i32
      %add3A_755 = arith.addi %mul3A_2, %mul3A_754 : i32
      %dma_start3A_756 = arith.constant 1 : i32
      %dma_start3A_757 = arith.constant 1 : i32
      %dma_start3A_758 = arith.constant 0 : i32
      %dma_start3A_759 = arith.constant 0 : i32
      %dma_start3A_760 = tpu.memref_slice %arg6[%dma_start3A_756, %dma_start3A_758, %dma_start3A_759] : memref<10x64x128xf32, #tpu.memory_space<vmem>> -> memref<1x64x128xf32, #tpu.memory_space<vmem>>
      %dma_start3A_761 = tpu.memref_squeeze %dma_start3A_760 : memref<1x64x128xf32, #tpu.memory_space<vmem>> -> memref<64x128xf32, #tpu.memory_space<vmem>>
      %dma_start3A_762 = arith.constant 0 : i32
      %dma_start3A_763 = tpu.memref_slice %arg4[%add3A_755, %dma_start3A_762] : memref<204800x128xf32, #tpu.memory_space<hbm>> -> memref<64x128xf32, #tpu.memory_space<hbm>>
      %dma_start3A_764 = tpu.memref_slice %arg8[%dma_start3A_757] : memref<10x!tpu.dma_semaphore, #tpu.memory_space<semaphore_mem>> -> memref<1x!tpu.dma_semaphore, #tpu.memory_space<semaphore_mem>>
      %dma_start3A_765 = tpu.memref_squeeze %dma_start3A_764 : memref<1x!tpu.dma_semaphore, #tpu.memory_space<semaphore_mem>> -> memref<!tpu.dma_semaphore, #tpu.memory_space<semaphore_mem>>
      %dma_start3A_766 = arith.constant 0 : i32
      %dma_start3A_767 = tpu.memref_slice %arg4[%add3A_755, %dma_start3A_766] : memref<204800x128xf32, #tpu.memory_space<hbm>> -> memref<64x128xf32, #tpu.memory_space<hbm>>
      %dma_start3A_768 = arith.constant 0 : i32
      %dma_start3A_769 = arith.constant 0 : i32
      %dma_start3A_770 = tpu.memref_slice %arg6[%dma_start3A_756, %dma_start3A_768, %dma_start3A_769] : memref<10x64x128xf32, #tpu.memory_space<vmem>> -> memref<1x64x128xf32, #tpu.memory_space<vmem>>
      %dma_start3A_771 = tpu.memref_squeeze %dma_start3A_770 : memref<1x64x128xf32, #tpu.memory_space<vmem>> -> memref<64x128xf32, #tpu.memory_space<vmem>>
      tpu.enqueue_dma source(%dma_start3A_771 : memref<64x128xf32, #tpu.memory_space<vmem>>) target(%dma_start3A_767 : memref<64x128xf32, #tpu.memory_space<hbm>>) target_semaphore(%dma_start3A_765 : memref<!tpu.dma_semaphore, #tpu.memory_space<semaphore_mem>>)
      %add3A_772 = arith.constant 1 : i32
      %add3A_773 = arith.addi %add3A_699, %add3A_772 : i32
      %dma_wait3A_774 = arith.constant 1 : i32
      %dma_wait3A_775 = arith.constant 1 : i32
      %dma_wait3A_776 = arith.constant 0 : i32
      %dma_wait3A_777 = arith.constant 0 : i32
      %dma_wait3A_778 = tpu.memref_slice %arg6[%dma_wait3A_774, %dma_wait3A_776, %dma_wait3A_777] : memref<10x64x128xf32, #tpu.memory_space<vmem>> -> memref<1x64x128xf32, #tpu.memory_space<vmem>>
      %dma_wait3A_779 = tpu.memref_squeeze %dma_wait3A_778 : memref<1x64x128xf32, #tpu.memory_space<vmem>> -> memref<64x128xf32, #tpu.memory_space<vmem>>
      %dma_wait3A_780 = arith.constant 0 : i32
      %dma_wait3A_781 = arith.constant 0 : i32
      %dma_wait3A_782 = tpu.memref_slice %arg3[%dma_wait3A_780, %dma_wait3A_781] : memref<100000x128xf32, #tpu.memory_space<hbm>> -> memref<64x128xf32, #tpu.memory_space<hbm>>
      %dma_wait3A_783 = tpu.memref_slice %arg8[%dma_wait3A_775] : memref<10x!tpu.dma_semaphore, #tpu.memory_space<semaphore_mem>> -> memref<1x!tpu.dma_semaphore, #tpu.memory_space<semaphore_mem>>
      %dma_wait3A_784 = tpu.memref_squeeze %dma_wait3A_783 : memref<1x!tpu.dma_semaphore, #tpu.memory_space<semaphore_mem>> -> memref<!tpu.dma_semaphore, #tpu.memory_space<semaphore_mem>>
      %dma_wait3A_785 = arith.constant 0 : i32
      %dma_wait3A_786 = arith.constant 0 : i32
      %dma_wait3A_787 = tpu.memref_slice %arg6[%dma_wait3A_774, %dma_wait3A_785, %dma_wait3A_786] : memref<10x64x128xf32, #tpu.memory_space<vmem>> -> memref<1x64x128xf32, #tpu.memory_space<vmem>>
      %dma_wait3A_788 = tpu.memref_squeeze %dma_wait3A_787 : memref<1x64x128xf32, #tpu.memory_space<vmem>> -> memref<64x128xf32, #tpu.memory_space<vmem>>
      %dma_wait3A_789 = arith.constant 0 : i32
      %dma_wait3A_790 = arith.constant 0 : i32
      %dma_wait3A_791 = tpu.memref_slice %arg3[%dma_wait3A_789, %dma_wait3A_790] : memref<100000x128xf32, #tpu.memory_space<hbm>> -> memref<64x128xf32, #tpu.memory_space<hbm>>
      tpu.wait_dma2 semaphore(%dma_wait3A_784 : memref<!tpu.dma_semaphore, #tpu.memory_space<semaphore_mem>>) src(%dma_wait3A_791 : memref<64x128xf32, #tpu.memory_space<hbm>>) dst(%dma_wait3A_788 : memref<64x128xf32, #tpu.memory_space<vmem>>)
      %dma_start3A_792 = arith.constant 1 : i32
      %dma_start3A_793 = arith.constant 1 : i32
      %dma_start3A_794 = arith.constant 0 : i32
      %dma_start3A_795 = arith.constant 0 : i32
      %dma_start3A_796 = tpu.memref_slice %arg6[%dma_start3A_792, %dma_start3A_794, %dma_start3A_795] : memref<10x64x128xf32, #tpu.memory_space<vmem>> -> memref<1x64x128xf32, #tpu.memory_space<vmem>>
      %dma_start3A_797 = tpu.memref_squeeze %dma_start3A_796 : memref<1x64x128xf32, #tpu.memory_space<vmem>> -> memref<64x128xf32, #tpu.memory_space<vmem>>
      %dma_start3A_798 = arith.constant 0 : i32
      %dma_start3A_799 = tpu.memref_slice %arg5[%add3A_773, %dma_start3A_798] : memref<100x64xi32, #tpu.memory_space<vmem>> -> memref<1x64xi32, #tpu.memory_space<vmem>>
      %dma_start3A_800 = tpu.memref_squeeze %dma_start3A_799 : memref<1x64xi32, #tpu.memory_space<vmem>> -> memref<64xi32, #tpu.memory_space<vmem>>
      %dma_start3A_801 = arith.constant 0 : i32
      %dma_start3A_802 = arith.constant 0 : i32
      %dma_start3A_803 = tpu.memref_slice %arg3[%dma_start3A_801, %dma_start3A_802] : memref<100000x128xf32, #tpu.memory_space<hbm>> -> memref<100000x128xf32, #tpu.memory_space<hbm>>
      %dma_start3A_804 = tpu.memref_slice %arg7[%dma_start3A_793] : memref<10x!tpu.dma_semaphore, #tpu.memory_space<semaphore_mem>> -> memref<1x!tpu.dma_semaphore, #tpu.memory_space<semaphore_mem>>
      %dma_start3A_805 = tpu.memref_squeeze %dma_start3A_804 : memref<1x!tpu.dma_semaphore, #tpu.memory_space<semaphore_mem>> -> memref<!tpu.dma_semaphore, #tpu.memory_space<semaphore_mem>>
      tpu.enqueue_indirect_dma source(%dma_start3A_803 : memref<100000x128xf32, #tpu.memory_space<hbm>>) target(%dma_start3A_797 : memref<64x128xf32, #tpu.memory_space<vmem>>) offsets(%dma_start3A_800 : memref<64xi32, #tpu.memory_space<vmem>>) semaphore(%dma_start3A_805 : memref<!tpu.dma_semaphore, #tpu.memory_space<semaphore_mem>>)
      %dma_wait3A_806 = arith.constant 2 : i32
      %dma_wait3A_807 = arith.constant 2 : i32
      %dma_wait3A_808 = arith.constant 0 : i32
      %dma_wait3A_809 = arith.constant 0 : i32
      %dma_wait3A_810 = tpu.memref_slice %arg6[%dma_wait3A_806, %dma_wait3A_808, %dma_wait3A_809] : memref<10x64x128xf32, #tpu.memory_space<vmem>> -> memref<1x64x128xf32, #tpu.memory_space<vmem>>
      %dma_wait3A_811 = tpu.memref_squeeze %dma_wait3A_810 : memref<1x64x128xf32, #tpu.memory_space<vmem>> -> memref<64x128xf32, #tpu.memory_space<vmem>>
      %dma_wait3A_812 = arith.constant 0 : i32
      %dma_wait3A_813 = arith.constant 0 : i32
      %dma_wait3A_814 = tpu.memref_slice %arg3[%dma_wait3A_812, %dma_wait3A_813] : memref<100000x128xf32, #tpu.memory_space<hbm>> -> memref<64x128xf32, #tpu.memory_space<hbm>>
      %dma_wait3A_815 = tpu.memref_slice %arg7[%dma_wait3A_807] : memref<10x!tpu.dma_semaphore, #tpu.memory_space<semaphore_mem>> -> memref<1x!tpu.dma_semaphore, #tpu.memory_space<semaphore_mem>>
      %dma_wait3A_816 = tpu.memref_squeeze %dma_wait3A_815 : memref<1x!tpu.dma_semaphore, #tpu.memory_space<semaphore_mem>> -> memref<!tpu.dma_semaphore, #tpu.memory_space<semaphore_mem>>
      %dma_wait3A_817 = arith.constant 0 : i32
      %dma_wait3A_818 = arith.constant 0 : i32
      %dma_wait3A_819 = tpu.memref_slice %arg6[%dma_wait3A_806, %dma_wait3A_817, %dma_wait3A_818] : memref<10x64x128xf32, #tpu.memory_space<vmem>> -> memref<1x64x128xf32, #tpu.memory_space<vmem>>
      %dma_wait3A_820 = tpu.memref_squeeze %dma_wait3A_819 : memref<1x64x128xf32, #tpu.memory_space<vmem>> -> memref<64x128xf32, #tpu.memory_space<vmem>>
      %dma_wait3A_821 = arith.constant 0 : i32
      %dma_wait3A_822 = arith.constant 0 : i32
      %dma_wait3A_823 = tpu.memref_slice %arg3[%dma_wait3A_821, %dma_wait3A_822] : memref<100000x128xf32, #tpu.memory_space<hbm>> -> memref<64x128xf32, #tpu.memory_space<hbm>>
      tpu.wait_dma2 semaphore(%dma_wait3A_816 : memref<!tpu.dma_semaphore, #tpu.memory_space<semaphore_mem>>) src(%dma_wait3A_823 : memref<64x128xf32, #tpu.memory_space<hbm>>) dst(%dma_wait3A_820 : memref<64x128xf32, #tpu.memory_space<vmem>>)
      %sub3A_824 = arith.constant 9 : i32
      %sub3A_825 = arith.subi %add3A_773, %sub3A_824 : i32
      %mul3A_826 = arith.constant 64 : i32
      %mul3A_827 = arith.muli %sub3A_825, %mul3A_826 : i32
      %add3A_828 = arith.addi %mul3A_2, %mul3A_827 : i32
      %dma_start3A_829 = arith.constant 2 : i32
      %dma_start3A_830 = arith.constant 2 : i32
      %dma_start3A_831 = arith.constant 0 : i32
      %dma_start3A_832 = arith.constant 0 : i32
      %dma_start3A_833 = tpu.memref_slice %arg6[%dma_start3A_829, %dma_start3A_831, %dma_start3A_832] : memref<10x64x128xf32, #tpu.memory_space<vmem>> -> memref<1x64x128xf32, #tpu.memory_space<vmem>>
      %dma_start3A_834 = tpu.memref_squeeze %dma_start3A_833 : memref<1x64x128xf32, #tpu.memory_space<vmem>> -> memref<64x128xf32, #tpu.memory_space<vmem>>
      %dma_start3A_835 = arith.constant 0 : i32
      %dma_start3A_836 = tpu.memref_slice %arg4[%add3A_828, %dma_start3A_835] : memref<204800x128xf32, #tpu.memory_space<hbm>> -> memref<64x128xf32, #tpu.memory_space<hbm>>
      %dma_start3A_837 = tpu.memref_slice %arg8[%dma_start3A_830] : memref<10x!tpu.dma_semaphore, #tpu.memory_space<semaphore_mem>> -> memref<1x!tpu.dma_semaphore, #tpu.memory_space<semaphore_mem>>
      %dma_start3A_838 = tpu.memref_squeeze %dma_start3A_837 : memref<1x!tpu.dma_semaphore, #tpu.memory_space<semaphore_mem>> -> memref<!tpu.dma_semaphore, #tpu.memory_space<semaphore_mem>>
      %dma_start3A_839 = arith.constant 0 : i32
      %dma_start3A_840 = tpu.memref_slice %arg4[%add3A_828, %dma_start3A_839] : memref<204800x128xf32, #tpu.memory_space<hbm>> -> memref<64x128xf32, #tpu.memory_space<hbm>>
      %dma_start3A_841 = arith.constant 0 : i32
      %dma_start3A_842 = arith.constant 0 : i32
      %dma_start3A_843 = tpu.memref_slice %arg6[%dma_start3A_829, %dma_start3A_841, %dma_start3A_842] : memref<10x64x128xf32, #tpu.memory_space<vmem>> -> memref<1x64x128xf32, #tpu.memory_space<vmem>>
      %dma_start3A_844 = tpu.memref_squeeze %dma_start3A_843 : memref<1x64x128xf32, #tpu.memory_space<vmem>> -> memref<64x128xf32, #tpu.memory_space<vmem>>
      tpu.enqueue_dma source(%dma_start3A_844 : memref<64x128xf32, #tpu.memory_space<vmem>>) target(%dma_start3A_840 : memref<64x128xf32, #tpu.memory_space<hbm>>) target_semaphore(%dma_start3A_838 : memref<!tpu.dma_semaphore, #tpu.memory_space<semaphore_mem>>)
      %add3A_845 = arith.constant 2 : i32
      %add3A_846 = arith.addi %add3A_699, %add3A_845 : i32
      %dma_wait3A_847 = arith.constant 2 : i32
      %dma_wait3A_848 = arith.constant 2 : i32
      %dma_wait3A_849 = arith.constant 0 : i32
      %dma_wait3A_850 = arith.constant 0 : i32
      %dma_wait3A_851 = tpu.memref_slice %arg6[%dma_wait3A_847, %dma_wait3A_849, %dma_wait3A_850] : memref<10x64x128xf32, #tpu.memory_space<vmem>> -> memref<1x64x128xf32, #tpu.memory_space<vmem>>
      %dma_wait3A_852 = tpu.memref_squeeze %dma_wait3A_851 : memref<1x64x128xf32, #tpu.memory_space<vmem>> -> memref<64x128xf32, #tpu.memory_space<vmem>>
      %dma_wait3A_853 = arith.constant 0 : i32
      %dma_wait3A_854 = arith.constant 0 : i32
      %dma_wait3A_855 = tpu.memref_slice %arg3[%dma_wait3A_853, %dma_wait3A_854] : memref<100000x128xf32, #tpu.memory_space<hbm>> -> memref<64x128xf32, #tpu.memory_space<hbm>>
      %dma_wait3A_856 = tpu.memref_slice %arg8[%dma_wait3A_848] : memref<10x!tpu.dma_semaphore, #tpu.memory_space<semaphore_mem>> -> memref<1x!tpu.dma_semaphore, #tpu.memory_space<semaphore_mem>>
      %dma_wait3A_857 = tpu.memref_squeeze %dma_wait3A_856 : memref<1x!tpu.dma_semaphore, #tpu.memory_space<semaphore_mem>> -> memref<!tpu.dma_semaphore, #tpu.memory_space<semaphore_mem>>
      %dma_wait3A_858 = arith.constant 0 : i32
      %dma_wait3A_859 = arith.constant 0 : i32
      %dma_wait3A_860 = tpu.memref_slice %arg6[%dma_wait3A_847, %dma_wait3A_858, %dma_wait3A_859] : memref<10x64x128xf32, #tpu.memory_space<vmem>> -> memref<1x64x128xf32, #tpu.memory_space<vmem>>
      %dma_wait3A_861 = tpu.memref_squeeze %dma_wait3A_860 : memref<1x64x128xf32, #tpu.memory_space<vmem>> -> memref<64x128xf32, #tpu.memory_space<vmem>>
      %dma_wait3A_862 = arith.constant 0 : i32
      %dma_wait3A_863 = arith.constant 0 : i32
      %dma_wait3A_864 = tpu.memref_slice %arg3[%dma_wait3A_862, %dma_wait3A_863] : memref<100000x128xf32, #tpu.memory_space<hbm>> -> memref<64x128xf32, #tpu.memory_space<hbm>>
      tpu.wait_dma2 semaphore(%dma_wait3A_857 : memref<!tpu.dma_semaphore, #tpu.memory_space<semaphore_mem>>) src(%dma_wait3A_864 : memref<64x128xf32, #tpu.memory_space<hbm>>) dst(%dma_wait3A_861 : memref<64x128xf32, #tpu.memory_space<vmem>>)
      %dma_start3A_865 = arith.constant 2 : i32
      %dma_start3A_866 = arith.constant 2 : i32
      %dma_start3A_867 = arith.constant 0 : i32
      %dma_start3A_868 = arith.constant 0 : i32
      %dma_start3A_869 = tpu.memref_slice %arg6[%dma_start3A_865, %dma_start3A_867, %dma_start3A_868] : memref<10x64x128xf32, #tpu.memory_space<vmem>> -> memref<1x64x128xf32, #tpu.memory_space<vmem>>
      %dma_start3A_870 = tpu.memref_squeeze %dma_start3A_869 : memref<1x64x128xf32, #tpu.memory_space<vmem>> -> memref<64x128xf32, #tpu.memory_space<vmem>>
      %dma_start3A_871 = arith.constant 0 : i32
      %dma_start3A_872 = tpu.memref_slice %arg5[%add3A_846, %dma_start3A_871] : memref<100x64xi32, #tpu.memory_space<vmem>> -> memref<1x64xi32, #tpu.memory_space<vmem>>
      %dma_start3A_873 = tpu.memref_squeeze %dma_start3A_872 : memref<1x64xi32, #tpu.memory_space<vmem>> -> memref<64xi32, #tpu.memory_space<vmem>>
      %dma_start3A_874 = arith.constant 0 : i32
      %dma_start3A_875 = arith.constant 0 : i32
      %dma_start3A_876 = tpu.memref_slice %arg3[%dma_start3A_874, %dma_start3A_875] : memref<100000x128xf32, #tpu.memory_space<hbm>> -> memref<100000x128xf32, #tpu.memory_space<hbm>>
      %dma_start3A_877 = tpu.memref_slice %arg7[%dma_start3A_866] : memref<10x!tpu.dma_semaphore, #tpu.memory_space<semaphore_mem>> -> memref<1x!tpu.dma_semaphore, #tpu.memory_space<semaphore_mem>>
      %dma_start3A_878 = tpu.memref_squeeze %dma_start3A_877 : memref<1x!tpu.dma_semaphore, #tpu.memory_space<semaphore_mem>> -> memref<!tpu.dma_semaphore, #tpu.memory_space<semaphore_mem>>
      tpu.enqueue_indirect_dma source(%dma_start3A_876 : memref<100000x128xf32, #tpu.memory_space<hbm>>) target(%dma_start3A_870 : memref<64x128xf32, #tpu.memory_space<vmem>>) offsets(%dma_start3A_873 : memref<64xi32, #tpu.memory_space<vmem>>) semaphore(%dma_start3A_878 : memref<!tpu.dma_semaphore, #tpu.memory_space<semaphore_mem>>)
      %dma_wait3A_879 = arith.constant 3 : i32
      %dma_wait3A_880 = arith.constant 3 : i32
      %dma_wait3A_881 = arith.constant 0 : i32
      %dma_wait3A_882 = arith.constant 0 : i32
      %dma_wait3A_883 = tpu.memref_slice %arg6[%dma_wait3A_879, %dma_wait3A_881, %dma_wait3A_882] : memref<10x64x128xf32, #tpu.memory_space<vmem>> -> memref<1x64x128xf32, #tpu.memory_space<vmem>>
      %dma_wait3A_884 = tpu.memref_squeeze %dma_wait3A_883 : memref<1x64x128xf32, #tpu.memory_space<vmem>> -> memref<64x128xf32, #tpu.memory_space<vmem>>
      %dma_wait3A_885 = arith.constant 0 : i32
      %dma_wait3A_886 = arith.constant 0 : i32
      %dma_wait3A_887 = tpu.memref_slice %arg3[%dma_wait3A_885, %dma_wait3A_886] : memref<100000x128xf32, #tpu.memory_space<hbm>> -> memref<64x128xf32, #tpu.memory_space<hbm>>
      %dma_wait3A_888 = tpu.memref_slice %arg7[%dma_wait3A_880] : memref<10x!tpu.dma_semaphore, #tpu.memory_space<semaphore_mem>> -> memref<1x!tpu.dma_semaphore, #tpu.memory_space<semaphore_mem>>
      %dma_wait3A_889 = tpu.memref_squeeze %dma_wait3A_888 : memref<1x!tpu.dma_semaphore, #tpu.memory_space<semaphore_mem>> -> memref<!tpu.dma_semaphore, #tpu.memory_space<semaphore_mem>>
      %dma_wait3A_890 = arith.constant 0 : i32
      %dma_wait3A_891 = arith.constant 0 : i32
      %dma_wait3A_892 = tpu.memref_slice %arg6[%dma_wait3A_879, %dma_wait3A_890, %dma_wait3A_891] : memref<10x64x128xf32, #tpu.memory_space<vmem>> -> memref<1x64x128xf32, #tpu.memory_space<vmem>>
      %dma_wait3A_893 = tpu.memref_squeeze %dma_wait3A_892 : memref<1x64x128xf32, #tpu.memory_space<vmem>> -> memref<64x128xf32, #tpu.memory_space<vmem>>
      %dma_wait3A_894 = arith.constant 0 : i32
      %dma_wait3A_895 = arith.constant 0 : i32
      %dma_wait3A_896 = tpu.memref_slice %arg3[%dma_wait3A_894, %dma_wait3A_895] : memref<100000x128xf32, #tpu.memory_space<hbm>> -> memref<64x128xf32, #tpu.memory_space<hbm>>
      tpu.wait_dma2 semaphore(%dma_wait3A_889 : memref<!tpu.dma_semaphore, #tpu.memory_space<semaphore_mem>>) src(%dma_wait3A_896 : memref<64x128xf32, #tpu.memory_space<hbm>>) dst(%dma_wait3A_893 : memref<64x128xf32, #tpu.memory_space<vmem>>)
      %sub3A_897 = arith.constant 9 : i32
      %sub3A_898 = arith.subi %add3A_846, %sub3A_897 : i32
      %mul3A_899 = arith.constant 64 : i32
      %mul3A_900 = arith.muli %sub3A_898, %mul3A_899 : i32
      %add3A_901 = arith.addi %mul3A_2, %mul3A_900 : i32
      %dma_start3A_902 = arith.constant 3 : i32
      %dma_start3A_903 = arith.constant 3 : i32
      %dma_start3A_904 = arith.constant 0 : i32
      %dma_start3A_905 = arith.constant 0 : i32
      %dma_start3A_906 = tpu.memref_slice %arg6[%dma_start3A_902, %dma_start3A_904, %dma_start3A_905] : memref<10x64x128xf32, #tpu.memory_space<vmem>> -> memref<1x64x128xf32, #tpu.memory_space<vmem>>
      %dma_start3A_907 = tpu.memref_squeeze %dma_start3A_906 : memref<1x64x128xf32, #tpu.memory_space<vmem>> -> memref<64x128xf32, #tpu.memory_space<vmem>>
      %dma_start3A_908 = arith.constant 0 : i32
      %dma_start3A_909 = tpu.memref_slice %arg4[%add3A_901, %dma_start3A_908] : memref<204800x128xf32, #tpu.memory_space<hbm>> -> memref<64x128xf32, #tpu.memory_space<hbm>>
      %dma_start3A_910 = tpu.memref_slice %arg8[%dma_start3A_903] : memref<10x!tpu.dma_semaphore, #tpu.memory_space<semaphore_mem>> -> memref<1x!tpu.dma_semaphore, #tpu.memory_space<semaphore_mem>>
      %dma_start3A_911 = tpu.memref_squeeze %dma_start3A_910 : memref<1x!tpu.dma_semaphore, #tpu.memory_space<semaphore_mem>> -> memref<!tpu.dma_semaphore, #tpu.memory_space<semaphore_mem>>
      %dma_start3A_912 = arith.constant 0 : i32
      %dma_start3A_913 = tpu.memref_slice %arg4[%add3A_901, %dma_start3A_912] : memref<204800x128xf32, #tpu.memory_space<hbm>> -> memref<64x128xf32, #tpu.memory_space<hbm>>
      %dma_start3A_914 = arith.constant 0 : i32
      %dma_start3A_915 = arith.constant 0 : i32
      %dma_start3A_916 = tpu.memref_slice %arg6[%dma_start3A_902, %dma_start3A_914, %dma_start3A_915] : memref<10x64x128xf32, #tpu.memory_space<vmem>> -> memref<1x64x128xf32, #tpu.memory_space<vmem>>
      %dma_start3A_917 = tpu.memref_squeeze %dma_start3A_916 : memref<1x64x128xf32, #tpu.memory_space<vmem>> -> memref<64x128xf32, #tpu.memory_space<vmem>>
      tpu.enqueue_dma source(%dma_start3A_917 : memref<64x128xf32, #tpu.memory_space<vmem>>) target(%dma_start3A_913 : memref<64x128xf32, #tpu.memory_space<hbm>>) target_semaphore(%dma_start3A_911 : memref<!tpu.dma_semaphore, #tpu.memory_space<semaphore_mem>>)
      %add3A_918 = arith.constant 3 : i32
      %add3A_919 = arith.addi %add3A_699, %add3A_918 : i32
      %dma_wait3A_920 = arith.constant 3 : i32
      %dma_wait3A_921 = arith.constant 3 : i32
      %dma_wait3A_922 = arith.constant 0 : i32
      %dma_wait3A_923 = arith.constant 0 : i32
      %dma_wait3A_924 = tpu.memref_slice %arg6[%dma_wait3A_920, %dma_wait3A_922, %dma_wait3A_923] : memref<10x64x128xf32, #tpu.memory_space<vmem>> -> memref<1x64x128xf32, #tpu.memory_space<vmem>>
      %dma_wait3A_925 = tpu.memref_squeeze %dma_wait3A_924 : memref<1x64x128xf32, #tpu.memory_space<vmem>> -> memref<64x128xf32, #tpu.memory_space<vmem>>
      %dma_wait3A_926 = arith.constant 0 : i32
      %dma_wait3A_927 = arith.constant 0 : i32
      %dma_wait3A_928 = tpu.memref_slice %arg3[%dma_wait3A_926, %dma_wait3A_927] : memref<100000x128xf32, #tpu.memory_space<hbm>> -> memref<64x128xf32, #tpu.memory_space<hbm>>
      %dma_wait3A_929 = tpu.memref_slice %arg8[%dma_wait3A_921] : memref<10x!tpu.dma_semaphore, #tpu.memory_space<semaphore_mem>> -> memref<1x!tpu.dma_semaphore, #tpu.memory_space<semaphore_mem>>
      %dma_wait3A_930 = tpu.memref_squeeze %dma_wait3A_929 : memref<1x!tpu.dma_semaphore, #tpu.memory_space<semaphore_mem>> -> memref<!tpu.dma_semaphore, #tpu.memory_space<semaphore_mem>>
      %dma_wait3A_931 = arith.constant 0 : i32
      %dma_wait3A_932 = arith.constant 0 : i32
      %dma_wait3A_933 = tpu.memref_slice %arg6[%dma_wait3A_920, %dma_wait3A_931, %dma_wait3A_932] : memref<10x64x128xf32, #tpu.memory_space<vmem>> -> memref<1x64x128xf32, #tpu.memory_space<vmem>>
      %dma_wait3A_934 = tpu.memref_squeeze %dma_wait3A_933 : memref<1x64x128xf32, #tpu.memory_space<vmem>> -> memref<64x128xf32, #tpu.memory_space<vmem>>
      %dma_wait3A_935 = arith.constant 0 : i32
      %dma_wait3A_936 = arith.constant 0 : i32
      %dma_wait3A_937 = tpu.memref_slice %arg3[%dma_wait3A_935, %dma_wait3A_936] : memref<100000x128xf32, #tpu.memory_space<hbm>> -> memref<64x128xf32, #tpu.memory_space<hbm>>
      tpu.wait_dma2 semaphore(%dma_wait3A_930 : memref<!tpu.dma_semaphore, #tpu.memory_space<semaphore_mem>>) src(%dma_wait3A_937 : memref<64x128xf32, #tpu.memory_space<hbm>>) dst(%dma_wait3A_934 : memref<64x128xf32, #tpu.memory_space<vmem>>)
      %dma_start3A_938 = arith.constant 3 : i32
      %dma_start3A_939 = arith.constant 3 : i32
      %dma_start3A_940 = arith.constant 0 : i32
      %dma_start3A_941 = arith.constant 0 : i32
      %dma_start3A_942 = tpu.memref_slice %arg6[%dma_start3A_938, %dma_start3A_940, %dma_start3A_941] : memref<10x64x128xf32, #tpu.memory_space<vmem>> -> memref<1x64x128xf32, #tpu.memory_space<vmem>>
      %dma_start3A_943 = tpu.memref_squeeze %dma_start3A_942 : memref<1x64x128xf32, #tpu.memory_space<vmem>> -> memref<64x128xf32, #tpu.memory_space<vmem>>
      %dma_start3A_944 = arith.constant 0 : i32
      %dma_start3A_945 = tpu.memref_slice %arg5[%add3A_919, %dma_start3A_944] : memref<100x64xi32, #tpu.memory_space<vmem>> -> memref<1x64xi32, #tpu.memory_space<vmem>>
      %dma_start3A_946 = tpu.memref_squeeze %dma_start3A_945 : memref<1x64xi32, #tpu.memory_space<vmem>> -> memref<64xi32, #tpu.memory_space<vmem>>
      %dma_start3A_947 = arith.constant 0 : i32
      %dma_start3A_948 = arith.constant 0 : i32
      %dma_start3A_949 = tpu.memref_slice %arg3[%dma_start3A_947, %dma_start3A_948] : memref<100000x128xf32, #tpu.memory_space<hbm>> -> memref<100000x128xf32, #tpu.memory_space<hbm>>
      %dma_start3A_950 = tpu.memref_slice %arg7[%dma_start3A_939] : memref<10x!tpu.dma_semaphore, #tpu.memory_space<semaphore_mem>> -> memref<1x!tpu.dma_semaphore, #tpu.memory_space<semaphore_mem>>
      %dma_start3A_951 = tpu.memref_squeeze %dma_start3A_950 : memref<1x!tpu.dma_semaphore, #tpu.memory_space<semaphore_mem>> -> memref<!tpu.dma_semaphore, #tpu.memory_space<semaphore_mem>>
      tpu.enqueue_indirect_dma source(%dma_start3A_949 : memref<100000x128xf32, #tpu.memory_space<hbm>>) target(%dma_start3A_943 : memref<64x128xf32, #tpu.memory_space<vmem>>) offsets(%dma_start3A_946 : memref<64xi32, #tpu.memory_space<vmem>>) semaphore(%dma_start3A_951 : memref<!tpu.dma_semaphore, #tpu.memory_space<semaphore_mem>>)
      %dma_wait3A_952 = arith.constant 4 : i32
      %dma_wait3A_953 = arith.constant 4 : i32
      %dma_wait3A_954 = arith.constant 0 : i32
      %dma_wait3A_955 = arith.constant 0 : i32
      %dma_wait3A_956 = tpu.memref_slice %arg6[%dma_wait3A_952, %dma_wait3A_954, %dma_wait3A_955] : memref<10x64x128xf32, #tpu.memory_space<vmem>> -> memref<1x64x128xf32, #tpu.memory_space<vmem>>
      %dma_wait3A_957 = tpu.memref_squeeze %dma_wait3A_956 : memref<1x64x128xf32, #tpu.memory_space<vmem>> -> memref<64x128xf32, #tpu.memory_space<vmem>>
      %dma_wait3A_958 = arith.constant 0 : i32
      %dma_wait3A_959 = arith.constant 0 : i32
      %dma_wait3A_960 = tpu.memref_slice %arg3[%dma_wait3A_958, %dma_wait3A_959] : memref<100000x128xf32, #tpu.memory_space<hbm>> -> memref<64x128xf32, #tpu.memory_space<hbm>>
      %dma_wait3A_961 = tpu.memref_slice %arg7[%dma_wait3A_953] : memref<10x!tpu.dma_semaphore, #tpu.memory_space<semaphore_mem>> -> memref<1x!tpu.dma_semaphore, #tpu.memory_space<semaphore_mem>>
      %dma_wait3A_962 = tpu.memref_squeeze %dma_wait3A_961 : memref<1x!tpu.dma_semaphore, #tpu.memory_space<semaphore_mem>> -> memref<!tpu.dma_semaphore, #tpu.memory_space<semaphore_mem>>
      %dma_wait3A_963 = arith.constant 0 : i32
      %dma_wait3A_964 = arith.constant 0 : i32
      %dma_wait3A_965 = tpu.memref_slice %arg6[%dma_wait3A_952, %dma_wait3A_963, %dma_wait3A_964] : memref<10x64x128xf32, #tpu.memory_space<vmem>> -> memref<1x64x128xf32, #tpu.memory_space<vmem>>
      %dma_wait3A_966 = tpu.memref_squeeze %dma_wait3A_965 : memref<1x64x128xf32, #tpu.memory_space<vmem>> -> memref<64x128xf32, #tpu.memory_space<vmem>>
      %dma_wait3A_967 = arith.constant 0 : i32
      %dma_wait3A_968 = arith.constant 0 : i32
      %dma_wait3A_969 = tpu.memref_slice %arg3[%dma_wait3A_967, %dma_wait3A_968] : memref<100000x128xf32, #tpu.memory_space<hbm>> -> memref<64x128xf32, #tpu.memory_space<hbm>>
      tpu.wait_dma2 semaphore(%dma_wait3A_962 : memref<!tpu.dma_semaphore, #tpu.memory_space<semaphore_mem>>) src(%dma_wait3A_969 : memref<64x128xf32, #tpu.memory_space<hbm>>) dst(%dma_wait3A_966 : memref<64x128xf32, #tpu.memory_space<vmem>>)
      %sub3A_970 = arith.constant 9 : i32
      %sub3A_971 = arith.subi %add3A_919, %sub3A_970 : i32
      %mul3A_972 = arith.constant 64 : i32
      %mul3A_973 = arith.muli %sub3A_971, %mul3A_972 : i32
      %add3A_974 = arith.addi %mul3A_2, %mul3A_973 : i32
      %dma_start3A_975 = arith.constant 4 : i32
      %dma_start3A_976 = arith.constant 4 : i32
      %dma_start3A_977 = arith.constant 0 : i32
      %dma_start3A_978 = arith.constant 0 : i32
      %dma_start3A_979 = tpu.memref_slice %arg6[%dma_start3A_975, %dma_start3A_977, %dma_start3A_978] : memref<10x64x128xf32, #tpu.memory_space<vmem>> -> memref<1x64x128xf32, #tpu.memory_space<vmem>>
      %dma_start3A_980 = tpu.memref_squeeze %dma_start3A_979 : memref<1x64x128xf32, #tpu.memory_space<vmem>> -> memref<64x128xf32, #tpu.memory_space<vmem>>
      %dma_start3A_981 = arith.constant 0 : i32
      %dma_start3A_982 = tpu.memref_slice %arg4[%add3A_974, %dma_start3A_981] : memref<204800x128xf32, #tpu.memory_space<hbm>> -> memref<64x128xf32, #tpu.memory_space<hbm>>
      %dma_start3A_983 = tpu.memref_slice %arg8[%dma_start3A_976] : memref<10x!tpu.dma_semaphore, #tpu.memory_space<semaphore_mem>> -> memref<1x!tpu.dma_semaphore, #tpu.memory_space<semaphore_mem>>
      %dma_start3A_984 = tpu.memref_squeeze %dma_start3A_983 : memref<1x!tpu.dma_semaphore, #tpu.memory_space<semaphore_mem>> -> memref<!tpu.dma_semaphore, #tpu.memory_space<semaphore_mem>>
      %dma_start3A_985 = arith.constant 0 : i32
      %dma_start3A_986 = tpu.memref_slice %arg4[%add3A_974, %dma_start3A_985] : memref<204800x128xf32, #tpu.memory_space<hbm>> -> memref<64x128xf32, #tpu.memory_space<hbm>>
      %dma_start3A_987 = arith.constant 0 : i32
      %dma_start3A_988 = arith.constant 0 : i32
      %dma_start3A_989 = tpu.memref_slice %arg6[%dma_start3A_975, %dma_start3A_987, %dma_start3A_988] : memref<10x64x128xf32, #tpu.memory_space<vmem>> -> memref<1x64x128xf32, #tpu.memory_space<vmem>>
      %dma_start3A_990 = tpu.memref_squeeze %dma_start3A_989 : memref<1x64x128xf32, #tpu.memory_space<vmem>> -> memref<64x128xf32, #tpu.memory_space<vmem>>
      tpu.enqueue_dma source(%dma_start3A_990 : memref<64x128xf32, #tpu.memory_space<vmem>>) target(%dma_start3A_986 : memref<64x128xf32, #tpu.memory_space<hbm>>) target_semaphore(%dma_start3A_984 : memref<!tpu.dma_semaphore, #tpu.memory_space<semaphore_mem>>)
      %add3A_991 = arith.constant 4 : i32
      %add3A_992 = arith.addi %add3A_699, %add3A_991 : i32
      %dma_wait3A_993 = arith.constant 4 : i32
      %dma_wait3A_994 = arith.constant 4 : i32
      %dma_wait3A_995 = arith.constant 0 : i32
      %dma_wait3A_996 = arith.constant 0 : i32
      %dma_wait3A_997 = tpu.memref_slice %arg6[%dma_wait3A_993, %dma_wait3A_995, %dma_wait3A_996] : memref<10x64x128xf32, #tpu.memory_space<vmem>> -> memref<1x64x128xf32, #tpu.memory_space<vmem>>
      %dma_wait3A_998 = tpu.memref_squeeze %dma_wait3A_997 : memref<1x64x128xf32, #tpu.memory_space<vmem>> -> memref<64x128xf32, #tpu.memory_space<vmem>>
      %dma_wait3A_999 = arith.constant 0 : i32
      %dma_wait3A_1000 = arith.constant 0 : i32
      %dma_wait3A_1001 = tpu.memref_slice %arg3[%dma_wait3A_999, %dma_wait3A_1000] : memref<100000x128xf32, #tpu.memory_space<hbm>> -> memref<64x128xf32, #tpu.memory_space<hbm>>
      %dma_wait3A_1002 = tpu.memref_slice %arg8[%dma_wait3A_994] : memref<10x!tpu.dma_semaphore, #tpu.memory_space<semaphore_mem>> -> memref<1x!tpu.dma_semaphore, #tpu.memory_space<semaphore_mem>>
      %dma_wait3A_1003 = tpu.memref_squeeze %dma_wait3A_1002 : memref<1x!tpu.dma_semaphore, #tpu.memory_space<semaphore_mem>> -> memref<!tpu.dma_semaphore, #tpu.memory_space<semaphore_mem>>
      %dma_wait3A_1004 = arith.constant 0 : i32
      %dma_wait3A_1005 = arith.constant 0 : i32
      %dma_wait3A_1006 = tpu.memref_slice %arg6[%dma_wait3A_993, %dma_wait3A_1004, %dma_wait3A_1005] : memref<10x64x128xf32, #tpu.memory_space<vmem>> -> memref<1x64x128xf32, #tpu.memory_space<vmem>>
      %dma_wait3A_1007 = tpu.memref_squeeze %dma_wait3A_1006 : memref<1x64x128xf32, #tpu.memory_space<vmem>> -> memref<64x128xf32, #tpu.memory_space<vmem>>
      %dma_wait3A_1008 = arith.constant 0 : i32
      %dma_wait3A_1009 = arith.constant 0 : i32
      %dma_wait3A_1010 = tpu.memref_slice %arg3[%dma_wait3A_1008, %dma_wait3A_1009] : memref<100000x128xf32, #tpu.memory_space<hbm>> -> memref<64x128xf32, #tpu.memory_space<hbm>>
      tpu.wait_dma2 semaphore(%dma_wait3A_1003 : memref<!tpu.dma_semaphore, #tpu.memory_space<semaphore_mem>>) src(%dma_wait3A_1010 : memref<64x128xf32, #tpu.memory_space<hbm>>) dst(%dma_wait3A_1007 : memref<64x128xf32, #tpu.memory_space<vmem>>)
      %dma_start3A_1011 = arith.constant 4 : i32
      %dma_start3A_1012 = arith.constant 4 : i32
      %dma_start3A_1013 = arith.constant 0 : i32
      %dma_start3A_1014 = arith.constant 0 : i32
      %dma_start3A_1015 = tpu.memref_slice %arg6[%dma_start3A_1011, %dma_start3A_1013, %dma_start3A_1014] : memref<10x64x128xf32, #tpu.memory_space<vmem>> -> memref<1x64x128xf32, #tpu.memory_space<vmem>>
      %dma_start3A_1016 = tpu.memref_squeeze %dma_start3A_1015 : memref<1x64x128xf32, #tpu.memory_space<vmem>> -> memref<64x128xf32, #tpu.memory_space<vmem>>
      %dma_start3A_1017 = arith.constant 0 : i32
      %dma_start3A_1018 = tpu.memref_slice %arg5[%add3A_992, %dma_start3A_1017] : memref<100x64xi32, #tpu.memory_space<vmem>> -> memref<1x64xi32, #tpu.memory_space<vmem>>
      %dma_start3A_1019 = tpu.memref_squeeze %dma_start3A_1018 : memref<1x64xi32, #tpu.memory_space<vmem>> -> memref<64xi32, #tpu.memory_space<vmem>>
      %dma_start3A_1020 = arith.constant 0 : i32
      %dma_start3A_1021 = arith.constant 0 : i32
      %dma_start3A_1022 = tpu.memref_slice %arg3[%dma_start3A_1020, %dma_start3A_1021] : memref<100000x128xf32, #tpu.memory_space<hbm>> -> memref<100000x128xf32, #tpu.memory_space<hbm>>
      %dma_start3A_1023 = tpu.memref_slice %arg7[%dma_start3A_1012] : memref<10x!tpu.dma_semaphore, #tpu.memory_space<semaphore_mem>> -> memref<1x!tpu.dma_semaphore, #tpu.memory_space<semaphore_mem>>
      %dma_start3A_1024 = tpu.memref_squeeze %dma_start3A_1023 : memref<1x!tpu.dma_semaphore, #tpu.memory_space<semaphore_mem>> -> memref<!tpu.dma_semaphore, #tpu.memory_space<semaphore_mem>>
      tpu.enqueue_indirect_dma source(%dma_start3A_1022 : memref<100000x128xf32, #tpu.memory_space<hbm>>) target(%dma_start3A_1016 : memref<64x128xf32, #tpu.memory_space<vmem>>) offsets(%dma_start3A_1019 : memref<64xi32, #tpu.memory_space<vmem>>) semaphore(%dma_start3A_1024 : memref<!tpu.dma_semaphore, #tpu.memory_space<semaphore_mem>>)
      %dma_wait3A_1025 = arith.constant 5 : i32
      %dma_wait3A_1026 = arith.constant 5 : i32
      %dma_wait3A_1027 = arith.constant 0 : i32
      %dma_wait3A_1028 = arith.constant 0 : i32
      %dma_wait3A_1029 = tpu.memref_slice %arg6[%dma_wait3A_1025, %dma_wait3A_1027, %dma_wait3A_1028] : memref<10x64x128xf32, #tpu.memory_space<vmem>> -> memref<1x64x128xf32, #tpu.memory_space<vmem>>
      %dma_wait3A_1030 = tpu.memref_squeeze %dma_wait3A_1029 : memref<1x64x128xf32, #tpu.memory_space<vmem>> -> memref<64x128xf32, #tpu.memory_space<vmem>>
      %dma_wait3A_1031 = arith.constant 0 : i32
      %dma_wait3A_1032 = arith.constant 0 : i32
      %dma_wait3A_1033 = tpu.memref_slice %arg3[%dma_wait3A_1031, %dma_wait3A_1032] : memref<100000x128xf32, #tpu.memory_space<hbm>> -> memref<64x128xf32, #tpu.memory_space<hbm>>
      %dma_wait3A_1034 = tpu.memref_slice %arg7[%dma_wait3A_1026] : memref<10x!tpu.dma_semaphore, #tpu.memory_space<semaphore_mem>> -> memref<1x!tpu.dma_semaphore, #tpu.memory_space<semaphore_mem>>
      %dma_wait3A_1035 = tpu.memref_squeeze %dma_wait3A_1034 : memref<1x!tpu.dma_semaphore, #tpu.memory_space<semaphore_mem>> -> memref<!tpu.dma_semaphore, #tpu.memory_space<semaphore_mem>>
      %dma_wait3A_1036 = arith.constant 0 : i32
      %dma_wait3A_1037 = arith.constant 0 : i32
      %dma_wait3A_1038 = tpu.memref_slice %arg6[%dma_wait3A_1025, %dma_wait3A_1036, %dma_wait3A_1037] : memref<10x64x128xf32, #tpu.memory_space<vmem>> -> memref<1x64x128xf32, #tpu.memory_space<vmem>>
      %dma_wait3A_1039 = tpu.memref_squeeze %dma_wait3A_1038 : memref<1x64x128xf32, #tpu.memory_space<vmem>> -> memref<64x128xf32, #tpu.memory_space<vmem>>
      %dma_wait3A_1040 = arith.constant 0 : i32
      %dma_wait3A_1041 = arith.constant 0 : i32
      %dma_wait3A_1042 = tpu.memref_slice %arg3[%dma_wait3A_1040, %dma_wait3A_1041] : memref<100000x128xf32, #tpu.memory_space<hbm>> -> memref<64x128xf32, #tpu.memory_space<hbm>>
      tpu.wait_dma2 semaphore(%dma_wait3A_1035 : memref<!tpu.dma_semaphore, #tpu.memory_space<semaphore_mem>>) src(%dma_wait3A_1042 : memref<64x128xf32, #tpu.memory_space<hbm>>) dst(%dma_wait3A_1039 : memref<64x128xf32, #tpu.memory_space<vmem>>)
      %sub3A_1043 = arith.constant 9 : i32
      %sub3A_1044 = arith.subi %add3A_992, %sub3A_1043 : i32
      %mul3A_1045 = arith.constant 64 : i32
      %mul3A_1046 = arith.muli %sub3A_1044, %mul3A_1045 : i32
      %add3A_1047 = arith.addi %mul3A_2, %mul3A_1046 : i32
      %dma_start3A_1048 = arith.constant 5 : i32
      %dma_start3A_1049 = arith.constant 5 : i32
      %dma_start3A_1050 = arith.constant 0 : i32
      %dma_start3A_1051 = arith.constant 0 : i32
      %dma_start3A_1052 = tpu.memref_slice %arg6[%dma_start3A_1048, %dma_start3A_1050, %dma_start3A_1051] : memref<10x64x128xf32, #tpu.memory_space<vmem>> -> memref<1x64x128xf32, #tpu.memory_space<vmem>>
      %dma_start3A_1053 = tpu.memref_squeeze %dma_start3A_1052 : memref<1x64x128xf32, #tpu.memory_space<vmem>> -> memref<64x128xf32, #tpu.memory_space<vmem>>
      %dma_start3A_1054 = arith.constant 0 : i32
      %dma_start3A_1055 = tpu.memref_slice %arg4[%add3A_1047, %dma_start3A_1054] : memref<204800x128xf32, #tpu.memory_space<hbm>> -> memref<64x128xf32, #tpu.memory_space<hbm>>
      %dma_start3A_1056 = tpu.memref_slice %arg8[%dma_start3A_1049] : memref<10x!tpu.dma_semaphore, #tpu.memory_space<semaphore_mem>> -> memref<1x!tpu.dma_semaphore, #tpu.memory_space<semaphore_mem>>
      %dma_start3A_1057 = tpu.memref_squeeze %dma_start3A_1056 : memref<1x!tpu.dma_semaphore, #tpu.memory_space<semaphore_mem>> -> memref<!tpu.dma_semaphore, #tpu.memory_space<semaphore_mem>>
      %dma_start3A_1058 = arith.constant 0 : i32
      %dma_start3A_1059 = tpu.memref_slice %arg4[%add3A_1047, %dma_start3A_1058] : memref<204800x128xf32, #tpu.memory_space<hbm>> -> memref<64x128xf32, #tpu.memory_space<hbm>>
      %dma_start3A_1060 = arith.constant 0 : i32
      %dma_start3A_1061 = arith.constant 0 : i32
      %dma_start3A_1062 = tpu.memref_slice %arg6[%dma_start3A_1048, %dma_start3A_1060, %dma_start3A_1061] : memref<10x64x128xf32, #tpu.memory_space<vmem>> -> memref<1x64x128xf32, #tpu.memory_space<vmem>>
      %dma_start3A_1063 = tpu.memref_squeeze %dma_start3A_1062 : memref<1x64x128xf32, #tpu.memory_space<vmem>> -> memref<64x128xf32, #tpu.memory_space<vmem>>
      tpu.enqueue_dma source(%dma_start3A_1063 : memref<64x128xf32, #tpu.memory_space<vmem>>) target(%dma_start3A_1059 : memref<64x128xf32, #tpu.memory_space<hbm>>) target_semaphore(%dma_start3A_1057 : memref<!tpu.dma_semaphore, #tpu.memory_space<semaphore_mem>>)
      %add3A_1064 = arith.constant 5 : i32
      %add3A_1065 = arith.addi %add3A_699, %add3A_1064 : i32
      %dma_wait3A_1066 = arith.constant 5 : i32
      %dma_wait3A_1067 = arith.constant 5 : i32
      %dma_wait3A_1068 = arith.constant 0 : i32
      %dma_wait3A_1069 = arith.constant 0 : i32
      %dma_wait3A_1070 = tpu.memref_slice %arg6[%dma_wait3A_1066, %dma_wait3A_1068, %dma_wait3A_1069] : memref<10x64x128xf32, #tpu.memory_space<vmem>> -> memref<1x64x128xf32, #tpu.memory_space<vmem>>
      %dma_wait3A_1071 = tpu.memref_squeeze %dma_wait3A_1070 : memref<1x64x128xf32, #tpu.memory_space<vmem>> -> memref<64x128xf32, #tpu.memory_space<vmem>>
      %dma_wait3A_1072 = arith.constant 0 : i32
      %dma_wait3A_1073 = arith.constant 0 : i32
      %dma_wait3A_1074 = tpu.memref_slice %arg3[%dma_wait3A_1072, %dma_wait3A_1073] : memref<100000x128xf32, #tpu.memory_space<hbm>> -> memref<64x128xf32, #tpu.memory_space<hbm>>
      %dma_wait3A_1075 = tpu.memref_slice %arg8[%dma_wait3A_1067] : memref<10x!tpu.dma_semaphore, #tpu.memory_space<semaphore_mem>> -> memref<1x!tpu.dma_semaphore, #tpu.memory_space<semaphore_mem>>
      %dma_wait3A_1076 = tpu.memref_squeeze %dma_wait3A_1075 : memref<1x!tpu.dma_semaphore, #tpu.memory_space<semaphore_mem>> -> memref<!tpu.dma_semaphore, #tpu.memory_space<semaphore_mem>>
      %dma_wait3A_1077 = arith.constant 0 : i32
      %dma_wait3A_1078 = arith.constant 0 : i32
      %dma_wait3A_1079 = tpu.memref_slice %arg6[%dma_wait3A_1066, %dma_wait3A_1077, %dma_wait3A_1078] : memref<10x64x128xf32, #tpu.memory_space<vmem>> -> memref<1x64x128xf32, #tpu.memory_space<vmem>>
      %dma_wait3A_1080 = tpu.memref_squeeze %dma_wait3A_1079 : memref<1x64x128xf32, #tpu.memory_space<vmem>> -> memref<64x128xf32, #tpu.memory_space<vmem>>
      %dma_wait3A_1081 = arith.constant 0 : i32
      %dma_wait3A_1082 = arith.constant 0 : i32
      %dma_wait3A_1083 = tpu.memref_slice %arg3[%dma_wait3A_1081, %dma_wait3A_1082] : memref<100000x128xf32, #tpu.memory_space<hbm>> -> memref<64x128xf32, #tpu.memory_space<hbm>>
      tpu.wait_dma2 semaphore(%dma_wait3A_1076 : memref<!tpu.dma_semaphore, #tpu.memory_space<semaphore_mem>>) src(%dma_wait3A_1083 : memref<64x128xf32, #tpu.memory_space<hbm>>) dst(%dma_wait3A_1080 : memref<64x128xf32, #tpu.memory_space<vmem>>)
      %dma_start3A_1084 = arith.constant 5 : i32
      %dma_start3A_1085 = arith.constant 5 : i32
      %dma_start3A_1086 = arith.constant 0 : i32
      %dma_start3A_1087 = arith.constant 0 : i32
      %dma_start3A_1088 = tpu.memref_slice %arg6[%dma_start3A_1084, %dma_start3A_1086, %dma_start3A_1087] : memref<10x64x128xf32, #tpu.memory_space<vmem>> -> memref<1x64x128xf32, #tpu.memory_space<vmem>>
      %dma_start3A_1089 = tpu.memref_squeeze %dma_start3A_1088 : memref<1x64x128xf32, #tpu.memory_space<vmem>> -> memref<64x128xf32, #tpu.memory_space<vmem>>
      %dma_start3A_1090 = arith.constant 0 : i32
      %dma_start3A_1091 = tpu.memref_slice %arg5[%add3A_1065, %dma_start3A_1090] : memref<100x64xi32, #tpu.memory_space<vmem>> -> memref<1x64xi32, #tpu.memory_space<vmem>>
      %dma_start3A_1092 = tpu.memref_squeeze %dma_start3A_1091 : memref<1x64xi32, #tpu.memory_space<vmem>> -> memref<64xi32, #tpu.memory_space<vmem>>
      %dma_start3A_1093 = arith.constant 0 : i32
      %dma_start3A_1094 = arith.constant 0 : i32
      %dma_start3A_1095 = tpu.memref_slice %arg3[%dma_start3A_1093, %dma_start3A_1094] : memref<100000x128xf32, #tpu.memory_space<hbm>> -> memref<100000x128xf32, #tpu.memory_space<hbm>>
      %dma_start3A_1096 = tpu.memref_slice %arg7[%dma_start3A_1085] : memref<10x!tpu.dma_semaphore, #tpu.memory_space<semaphore_mem>> -> memref<1x!tpu.dma_semaphore, #tpu.memory_space<semaphore_mem>>
      %dma_start3A_1097 = tpu.memref_squeeze %dma_start3A_1096 : memref<1x!tpu.dma_semaphore, #tpu.memory_space<semaphore_mem>> -> memref<!tpu.dma_semaphore, #tpu.memory_space<semaphore_mem>>
      tpu.enqueue_indirect_dma source(%dma_start3A_1095 : memref<100000x128xf32, #tpu.memory_space<hbm>>) target(%dma_start3A_1089 : memref<64x128xf32, #tpu.memory_space<vmem>>) offsets(%dma_start3A_1092 : memref<64xi32, #tpu.memory_space<vmem>>) semaphore(%dma_start3A_1097 : memref<!tpu.dma_semaphore, #tpu.memory_space<semaphore_mem>>)
      %dma_wait3A_1098 = arith.constant 6 : i32
      %dma_wait3A_1099 = arith.constant 6 : i32
      %dma_wait3A_1100 = arith.constant 0 : i32
      %dma_wait3A_1101 = arith.constant 0 : i32
      %dma_wait3A_1102 = tpu.memref_slice %arg6[%dma_wait3A_1098, %dma_wait3A_1100, %dma_wait3A_1101] : memref<10x64x128xf32, #tpu.memory_space<vmem>> -> memref<1x64x128xf32, #tpu.memory_space<vmem>>
      %dma_wait3A_1103 = tpu.memref_squeeze %dma_wait3A_1102 : memref<1x64x128xf32, #tpu.memory_space<vmem>> -> memref<64x128xf32, #tpu.memory_space<vmem>>
      %dma_wait3A_1104 = arith.constant 0 : i32
      %dma_wait3A_1105 = arith.constant 0 : i32
      %dma_wait3A_1106 = tpu.memref_slice %arg3[%dma_wait3A_1104, %dma_wait3A_1105] : memref<100000x128xf32, #tpu.memory_space<hbm>> -> memref<64x128xf32, #tpu.memory_space<hbm>>
      %dma_wait3A_1107 = tpu.memref_slice %arg7[%dma_wait3A_1099] : memref<10x!tpu.dma_semaphore, #tpu.memory_space<semaphore_mem>> -> memref<1x!tpu.dma_semaphore, #tpu.memory_space<semaphore_mem>>
      %dma_wait3A_1108 = tpu.memref_squeeze %dma_wait3A_1107 : memref<1x!tpu.dma_semaphore, #tpu.memory_space<semaphore_mem>> -> memref<!tpu.dma_semaphore, #tpu.memory_space<semaphore_mem>>
      %dma_wait3A_1109 = arith.constant 0 : i32
      %dma_wait3A_1110 = arith.constant 0 : i32
      %dma_wait3A_1111 = tpu.memref_slice %arg6[%dma_wait3A_1098, %dma_wait3A_1109, %dma_wait3A_1110] : memref<10x64x128xf32, #tpu.memory_space<vmem>> -> memref<1x64x128xf32, #tpu.memory_space<vmem>>
      %dma_wait3A_1112 = tpu.memref_squeeze %dma_wait3A_1111 : memref<1x64x128xf32, #tpu.memory_space<vmem>> -> memref<64x128xf32, #tpu.memory_space<vmem>>
      %dma_wait3A_1113 = arith.constant 0 : i32
      %dma_wait3A_1114 = arith.constant 0 : i32
      %dma_wait3A_1115 = tpu.memref_slice %arg3[%dma_wait3A_1113, %dma_wait3A_1114] : memref<100000x128xf32, #tpu.memory_space<hbm>> -> memref<64x128xf32, #tpu.memory_space<hbm>>
      tpu.wait_dma2 semaphore(%dma_wait3A_1108 : memref<!tpu.dma_semaphore, #tpu.memory_space<semaphore_mem>>) src(%dma_wait3A_1115 : memref<64x128xf32, #tpu.memory_space<hbm>>) dst(%dma_wait3A_1112 : memref<64x128xf32, #tpu.memory_space<vmem>>)
      %sub3A_1116 = arith.constant 9 : i32
      %sub3A_1117 = arith.subi %add3A_1065, %sub3A_1116 : i32
      %mul3A_1118 = arith.constant 64 : i32
      %mul3A_1119 = arith.muli %sub3A_1117, %mul3A_1118 : i32
      %add3A_1120 = arith.addi %mul3A_2, %mul3A_1119 : i32
      %dma_start3A_1121 = arith.constant 6 : i32
      %dma_start3A_1122 = arith.constant 6 : i32
      %dma_start3A_1123 = arith.constant 0 : i32
      %dma_start3A_1124 = arith.constant 0 : i32
      %dma_start3A_1125 = tpu.memref_slice %arg6[%dma_start3A_1121, %dma_start3A_1123, %dma_start3A_1124] : memref<10x64x128xf32, #tpu.memory_space<vmem>> -> memref<1x64x128xf32, #tpu.memory_space<vmem>>
      %dma_start3A_1126 = tpu.memref_squeeze %dma_start3A_1125 : memref<1x64x128xf32, #tpu.memory_space<vmem>> -> memref<64x128xf32, #tpu.memory_space<vmem>>
      %dma_start3A_1127 = arith.constant 0 : i32
      %dma_start3A_1128 = tpu.memref_slice %arg4[%add3A_1120, %dma_start3A_1127] : memref<204800x128xf32, #tpu.memory_space<hbm>> -> memref<64x128xf32, #tpu.memory_space<hbm>>
      %dma_start3A_1129 = tpu.memref_slice %arg8[%dma_start3A_1122] : memref<10x!tpu.dma_semaphore, #tpu.memory_space<semaphore_mem>> -> memref<1x!tpu.dma_semaphore, #tpu.memory_space<semaphore_mem>>
      %dma_start3A_1130 = tpu.memref_squeeze %dma_start3A_1129 : memref<1x!tpu.dma_semaphore, #tpu.memory_space<semaphore_mem>> -> memref<!tpu.dma_semaphore, #tpu.memory_space<semaphore_mem>>
      %dma_start3A_1131 = arith.constant 0 : i32
      %dma_start3A_1132 = tpu.memref_slice %arg4[%add3A_1120, %dma_start3A_1131] : memref<204800x128xf32, #tpu.memory_space<hbm>> -> memref<64x128xf32, #tpu.memory_space<hbm>>
      %dma_start3A_1133 = arith.constant 0 : i32
      %dma_start3A_1134 = arith.constant 0 : i32
      %dma_start3A_1135 = tpu.memref_slice %arg6[%dma_start3A_1121, %dma_start3A_1133, %dma_start3A_1134] : memref<10x64x128xf32, #tpu.memory_space<vmem>> -> memref<1x64x128xf32, #tpu.memory_space<vmem>>
      %dma_start3A_1136 = tpu.memref_squeeze %dma_start3A_1135 : memref<1x64x128xf32, #tpu.memory_space<vmem>> -> memref<64x128xf32, #tpu.memory_space<vmem>>
      tpu.enqueue_dma source(%dma_start3A_1136 : memref<64x128xf32, #tpu.memory_space<vmem>>) target(%dma_start3A_1132 : memref<64x128xf32, #tpu.memory_space<hbm>>) target_semaphore(%dma_start3A_1130 : memref<!tpu.dma_semaphore, #tpu.memory_space<semaphore_mem>>)
      %add3A_1137 = arith.constant 6 : i32
      %add3A_1138 = arith.addi %add3A_699, %add3A_1137 : i32
      %dma_wait3A_1139 = arith.constant 6 : i32
      %dma_wait3A_1140 = arith.constant 6 : i32
      %dma_wait3A_1141 = arith.constant 0 : i32
      %dma_wait3A_1142 = arith.constant 0 : i32
      %dma_wait3A_1143 = tpu.memref_slice %arg6[%dma_wait3A_1139, %dma_wait3A_1141, %dma_wait3A_1142] : memref<10x64x128xf32, #tpu.memory_space<vmem>> -> memref<1x64x128xf32, #tpu.memory_space<vmem>>
      %dma_wait3A_1144 = tpu.memref_squeeze %dma_wait3A_1143 : memref<1x64x128xf32, #tpu.memory_space<vmem>> -> memref<64x128xf32, #tpu.memory_space<vmem>>
      %dma_wait3A_1145 = arith.constant 0 : i32
      %dma_wait3A_1146 = arith.constant 0 : i32
      %dma_wait3A_1147 = tpu.memref_slice %arg3[%dma_wait3A_1145, %dma_wait3A_1146] : memref<100000x128xf32, #tpu.memory_space<hbm>> -> memref<64x128xf32, #tpu.memory_space<hbm>>
      %dma_wait3A_1148 = tpu.memref_slice %arg8[%dma_wait3A_1140] : memref<10x!tpu.dma_semaphore, #tpu.memory_space<semaphore_mem>> -> memref<1x!tpu.dma_semaphore, #tpu.memory_space<semaphore_mem>>
      %dma_wait3A_1149 = tpu.memref_squeeze %dma_wait3A_1148 : memref<1x!tpu.dma_semaphore, #tpu.memory_space<semaphore_mem>> -> memref<!tpu.dma_semaphore, #tpu.memory_space<semaphore_mem>>
      %dma_wait3A_1150 = arith.constant 0 : i32
      %dma_wait3A_1151 = arith.constant 0 : i32
      %dma_wait3A_1152 = tpu.memref_slice %arg6[%dma_wait3A_1139, %dma_wait3A_1150, %dma_wait3A_1151] : memref<10x64x128xf32, #tpu.memory_space<vmem>> -> memref<1x64x128xf32, #tpu.memory_space<vmem>>
      %dma_wait3A_1153 = tpu.memref_squeeze %dma_wait3A_1152 : memref<1x64x128xf32, #tpu.memory_space<vmem>> -> memref<64x128xf32, #tpu.memory_space<vmem>>
      %dma_wait3A_1154 = arith.constant 0 : i32
      %dma_wait3A_1155 = arith.constant 0 : i32
      %dma_wait3A_1156 = tpu.memref_slice %arg3[%dma_wait3A_1154, %dma_wait3A_1155] : memref<100000x128xf32, #tpu.memory_space<hbm>> -> memref<64x128xf32, #tpu.memory_space<hbm>>
      tpu.wait_dma2 semaphore(%dma_wait3A_1149 : memref<!tpu.dma_semaphore, #tpu.memory_space<semaphore_mem>>) src(%dma_wait3A_1156 : memref<64x128xf32, #tpu.memory_space<hbm>>) dst(%dma_wait3A_1153 : memref<64x128xf32, #tpu.memory_space<vmem>>)
      %dma_start3A_1157 = arith.constant 6 : i32
      %dma_start3A_1158 = arith.constant 6 : i32
      %dma_start3A_1159 = arith.constant 0 : i32
      %dma_start3A_1160 = arith.constant 0 : i32
      %dma_start3A_1161 = tpu.memref_slice %arg6[%dma_start3A_1157, %dma_start3A_1159, %dma_start3A_1160] : memref<10x64x128xf32, #tpu.memory_space<vmem>> -> memref<1x64x128xf32, #tpu.memory_space<vmem>>
      %dma_start3A_1162 = tpu.memref_squeeze %dma_start3A_1161 : memref<1x64x128xf32, #tpu.memory_space<vmem>> -> memref<64x128xf32, #tpu.memory_space<vmem>>
      %dma_start3A_1163 = arith.constant 0 : i32
      %dma_start3A_1164 = tpu.memref_slice %arg5[%add3A_1138, %dma_start3A_1163] : memref<100x64xi32, #tpu.memory_space<vmem>> -> memref<1x64xi32, #tpu.memory_space<vmem>>
      %dma_start3A_1165 = tpu.memref_squeeze %dma_start3A_1164 : memref<1x64xi32, #tpu.memory_space<vmem>> -> memref<64xi32, #tpu.memory_space<vmem>>
      %dma_start3A_1166 = arith.constant 0 : i32
      %dma_start3A_1167 = arith.constant 0 : i32
      %dma_start3A_1168 = tpu.memref_slice %arg3[%dma_start3A_1166, %dma_start3A_1167] : memref<100000x128xf32, #tpu.memory_space<hbm>> -> memref<100000x128xf32, #tpu.memory_space<hbm>>
      %dma_start3A_1169 = tpu.memref_slice %arg7[%dma_start3A_1158] : memref<10x!tpu.dma_semaphore, #tpu.memory_space<semaphore_mem>> -> memref<1x!tpu.dma_semaphore, #tpu.memory_space<semaphore_mem>>
      %dma_start3A_1170 = tpu.memref_squeeze %dma_start3A_1169 : memref<1x!tpu.dma_semaphore, #tpu.memory_space<semaphore_mem>> -> memref<!tpu.dma_semaphore, #tpu.memory_space<semaphore_mem>>
      tpu.enqueue_indirect_dma source(%dma_start3A_1168 : memref<100000x128xf32, #tpu.memory_space<hbm>>) target(%dma_start3A_1162 : memref<64x128xf32, #tpu.memory_space<vmem>>) offsets(%dma_start3A_1165 : memref<64xi32, #tpu.memory_space<vmem>>) semaphore(%dma_start3A_1170 : memref<!tpu.dma_semaphore, #tpu.memory_space<semaphore_mem>>)
      %dma_wait3A_1171 = arith.constant 7 : i32
      %dma_wait3A_1172 = arith.constant 7 : i32
      %dma_wait3A_1173 = arith.constant 0 : i32
      %dma_wait3A_1174 = arith.constant 0 : i32
      %dma_wait3A_1175 = tpu.memref_slice %arg6[%dma_wait3A_1171, %dma_wait3A_1173, %dma_wait3A_1174] : memref<10x64x128xf32, #tpu.memory_space<vmem>> -> memref<1x64x128xf32, #tpu.memory_space<vmem>>
      %dma_wait3A_1176 = tpu.memref_squeeze %dma_wait3A_1175 : memref<1x64x128xf32, #tpu.memory_space<vmem>> -> memref<64x128xf32, #tpu.memory_space<vmem>>
      %dma_wait3A_1177 = arith.constant 0 : i32
      %dma_wait3A_1178 = arith.constant 0 : i32
      %dma_wait3A_1179 = tpu.memref_slice %arg3[%dma_wait3A_1177, %dma_wait3A_1178] : memref<100000x128xf32, #tpu.memory_space<hbm>> -> memref<64x128xf32, #tpu.memory_space<hbm>>
      %dma_wait3A_1180 = tpu.memref_slice %arg7[%dma_wait3A_1172] : memref<10x!tpu.dma_semaphore, #tpu.memory_space<semaphore_mem>> -> memref<1x!tpu.dma_semaphore, #tpu.memory_space<semaphore_mem>>
      %dma_wait3A_1181 = tpu.memref_squeeze %dma_wait3A_1180 : memref<1x!tpu.dma_semaphore, #tpu.memory_space<semaphore_mem>> -> memref<!tpu.dma_semaphore, #tpu.memory_space<semaphore_mem>>
      %dma_wait3A_1182 = arith.constant 0 : i32
      %dma_wait3A_1183 = arith.constant 0 : i32
      %dma_wait3A_1184 = tpu.memref_slice %arg6[%dma_wait3A_1171, %dma_wait3A_1182, %dma_wait3A_1183] : memref<10x64x128xf32, #tpu.memory_space<vmem>> -> memref<1x64x128xf32, #tpu.memory_space<vmem>>
      %dma_wait3A_1185 = tpu.memref_squeeze %dma_wait3A_1184 : memref<1x64x128xf32, #tpu.memory_space<vmem>> -> memref<64x128xf32, #tpu.memory_space<vmem>>
      %dma_wait3A_1186 = arith.constant 0 : i32
      %dma_wait3A_1187 = arith.constant 0 : i32
      %dma_wait3A_1188 = tpu.memref_slice %arg3[%dma_wait3A_1186, %dma_wait3A_1187] : memref<100000x128xf32, #tpu.memory_space<hbm>> -> memref<64x128xf32, #tpu.memory_space<hbm>>
      tpu.wait_dma2 semaphore(%dma_wait3A_1181 : memref<!tpu.dma_semaphore, #tpu.memory_space<semaphore_mem>>) src(%dma_wait3A_1188 : memref<64x128xf32, #tpu.memory_space<hbm>>) dst(%dma_wait3A_1185 : memref<64x128xf32, #tpu.memory_space<vmem>>)
      %sub3A_1189 = arith.constant 9 : i32
      %sub3A_1190 = arith.subi %add3A_1138, %sub3A_1189 : i32
      %mul3A_1191 = arith.constant 64 : i32
      %mul3A_1192 = arith.muli %sub3A_1190, %mul3A_1191 : i32
      %add3A_1193 = arith.addi %mul3A_2, %mul3A_1192 : i32
      %dma_start3A_1194 = arith.constant 7 : i32
      %dma_start3A_1195 = arith.constant 7 : i32
      %dma_start3A_1196 = arith.constant 0 : i32
      %dma_start3A_1197 = arith.constant 0 : i32
      %dma_start3A_1198 = tpu.memref_slice %arg6[%dma_start3A_1194, %dma_start3A_1196, %dma_start3A_1197] : memref<10x64x128xf32, #tpu.memory_space<vmem>> -> memref<1x64x128xf32, #tpu.memory_space<vmem>>
      %dma_start3A_1199 = tpu.memref_squeeze %dma_start3A_1198 : memref<1x64x128xf32, #tpu.memory_space<vmem>> -> memref<64x128xf32, #tpu.memory_space<vmem>>
      %dma_start3A_1200 = arith.constant 0 : i32
      %dma_start3A_1201 = tpu.memref_slice %arg4[%add3A_1193, %dma_start3A_1200] : memref<204800x128xf32, #tpu.memory_space<hbm>> -> memref<64x128xf32, #tpu.memory_space<hbm>>
      %dma_start3A_1202 = tpu.memref_slice %arg8[%dma_start3A_1195] : memref<10x!tpu.dma_semaphore, #tpu.memory_space<semaphore_mem>> -> memref<1x!tpu.dma_semaphore, #tpu.memory_space<semaphore_mem>>
      %dma_start3A_1203 = tpu.memref_squeeze %dma_start3A_1202 : memref<1x!tpu.dma_semaphore, #tpu.memory_space<semaphore_mem>> -> memref<!tpu.dma_semaphore, #tpu.memory_space<semaphore_mem>>
      %dma_start3A_1204 = arith.constant 0 : i32
      %dma_start3A_1205 = tpu.memref_slice %arg4[%add3A_1193, %dma_start3A_1204] : memref<204800x128xf32, #tpu.memory_space<hbm>> -> memref<64x128xf32, #tpu.memory_space<hbm>>
      %dma_start3A_1206 = arith.constant 0 : i32
      %dma_start3A_1207 = arith.constant 0 : i32
      %dma_start3A_1208 = tpu.memref_slice %arg6[%dma_start3A_1194, %dma_start3A_1206, %dma_start3A_1207] : memref<10x64x128xf32, #tpu.memory_space<vmem>> -> memref<1x64x128xf32, #tpu.memory_space<vmem>>
      %dma_start3A_1209 = tpu.memref_squeeze %dma_start3A_1208 : memref<1x64x128xf32, #tpu.memory_space<vmem>> -> memref<64x128xf32, #tpu.memory_space<vmem>>
      tpu.enqueue_dma source(%dma_start3A_1209 : memref<64x128xf32, #tpu.memory_space<vmem>>) target(%dma_start3A_1205 : memref<64x128xf32, #tpu.memory_space<hbm>>) target_semaphore(%dma_start3A_1203 : memref<!tpu.dma_semaphore, #tpu.memory_space<semaphore_mem>>)
      %add3A_1210 = arith.constant 7 : i32
      %add3A_1211 = arith.addi %add3A_699, %add3A_1210 : i32
      %dma_wait3A_1212 = arith.constant 7 : i32
      %dma_wait3A_1213 = arith.constant 7 : i32
      %dma_wait3A_1214 = arith.constant 0 : i32
      %dma_wait3A_1215 = arith.constant 0 : i32
      %dma_wait3A_1216 = tpu.memref_slice %arg6[%dma_wait3A_1212, %dma_wait3A_1214, %dma_wait3A_1215] : memref<10x64x128xf32, #tpu.memory_space<vmem>> -> memref<1x64x128xf32, #tpu.memory_space<vmem>>
      %dma_wait3A_1217 = tpu.memref_squeeze %dma_wait3A_1216 : memref<1x64x128xf32, #tpu.memory_space<vmem>> -> memref<64x128xf32, #tpu.memory_space<vmem>>
      %dma_wait3A_1218 = arith.constant 0 : i32
      %dma_wait3A_1219 = arith.constant 0 : i32
      %dma_wait3A_1220 = tpu.memref_slice %arg3[%dma_wait3A_1218, %dma_wait3A_1219] : memref<100000x128xf32, #tpu.memory_space<hbm>> -> memref<64x128xf32, #tpu.memory_space<hbm>>
      %dma_wait3A_1221 = tpu.memref_slice %arg8[%dma_wait3A_1213] : memref<10x!tpu.dma_semaphore, #tpu.memory_space<semaphore_mem>> -> memref<1x!tpu.dma_semaphore, #tpu.memory_space<semaphore_mem>>
      %dma_wait3A_1222 = tpu.memref_squeeze %dma_wait3A_1221 : memref<1x!tpu.dma_semaphore, #tpu.memory_space<semaphore_mem>> -> memref<!tpu.dma_semaphore, #tpu.memory_space<semaphore_mem>>
      %dma_wait3A_1223 = arith.constant 0 : i32
      %dma_wait3A_1224 = arith.constant 0 : i32
      %dma_wait3A_1225 = tpu.memref_slice %arg6[%dma_wait3A_1212, %dma_wait3A_1223, %dma_wait3A_1224] : memref<10x64x128xf32, #tpu.memory_space<vmem>> -> memref<1x64x128xf32, #tpu.memory_space<vmem>>
      %dma_wait3A_1226 = tpu.memref_squeeze %dma_wait3A_1225 : memref<1x64x128xf32, #tpu.memory_space<vmem>> -> memref<64x128xf32, #tpu.memory_space<vmem>>
      %dma_wait3A_1227 = arith.constant 0 : i32
      %dma_wait3A_1228 = arith.constant 0 : i32
      %dma_wait3A_1229 = tpu.memref_slice %arg3[%dma_wait3A_1227, %dma_wait3A_1228] : memref<100000x128xf32, #tpu.memory_space<hbm>> -> memref<64x128xf32, #tpu.memory_space<hbm>>
      tpu.wait_dma2 semaphore(%dma_wait3A_1222 : memref<!tpu.dma_semaphore, #tpu.memory_space<semaphore_mem>>) src(%dma_wait3A_1229 : memref<64x128xf32, #tpu.memory_space<hbm>>) dst(%dma_wait3A_1226 : memref<64x128xf32, #tpu.memory_space<vmem>>)
      %dma_start3A_1230 = arith.constant 7 : i32
      %dma_start3A_1231 = arith.constant 7 : i32
      %dma_start3A_1232 = arith.constant 0 : i32
      %dma_start3A_1233 = arith.constant 0 : i32
      %dma_start3A_1234 = tpu.memref_slice %arg6[%dma_start3A_1230, %dma_start3A_1232, %dma_start3A_1233] : memref<10x64x128xf32, #tpu.memory_space<vmem>> -> memref<1x64x128xf32, #tpu.memory_space<vmem>>
      %dma_start3A_1235 = tpu.memref_squeeze %dma_start3A_1234 : memref<1x64x128xf32, #tpu.memory_space<vmem>> -> memref<64x128xf32, #tpu.memory_space<vmem>>
      %dma_start3A_1236 = arith.constant 0 : i32
      %dma_start3A_1237 = tpu.memref_slice %arg5[%add3A_1211, %dma_start3A_1236] : memref<100x64xi32, #tpu.memory_space<vmem>> -> memref<1x64xi32, #tpu.memory_space<vmem>>
      %dma_start3A_1238 = tpu.memref_squeeze %dma_start3A_1237 : memref<1x64xi32, #tpu.memory_space<vmem>> -> memref<64xi32, #tpu.memory_space<vmem>>
      %dma_start3A_1239 = arith.constant 0 : i32
      %dma_start3A_1240 = arith.constant 0 : i32
      %dma_start3A_1241 = tpu.memref_slice %arg3[%dma_start3A_1239, %dma_start3A_1240] : memref<100000x128xf32, #tpu.memory_space<hbm>> -> memref<100000x128xf32, #tpu.memory_space<hbm>>
      %dma_start3A_1242 = tpu.memref_slice %arg7[%dma_start3A_1231] : memref<10x!tpu.dma_semaphore, #tpu.memory_space<semaphore_mem>> -> memref<1x!tpu.dma_semaphore, #tpu.memory_space<semaphore_mem>>
      %dma_start3A_1243 = tpu.memref_squeeze %dma_start3A_1242 : memref<1x!tpu.dma_semaphore, #tpu.memory_space<semaphore_mem>> -> memref<!tpu.dma_semaphore, #tpu.memory_space<semaphore_mem>>
      tpu.enqueue_indirect_dma source(%dma_start3A_1241 : memref<100000x128xf32, #tpu.memory_space<hbm>>) target(%dma_start3A_1235 : memref<64x128xf32, #tpu.memory_space<vmem>>) offsets(%dma_start3A_1238 : memref<64xi32, #tpu.memory_space<vmem>>) semaphore(%dma_start3A_1243 : memref<!tpu.dma_semaphore, #tpu.memory_space<semaphore_mem>>)
      %dma_wait3A_1244 = arith.constant 8 : i32
      %dma_wait3A_1245 = arith.constant 8 : i32
      %dma_wait3A_1246 = arith.constant 0 : i32
      %dma_wait3A_1247 = arith.constant 0 : i32
      %dma_wait3A_1248 = tpu.memref_slice %arg6[%dma_wait3A_1244, %dma_wait3A_1246, %dma_wait3A_1247] : memref<10x64x128xf32, #tpu.memory_space<vmem>> -> memref<1x64x128xf32, #tpu.memory_space<vmem>>
      %dma_wait3A_1249 = tpu.memref_squeeze %dma_wait3A_1248 : memref<1x64x128xf32, #tpu.memory_space<vmem>> -> memref<64x128xf32, #tpu.memory_space<vmem>>
      %dma_wait3A_1250 = arith.constant 0 : i32
      %dma_wait3A_1251 = arith.constant 0 : i32
      %dma_wait3A_1252 = tpu.memref_slice %arg3[%dma_wait3A_1250, %dma_wait3A_1251] : memref<100000x128xf32, #tpu.memory_space<hbm>> -> memref<64x128xf32, #tpu.memory_space<hbm>>
      %dma_wait3A_1253 = tpu.memref_slice %arg7[%dma_wait3A_1245] : memref<10x!tpu.dma_semaphore, #tpu.memory_space<semaphore_mem>> -> memref<1x!tpu.dma_semaphore, #tpu.memory_space<semaphore_mem>>
      %dma_wait3A_1254 = tpu.memref_squeeze %dma_wait3A_1253 : memref<1x!tpu.dma_semaphore, #tpu.memory_space<semaphore_mem>> -> memref<!tpu.dma_semaphore, #tpu.memory_space<semaphore_mem>>
      %dma_wait3A_1255 = arith.constant 0 : i32
      %dma_wait3A_1256 = arith.constant 0 : i32
      %dma_wait3A_1257 = tpu.memref_slice %arg6[%dma_wait3A_1244, %dma_wait3A_1255, %dma_wait3A_1256] : memref<10x64x128xf32, #tpu.memory_space<vmem>> -> memref<1x64x128xf32, #tpu.memory_space<vmem>>
      %dma_wait3A_1258 = tpu.memref_squeeze %dma_wait3A_1257 : memref<1x64x128xf32, #tpu.memory_space<vmem>> -> memref<64x128xf32, #tpu.memory_space<vmem>>
      %dma_wait3A_1259 = arith.constant 0 : i32
      %dma_wait3A_1260 = arith.constant 0 : i32
      %dma_wait3A_1261 = tpu.memref_slice %arg3[%dma_wait3A_1259, %dma_wait3A_1260] : memref<100000x128xf32, #tpu.memory_space<hbm>> -> memref<64x128xf32, #tpu.memory_space<hbm>>
      tpu.wait_dma2 semaphore(%dma_wait3A_1254 : memref<!tpu.dma_semaphore, #tpu.memory_space<semaphore_mem>>) src(%dma_wait3A_1261 : memref<64x128xf32, #tpu.memory_space<hbm>>) dst(%dma_wait3A_1258 : memref<64x128xf32, #tpu.memory_space<vmem>>)
      %sub3A_1262 = arith.constant 9 : i32
      %sub3A_1263 = arith.subi %add3A_1211, %sub3A_1262 : i32
      %mul3A_1264 = arith.constant 64 : i32
      %mul3A_1265 = arith.muli %sub3A_1263, %mul3A_1264 : i32
      %add3A_1266 = arith.addi %mul3A_2, %mul3A_1265 : i32
      %dma_start3A_1267 = arith.constant 8 : i32
      %dma_start3A_1268 = arith.constant 8 : i32
      %dma_start3A_1269 = arith.constant 0 : i32
      %dma_start3A_1270 = arith.constant 0 : i32
      %dma_start3A_1271 = tpu.memref_slice %arg6[%dma_start3A_1267, %dma_start3A_1269, %dma_start3A_1270] : memref<10x64x128xf32, #tpu.memory_space<vmem>> -> memref<1x64x128xf32, #tpu.memory_space<vmem>>
      %dma_start3A_1272 = tpu.memref_squeeze %dma_start3A_1271 : memref<1x64x128xf32, #tpu.memory_space<vmem>> -> memref<64x128xf32, #tpu.memory_space<vmem>>
      %dma_start3A_1273 = arith.constant 0 : i32
      %dma_start3A_1274 = tpu.memref_slice %arg4[%add3A_1266, %dma_start3A_1273] : memref<204800x128xf32, #tpu.memory_space<hbm>> -> memref<64x128xf32, #tpu.memory_space<hbm>>
      %dma_start3A_1275 = tpu.memref_slice %arg8[%dma_start3A_1268] : memref<10x!tpu.dma_semaphore, #tpu.memory_space<semaphore_mem>> -> memref<1x!tpu.dma_semaphore, #tpu.memory_space<semaphore_mem>>
      %dma_start3A_1276 = tpu.memref_squeeze %dma_start3A_1275 : memref<1x!tpu.dma_semaphore, #tpu.memory_space<semaphore_mem>> -> memref<!tpu.dma_semaphore, #tpu.memory_space<semaphore_mem>>
      %dma_start3A_1277 = arith.constant 0 : i32
      %dma_start3A_1278 = tpu.memref_slice %arg4[%add3A_1266, %dma_start3A_1277] : memref<204800x128xf32, #tpu.memory_space<hbm>> -> memref<64x128xf32, #tpu.memory_space<hbm>>
      %dma_start3A_1279 = arith.constant 0 : i32
      %dma_start3A_1280 = arith.constant 0 : i32
      %dma_start3A_1281 = tpu.memref_slice %arg6[%dma_start3A_1267, %dma_start3A_1279, %dma_start3A_1280] : memref<10x64x128xf32, #tpu.memory_space<vmem>> -> memref<1x64x128xf32, #tpu.memory_space<vmem>>
      %dma_start3A_1282 = tpu.memref_squeeze %dma_start3A_1281 : memref<1x64x128xf32, #tpu.memory_space<vmem>> -> memref<64x128xf32, #tpu.memory_space<vmem>>
      tpu.enqueue_dma source(%dma_start3A_1282 : memref<64x128xf32, #tpu.memory_space<vmem>>) target(%dma_start3A_1278 : memref<64x128xf32, #tpu.memory_space<hbm>>) target_semaphore(%dma_start3A_1276 : memref<!tpu.dma_semaphore, #tpu.memory_space<semaphore_mem>>)
      %add3A_1283 = arith.constant 8 : i32
      %add3A_1284 = arith.addi %add3A_699, %add3A_1283 : i32
      %dma_wait3A_1285 = arith.constant 8 : i32
      %dma_wait3A_1286 = arith.constant 8 : i32
      %dma_wait3A_1287 = arith.constant 0 : i32
      %dma_wait3A_1288 = arith.constant 0 : i32
      %dma_wait3A_1289 = tpu.memref_slice %arg6[%dma_wait3A_1285, %dma_wait3A_1287, %dma_wait3A_1288] : memref<10x64x128xf32, #tpu.memory_space<vmem>> -> memref<1x64x128xf32, #tpu.memory_space<vmem>>
      %dma_wait3A_1290 = tpu.memref_squeeze %dma_wait3A_1289 : memref<1x64x128xf32, #tpu.memory_space<vmem>> -> memref<64x128xf32, #tpu.memory_space<vmem>>
      %dma_wait3A_1291 = arith.constant 0 : i32
      %dma_wait3A_1292 = arith.constant 0 : i32
      %dma_wait3A_1293 = tpu.memref_slice %arg3[%dma_wait3A_1291, %dma_wait3A_1292] : memref<100000x128xf32, #tpu.memory_space<hbm>> -> memref<64x128xf32, #tpu.memory_space<hbm>>
      %dma_wait3A_1294 = tpu.memref_slice %arg8[%dma_wait3A_1286] : memref<10x!tpu.dma_semaphore, #tpu.memory_space<semaphore_mem>> -> memref<1x!tpu.dma_semaphore, #tpu.memory_space<semaphore_mem>>
      %dma_wait3A_1295 = tpu.memref_squeeze %dma_wait3A_1294 : memref<1x!tpu.dma_semaphore, #tpu.memory_space<semaphore_mem>> -> memref<!tpu.dma_semaphore, #tpu.memory_space<semaphore_mem>>
      %dma_wait3A_1296 = arith.constant 0 : i32
      %dma_wait3A_1297 = arith.constant 0 : i32
      %dma_wait3A_1298 = tpu.memref_slice %arg6[%dma_wait3A_1285, %dma_wait3A_1296, %dma_wait3A_1297] : memref<10x64x128xf32, #tpu.memory_space<vmem>> -> memref<1x64x128xf32, #tpu.memory_space<vmem>>
      %dma_wait3A_1299 = tpu.memref_squeeze %dma_wait3A_1298 : memref<1x64x128xf32, #tpu.memory_space<vmem>> -> memref<64x128xf32, #tpu.memory_space<vmem>>
      %dma_wait3A_1300 = arith.constant 0 : i32
      %dma_wait3A_1301 = arith.constant 0 : i32
      %dma_wait3A_1302 = tpu.memref_slice %arg3[%dma_wait3A_1300, %dma_wait3A_1301] : memref<100000x128xf32, #tpu.memory_space<hbm>> -> memref<64x128xf32, #tpu.memory_space<hbm>>
      tpu.wait_dma2 semaphore(%dma_wait3A_1295 : memref<!tpu.dma_semaphore, #tpu.memory_space<semaphore_mem>>) src(%dma_wait3A_1302 : memref<64x128xf32, #tpu.memory_space<hbm>>) dst(%dma_wait3A_1299 : memref<64x128xf32, #tpu.memory_space<vmem>>)
      %dma_start3A_1303 = arith.constant 8 : i32
      %dma_start3A_1304 = arith.constant 8 : i32
      %dma_start3A_1305 = arith.constant 0 : i32
      %dma_start3A_1306 = arith.constant 0 : i32
      %dma_start3A_1307 = tpu.memref_slice %arg6[%dma_start3A_1303, %dma_start3A_1305, %dma_start3A_1306] : memref<10x64x128xf32, #tpu.memory_space<vmem>> -> memref<1x64x128xf32, #tpu.memory_space<vmem>>
      %dma_start3A_1308 = tpu.memref_squeeze %dma_start3A_1307 : memref<1x64x128xf32, #tpu.memory_space<vmem>> -> memref<64x128xf32, #tpu.memory_space<vmem>>
      %dma_start3A_1309 = arith.constant 0 : i32
      %dma_start3A_1310 = tpu.memref_slice %arg5[%add3A_1284, %dma_start3A_1309] : memref<100x64xi32, #tpu.memory_space<vmem>> -> memref<1x64xi32, #tpu.memory_space<vmem>>
      %dma_start3A_1311 = tpu.memref_squeeze %dma_start3A_1310 : memref<1x64xi32, #tpu.memory_space<vmem>> -> memref<64xi32, #tpu.memory_space<vmem>>
      %dma_start3A_1312 = arith.constant 0 : i32
      %dma_start3A_1313 = arith.constant 0 : i32
      %dma_start3A_1314 = tpu.memref_slice %arg3[%dma_start3A_1312, %dma_start3A_1313] : memref<100000x128xf32, #tpu.memory_space<hbm>> -> memref<100000x128xf32, #tpu.memory_space<hbm>>
      %dma_start3A_1315 = tpu.memref_slice %arg7[%dma_start3A_1304] : memref<10x!tpu.dma_semaphore, #tpu.memory_space<semaphore_mem>> -> memref<1x!tpu.dma_semaphore, #tpu.memory_space<semaphore_mem>>
      %dma_start3A_1316 = tpu.memref_squeeze %dma_start3A_1315 : memref<1x!tpu.dma_semaphore, #tpu.memory_space<semaphore_mem>> -> memref<!tpu.dma_semaphore, #tpu.memory_space<semaphore_mem>>
      tpu.enqueue_indirect_dma source(%dma_start3A_1314 : memref<100000x128xf32, #tpu.memory_space<hbm>>) target(%dma_start3A_1308 : memref<64x128xf32, #tpu.memory_space<vmem>>) offsets(%dma_start3A_1311 : memref<64xi32, #tpu.memory_space<vmem>>) semaphore(%dma_start3A_1316 : memref<!tpu.dma_semaphore, #tpu.memory_space<semaphore_mem>>)
      %dma_wait3A_1317 = arith.constant 9 : i32
      %dma_wait3A_1318 = arith.constant 9 : i32
      %dma_wait3A_1319 = arith.constant 0 : i32
      %dma_wait3A_1320 = arith.constant 0 : i32
      %dma_wait3A_1321 = tpu.memref_slice %arg6[%dma_wait3A_1317, %dma_wait3A_1319, %dma_wait3A_1320] : memref<10x64x128xf32, #tpu.memory_space<vmem>> -> memref<1x64x128xf32, #tpu.memory_space<vmem>>
      %dma_wait3A_1322 = tpu.memref_squeeze %dma_wait3A_1321 : memref<1x64x128xf32, #tpu.memory_space<vmem>> -> memref<64x128xf32, #tpu.memory_space<vmem>>
      %dma_wait3A_1323 = arith.constant 0 : i32
      %dma_wait3A_1324 = arith.constant 0 : i32
      %dma_wait3A_1325 = tpu.memref_slice %arg3[%dma_wait3A_1323, %dma_wait3A_1324] : memref<100000x128xf32, #tpu.memory_space<hbm>> -> memref<64x128xf32, #tpu.memory_space<hbm>>
      %dma_wait3A_1326 = tpu.memref_slice %arg7[%dma_wait3A_1318] : memref<10x!tpu.dma_semaphore, #tpu.memory_space<semaphore_mem>> -> memref<1x!tpu.dma_semaphore, #tpu.memory_space<semaphore_mem>>
      %dma_wait3A_1327 = tpu.memref_squeeze %dma_wait3A_1326 : memref<1x!tpu.dma_semaphore, #tpu.memory_space<semaphore_mem>> -> memref<!tpu.dma_semaphore, #tpu.memory_space<semaphore_mem>>
      %dma_wait3A_1328 = arith.constant 0 : i32
      %dma_wait3A_1329 = arith.constant 0 : i32
      %dma_wait3A_1330 = tpu.memref_slice %arg6[%dma_wait3A_1317, %dma_wait3A_1328, %dma_wait3A_1329] : memref<10x64x128xf32, #tpu.memory_space<vmem>> -> memref<1x64x128xf32, #tpu.memory_space<vmem>>
      %dma_wait3A_1331 = tpu.memref_squeeze %dma_wait3A_1330 : memref<1x64x128xf32, #tpu.memory_space<vmem>> -> memref<64x128xf32, #tpu.memory_space<vmem>>
      %dma_wait3A_1332 = arith.constant 0 : i32
      %dma_wait3A_1333 = arith.constant 0 : i32
      %dma_wait3A_1334 = tpu.memref_slice %arg3[%dma_wait3A_1332, %dma_wait3A_1333] : memref<100000x128xf32, #tpu.memory_space<hbm>> -> memref<64x128xf32, #tpu.memory_space<hbm>>
      tpu.wait_dma2 semaphore(%dma_wait3A_1327 : memref<!tpu.dma_semaphore, #tpu.memory_space<semaphore_mem>>) src(%dma_wait3A_1334 : memref<64x128xf32, #tpu.memory_space<hbm>>) dst(%dma_wait3A_1331 : memref<64x128xf32, #tpu.memory_space<vmem>>)
      %sub3A_1335 = arith.constant 9 : i32
      %sub3A_1336 = arith.subi %add3A_1284, %sub3A_1335 : i32
      %mul3A_1337 = arith.constant 64 : i32
      %mul3A_1338 = arith.muli %sub3A_1336, %mul3A_1337 : i32
      %add3A_1339 = arith.addi %mul3A_2, %mul3A_1338 : i32
      %dma_start3A_1340 = arith.constant 9 : i32
      %dma_start3A_1341 = arith.constant 9 : i32
      %dma_start3A_1342 = arith.constant 0 : i32
      %dma_start3A_1343 = arith.constant 0 : i32
      %dma_start3A_1344 = tpu.memref_slice %arg6[%dma_start3A_1340, %dma_start3A_1342, %dma_start3A_1343] : memref<10x64x128xf32, #tpu.memory_space<vmem>> -> memref<1x64x128xf32, #tpu.memory_space<vmem>>
      %dma_start3A_1345 = tpu.memref_squeeze %dma_start3A_1344 : memref<1x64x128xf32, #tpu.memory_space<vmem>> -> memref<64x128xf32, #tpu.memory_space<vmem>>
      %dma_start3A_1346 = arith.constant 0 : i32
      %dma_start3A_1347 = tpu.memref_slice %arg4[%add3A_1339, %dma_start3A_1346] : memref<204800x128xf32, #tpu.memory_space<hbm>> -> memref<64x128xf32, #tpu.memory_space<hbm>>
      %dma_start3A_1348 = tpu.memref_slice %arg8[%dma_start3A_1341] : memref<10x!tpu.dma_semaphore, #tpu.memory_space<semaphore_mem>> -> memref<1x!tpu.dma_semaphore, #tpu.memory_space<semaphore_mem>>
      %dma_start3A_1349 = tpu.memref_squeeze %dma_start3A_1348 : memref<1x!tpu.dma_semaphore, #tpu.memory_space<semaphore_mem>> -> memref<!tpu.dma_semaphore, #tpu.memory_space<semaphore_mem>>
      %dma_start3A_1350 = arith.constant 0 : i32
      %dma_start3A_1351 = tpu.memref_slice %arg4[%add3A_1339, %dma_start3A_1350] : memref<204800x128xf32, #tpu.memory_space<hbm>> -> memref<64x128xf32, #tpu.memory_space<hbm>>
      %dma_start3A_1352 = arith.constant 0 : i32
      %dma_start3A_1353 = arith.constant 0 : i32
      %dma_start3A_1354 = tpu.memref_slice %arg6[%dma_start3A_1340, %dma_start3A_1352, %dma_start3A_1353] : memref<10x64x128xf32, #tpu.memory_space<vmem>> -> memref<1x64x128xf32, #tpu.memory_space<vmem>>
      %dma_start3A_1355 = tpu.memref_squeeze %dma_start3A_1354 : memref<1x64x128xf32, #tpu.memory_space<vmem>> -> memref<64x128xf32, #tpu.memory_space<vmem>>
      tpu.enqueue_dma source(%dma_start3A_1355 : memref<64x128xf32, #tpu.memory_space<vmem>>) target(%dma_start3A_1351 : memref<64x128xf32, #tpu.memory_space<hbm>>) target_semaphore(%dma_start3A_1349 : memref<!tpu.dma_semaphore, #tpu.memory_space<semaphore_mem>>)
      %add3A_1356 = arith.constant 9 : i32
      %add3A_1357 = arith.addi %add3A_699, %add3A_1356 : i32
      %dma_wait3A_1358 = arith.constant 9 : i32
      %dma_wait3A_1359 = arith.constant 9 : i32
      %dma_wait3A_1360 = arith.constant 0 : i32
      %dma_wait3A_1361 = arith.constant 0 : i32
      %dma_wait3A_1362 = tpu.memref_slice %arg6[%dma_wait3A_1358, %dma_wait3A_1360, %dma_wait3A_1361] : memref<10x64x128xf32, #tpu.memory_space<vmem>> -> memref<1x64x128xf32, #tpu.memory_space<vmem>>
      %dma_wait3A_1363 = tpu.memref_squeeze %dma_wait3A_1362 : memref<1x64x128xf32, #tpu.memory_space<vmem>> -> memref<64x128xf32, #tpu.memory_space<vmem>>
      %dma_wait3A_1364 = arith.constant 0 : i32
      %dma_wait3A_1365 = arith.constant 0 : i32
      %dma_wait3A_1366 = tpu.memref_slice %arg3[%dma_wait3A_1364, %dma_wait3A_1365] : memref<100000x128xf32, #tpu.memory_space<hbm>> -> memref<64x128xf32, #tpu.memory_space<hbm>>
      %dma_wait3A_1367 = tpu.memref_slice %arg8[%dma_wait3A_1359] : memref<10x!tpu.dma_semaphore, #tpu.memory_space<semaphore_mem>> -> memref<1x!tpu.dma_semaphore, #tpu.memory_space<semaphore_mem>>
      %dma_wait3A_1368 = tpu.memref_squeeze %dma_wait3A_1367 : memref<1x!tpu.dma_semaphore, #tpu.memory_space<semaphore_mem>> -> memref<!tpu.dma_semaphore, #tpu.memory_space<semaphore_mem>>
      %dma_wait3A_1369 = arith.constant 0 : i32
      %dma_wait3A_1370 = arith.constant 0 : i32
      %dma_wait3A_1371 = tpu.memref_slice %arg6[%dma_wait3A_1358, %dma_wait3A_1369, %dma_wait3A_1370] : memref<10x64x128xf32, #tpu.memory_space<vmem>> -> memref<1x64x128xf32, #tpu.memory_space<vmem>>
      %dma_wait3A_1372 = tpu.memref_squeeze %dma_wait3A_1371 : memref<1x64x128xf32, #tpu.memory_space<vmem>> -> memref<64x128xf32, #tpu.memory_space<vmem>>
      %dma_wait3A_1373 = arith.constant 0 : i32
      %dma_wait3A_1374 = arith.constant 0 : i32
      %dma_wait3A_1375 = tpu.memref_slice %arg3[%dma_wait3A_1373, %dma_wait3A_1374] : memref<100000x128xf32, #tpu.memory_space<hbm>> -> memref<64x128xf32, #tpu.memory_space<hbm>>
      tpu.wait_dma2 semaphore(%dma_wait3A_1368 : memref<!tpu.dma_semaphore, #tpu.memory_space<semaphore_mem>>) src(%dma_wait3A_1375 : memref<64x128xf32, #tpu.memory_space<hbm>>) dst(%dma_wait3A_1372 : memref<64x128xf32, #tpu.memory_space<vmem>>)
      %dma_start3A_1376 = arith.constant 9 : i32
      %dma_start3A_1377 = arith.constant 9 : i32
      %dma_start3A_1378 = arith.constant 0 : i32
      %dma_start3A_1379 = arith.constant 0 : i32
      %dma_start3A_1380 = tpu.memref_slice %arg6[%dma_start3A_1376, %dma_start3A_1378, %dma_start3A_1379] : memref<10x64x128xf32, #tpu.memory_space<vmem>> -> memref<1x64x128xf32, #tpu.memory_space<vmem>>
      %dma_start3A_1381 = tpu.memref_squeeze %dma_start3A_1380 : memref<1x64x128xf32, #tpu.memory_space<vmem>> -> memref<64x128xf32, #tpu.memory_space<vmem>>
      %dma_start3A_1382 = arith.constant 0 : i32
      %dma_start3A_1383 = tpu.memref_slice %arg5[%add3A_1357, %dma_start3A_1382] : memref<100x64xi32, #tpu.memory_space<vmem>> -> memref<1x64xi32, #tpu.memory_space<vmem>>
      %dma_start3A_1384 = tpu.memref_squeeze %dma_start3A_1383 : memref<1x64xi32, #tpu.memory_space<vmem>> -> memref<64xi32, #tpu.memory_space<vmem>>
      %dma_start3A_1385 = arith.constant 0 : i32
      %dma_start3A_1386 = arith.constant 0 : i32
      %dma_start3A_1387 = tpu.memref_slice %arg3[%dma_start3A_1385, %dma_start3A_1386] : memref<100000x128xf32, #tpu.memory_space<hbm>> -> memref<100000x128xf32, #tpu.memory_space<hbm>>
      %dma_start3A_1388 = tpu.memref_slice %arg7[%dma_start3A_1377] : memref<10x!tpu.dma_semaphore, #tpu.memory_space<semaphore_mem>> -> memref<1x!tpu.dma_semaphore, #tpu.memory_space<semaphore_mem>>
      %dma_start3A_1389 = tpu.memref_squeeze %dma_start3A_1388 : memref<1x!tpu.dma_semaphore, #tpu.memory_space<semaphore_mem>> -> memref<!tpu.dma_semaphore, #tpu.memory_space<semaphore_mem>>
      tpu.enqueue_indirect_dma source(%dma_start3A_1387 : memref<100000x128xf32, #tpu.memory_space<hbm>>) target(%dma_start3A_1381 : memref<64x128xf32, #tpu.memory_space<vmem>>) offsets(%dma_start3A_1384 : memref<64xi32, #tpu.memory_space<vmem>>) semaphore(%dma_start3A_1389 : memref<!tpu.dma_semaphore, #tpu.memory_space<semaphore_mem>>)
      %dma_wait3A_1390 = arith.constant 0 : i32
      %dma_wait3A_1391 = arith.constant 0 : i32
      %dma_wait3A_1392 = arith.constant 0 : i32
      %dma_wait3A_1393 = arith.constant 0 : i32
      %dma_wait3A_1394 = tpu.memref_slice %arg6[%dma_wait3A_1390, %dma_wait3A_1392, %dma_wait3A_1393] : memref<10x64x128xf32, #tpu.memory_space<vmem>> -> memref<1x64x128xf32, #tpu.memory_space<vmem>>
      %dma_wait3A_1395 = tpu.memref_squeeze %dma_wait3A_1394 : memref<1x64x128xf32, #tpu.memory_space<vmem>> -> memref<64x128xf32, #tpu.memory_space<vmem>>
      %dma_wait3A_1396 = arith.constant 0 : i32
      %dma_wait3A_1397 = arith.constant 0 : i32
      %dma_wait3A_1398 = tpu.memref_slice %arg3[%dma_wait3A_1396, %dma_wait3A_1397] : memref<100000x128xf32, #tpu.memory_space<hbm>> -> memref<64x128xf32, #tpu.memory_space<hbm>>
      %dma_wait3A_1399 = tpu.memref_slice %arg7[%dma_wait3A_1391] : memref<10x!tpu.dma_semaphore, #tpu.memory_space<semaphore_mem>> -> memref<1x!tpu.dma_semaphore, #tpu.memory_space<semaphore_mem>>
      %dma_wait3A_1400 = tpu.memref_squeeze %dma_wait3A_1399 : memref<1x!tpu.dma_semaphore, #tpu.memory_space<semaphore_mem>> -> memref<!tpu.dma_semaphore, #tpu.memory_space<semaphore_mem>>
      %dma_wait3A_1401 = arith.constant 0 : i32
      %dma_wait3A_1402 = arith.constant 0 : i32
      %dma_wait3A_1403 = tpu.memref_slice %arg6[%dma_wait3A_1390, %dma_wait3A_1401, %dma_wait3A_1402] : memref<10x64x128xf32, #tpu.memory_space<vmem>> -> memref<1x64x128xf32, #tpu.memory_space<vmem>>
      %dma_wait3A_1404 = tpu.memref_squeeze %dma_wait3A_1403 : memref<1x64x128xf32, #tpu.memory_space<vmem>> -> memref<64x128xf32, #tpu.memory_space<vmem>>
      %dma_wait3A_1405 = arith.constant 0 : i32
      %dma_wait3A_1406 = arith.constant 0 : i32
      %dma_wait3A_1407 = tpu.memref_slice %arg3[%dma_wait3A_1405, %dma_wait3A_1406] : memref<100000x128xf32, #tpu.memory_space<hbm>> -> memref<64x128xf32, #tpu.memory_space<hbm>>
      tpu.wait_dma2 semaphore(%dma_wait3A_1400 : memref<!tpu.dma_semaphore, #tpu.memory_space<semaphore_mem>>) src(%dma_wait3A_1407 : memref<64x128xf32, #tpu.memory_space<hbm>>) dst(%dma_wait3A_1404 : memref<64x128xf32, #tpu.memory_space<vmem>>)
      %sub3A_1408 = arith.constant 9 : i32
      %sub3A_1409 = arith.subi %add3A_1357, %sub3A_1408 : i32
      %mul3A_1410 = arith.constant 64 : i32
      %mul3A_1411 = arith.muli %sub3A_1409, %mul3A_1410 : i32
      %add3A_1412 = arith.addi %mul3A_2, %mul3A_1411 : i32
      %dma_start3A_1413 = arith.constant 0 : i32
      %dma_start3A_1414 = arith.constant 0 : i32
      %dma_start3A_1415 = arith.constant 0 : i32
      %dma_start3A_1416 = arith.constant 0 : i32
      %dma_start3A_1417 = tpu.memref_slice %arg6[%dma_start3A_1413, %dma_start3A_1415, %dma_start3A_1416] : memref<10x64x128xf32, #tpu.memory_space<vmem>> -> memref<1x64x128xf32, #tpu.memory_space<vmem>>
      %dma_start3A_1418 = tpu.memref_squeeze %dma_start3A_1417 : memref<1x64x128xf32, #tpu.memory_space<vmem>> -> memref<64x128xf32, #tpu.memory_space<vmem>>
      %dma_start3A_1419 = arith.constant 0 : i32
      %dma_start3A_1420 = tpu.memref_slice %arg4[%add3A_1412, %dma_start3A_1419] : memref<204800x128xf32, #tpu.memory_space<hbm>> -> memref<64x128xf32, #tpu.memory_space<hbm>>
      %dma_start3A_1421 = tpu.memref_slice %arg8[%dma_start3A_1414] : memref<10x!tpu.dma_semaphore, #tpu.memory_space<semaphore_mem>> -> memref<1x!tpu.dma_semaphore, #tpu.memory_space<semaphore_mem>>
      %dma_start3A_1422 = tpu.memref_squeeze %dma_start3A_1421 : memref<1x!tpu.dma_semaphore, #tpu.memory_space<semaphore_mem>> -> memref<!tpu.dma_semaphore, #tpu.memory_space<semaphore_mem>>
      %dma_start3A_1423 = arith.constant 0 : i32
      %dma_start3A_1424 = tpu.memref_slice %arg4[%add3A_1412, %dma_start3A_1423] : memref<204800x128xf32, #tpu.memory_space<hbm>> -> memref<64x128xf32, #tpu.memory_space<hbm>>
      %dma_start3A_1425 = arith.constant 0 : i32
      %dma_start3A_1426 = arith.constant 0 : i32
      %dma_start3A_1427 = tpu.memref_slice %arg6[%dma_start3A_1413, %dma_start3A_1425, %dma_start3A_1426] : memref<10x64x128xf32, #tpu.memory_space<vmem>> -> memref<1x64x128xf32, #tpu.memory_space<vmem>>
      %dma_start3A_1428 = tpu.memref_squeeze %dma_start3A_1427 : memref<1x64x128xf32, #tpu.memory_space<vmem>> -> memref<64x128xf32, #tpu.memory_space<vmem>>
      tpu.enqueue_dma source(%dma_start3A_1428 : memref<64x128xf32, #tpu.memory_space<vmem>>) target(%dma_start3A_1424 : memref<64x128xf32, #tpu.memory_space<hbm>>) target_semaphore(%dma_start3A_1422 : memref<!tpu.dma_semaphore, #tpu.memory_space<semaphore_mem>>)
    }
    %scan3A_190 = arith.constant 9 : i32
    %dma_wait3A_191 = arith.constant 1 : i32
    %dma_wait3A_192 = arith.constant 1 : i32
    %dma_wait3A_193 = arith.constant 0 : i32
    %dma_wait3A_194 = arith.constant 0 : i32
    %dma_wait3A_195 = tpu.memref_slice %arg6[%dma_wait3A_191, %dma_wait3A_193, %dma_wait3A_194] : memref<10x64x128xf32, #tpu.memory_space<vmem>> -> memref<1x64x128xf32, #tpu.memory_space<vmem>>
    %dma_wait3A_196 = tpu.memref_squeeze %dma_wait3A_195 : memref<1x64x128xf32, #tpu.memory_space<vmem>> -> memref<64x128xf32, #tpu.memory_space<vmem>>
    %dma_wait3A_197 = arith.constant 0 : i32
    %dma_wait3A_198 = arith.constant 0 : i32
    %dma_wait3A_199 = tpu.memref_slice %arg3[%dma_wait3A_197, %dma_wait3A_198] : memref<100000x128xf32, #tpu.memory_space<hbm>> -> memref<64x128xf32, #tpu.memory_space<hbm>>
    %dma_wait3A_200 = tpu.memref_slice %arg7[%dma_wait3A_192] : memref<10x!tpu.dma_semaphore, #tpu.memory_space<semaphore_mem>> -> memref<1x!tpu.dma_semaphore, #tpu.memory_space<semaphore_mem>>
    %dma_wait3A_201 = tpu.memref_squeeze %dma_wait3A_200 : memref<1x!tpu.dma_semaphore, #tpu.memory_space<semaphore_mem>> -> memref<!tpu.dma_semaphore, #tpu.memory_space<semaphore_mem>>
    %dma_wait3A_202 = arith.constant 0 : i32
    %dma_wait3A_203 = arith.constant 0 : i32
    %dma_wait3A_204 = tpu.memref_slice %arg6[%dma_wait3A_191, %dma_wait3A_202, %dma_wait3A_203] : memref<10x64x128xf32, #tpu.memory_space<vmem>> -> memref<1x64x128xf32, #tpu.memory_space<vmem>>
    %dma_wait3A_205 = tpu.memref_squeeze %dma_wait3A_204 : memref<1x64x128xf32, #tpu.memory_space<vmem>> -> memref<64x128xf32, #tpu.memory_space<vmem>>
    %dma_wait3A_206 = arith.constant 0 : i32
    %dma_wait3A_207 = arith.constant 0 : i32
    %dma_wait3A_208 = tpu.memref_slice %arg3[%dma_wait3A_206, %dma_wait3A_207] : memref<100000x128xf32, #tpu.memory_space<hbm>> -> memref<64x128xf32, #tpu.memory_space<hbm>>
    tpu.wait_dma2 semaphore(%dma_wait3A_201 : memref<!tpu.dma_semaphore, #tpu.memory_space<semaphore_mem>>) src(%dma_wait3A_208 : memref<64x128xf32, #tpu.memory_space<hbm>>) dst(%dma_wait3A_205 : memref<64x128xf32, #tpu.memory_space<vmem>>)
    %add3A_209 = arith.constant 5824 : i32
    %add3A_210 = arith.addi %mul3A_2, %add3A_209 : i32
    %dma_start3A_211 = arith.constant 1 : i32
    %dma_start3A_212 = arith.constant 1 : i32
    %dma_start3A_213 = arith.constant 0 : i32
    %dma_start3A_214 = arith.constant 0 : i32
    %dma_start3A_215 = tpu.memref_slice %arg6[%dma_start3A_211, %dma_start3A_213, %dma_start3A_214] : memref<10x64x128xf32, #tpu.memory_space<vmem>> -> memref<1x64x128xf32, #tpu.memory_space<vmem>>
    %dma_start3A_216 = tpu.memref_squeeze %dma_start3A_215 : memref<1x64x128xf32, #tpu.memory_space<vmem>> -> memref<64x128xf32, #tpu.memory_space<vmem>>
    %dma_start3A_217 = arith.constant 0 : i32
    %dma_start3A_218 = tpu.memref_slice %arg4[%add3A_210, %dma_start3A_217] : memref<204800x128xf32, #tpu.memory_space<hbm>> -> memref<64x128xf32, #tpu.memory_space<hbm>>
    %dma_start3A_219 = tpu.memref_slice %arg8[%dma_start3A_212] : memref<10x!tpu.dma_semaphore, #tpu.memory_space<semaphore_mem>> -> memref<1x!tpu.dma_semaphore, #tpu.memory_space<semaphore_mem>>
    %dma_start3A_220 = tpu.memref_squeeze %dma_start3A_219 : memref<1x!tpu.dma_semaphore, #tpu.memory_space<semaphore_mem>> -> memref<!tpu.dma_semaphore, #tpu.memory_space<semaphore_mem>>
    %dma_start3A_221 = arith.constant 0 : i32
    %dma_start3A_222 = tpu.memref_slice %arg4[%add3A_210, %dma_start3A_221] : memref<204800x128xf32, #tpu.memory_space<hbm>> -> memref<64x128xf32, #tpu.memory_space<hbm>>
    %dma_start3A_223 = arith.constant 0 : i32
    %dma_start3A_224 = arith.constant 0 : i32
    %dma_start3A_225 = tpu.memref_slice %arg6[%dma_start3A_211, %dma_start3A_223, %dma_start3A_224] : memref<10x64x128xf32, #tpu.memory_space<vmem>> -> memref<1x64x128xf32, #tpu.memory_space<vmem>>
    %dma_start3A_226 = tpu.memref_squeeze %dma_start3A_225 : memref<1x64x128xf32, #tpu.memory_space<vmem>> -> memref<64x128xf32, #tpu.memory_space<vmem>>
    tpu.enqueue_dma source(%dma_start3A_226 : memref<64x128xf32, #tpu.memory_space<vmem>>) target(%dma_start3A_222 : memref<64x128xf32, #tpu.memory_space<hbm>>) target_semaphore(%dma_start3A_220 : memref<!tpu.dma_semaphore, #tpu.memory_space<semaphore_mem>>)
    %dma_wait3A_227 = arith.constant 2 : i32
    %dma_wait3A_228 = arith.constant 2 : i32
    %dma_wait3A_229 = arith.constant 0 : i32
    %dma_wait3A_230 = arith.constant 0 : i32
    %dma_wait3A_231 = tpu.memref_slice %arg6[%dma_wait3A_227, %dma_wait3A_229, %dma_wait3A_230] : memref<10x64x128xf32, #tpu.memory_space<vmem>> -> memref<1x64x128xf32, #tpu.memory_space<vmem>>
    %dma_wait3A_232 = tpu.memref_squeeze %dma_wait3A_231 : memref<1x64x128xf32, #tpu.memory_space<vmem>> -> memref<64x128xf32, #tpu.memory_space<vmem>>
    %dma_wait3A_233 = arith.constant 0 : i32
    %dma_wait3A_234 = arith.constant 0 : i32
    %dma_wait3A_235 = tpu.memref_slice %arg3[%dma_wait3A_233, %dma_wait3A_234] : memref<100000x128xf32, #tpu.memory_space<hbm>> -> memref<64x128xf32, #tpu.memory_space<hbm>>
    %dma_wait3A_236 = tpu.memref_slice %arg7[%dma_wait3A_228] : memref<10x!tpu.dma_semaphore, #tpu.memory_space<semaphore_mem>> -> memref<1x!tpu.dma_semaphore, #tpu.memory_space<semaphore_mem>>
    %dma_wait3A_237 = tpu.memref_squeeze %dma_wait3A_236 : memref<1x!tpu.dma_semaphore, #tpu.memory_space<semaphore_mem>> -> memref<!tpu.dma_semaphore, #tpu.memory_space<semaphore_mem>>
    %dma_wait3A_238 = arith.constant 0 : i32
    %dma_wait3A_239 = arith.constant 0 : i32
    %dma_wait3A_240 = tpu.memref_slice %arg6[%dma_wait3A_227, %dma_wait3A_238, %dma_wait3A_239] : memref<10x64x128xf32, #tpu.memory_space<vmem>> -> memref<1x64x128xf32, #tpu.memory_space<vmem>>
    %dma_wait3A_241 = tpu.memref_squeeze %dma_wait3A_240 : memref<1x64x128xf32, #tpu.memory_space<vmem>> -> memref<64x128xf32, #tpu.memory_space<vmem>>
    %dma_wait3A_242 = arith.constant 0 : i32
    %dma_wait3A_243 = arith.constant 0 : i32
    %dma_wait3A_244 = tpu.memref_slice %arg3[%dma_wait3A_242, %dma_wait3A_243] : memref<100000x128xf32, #tpu.memory_space<hbm>> -> memref<64x128xf32, #tpu.memory_space<hbm>>
    tpu.wait_dma2 semaphore(%dma_wait3A_237 : memref<!tpu.dma_semaphore, #tpu.memory_space<semaphore_mem>>) src(%dma_wait3A_244 : memref<64x128xf32, #tpu.memory_space<hbm>>) dst(%dma_wait3A_241 : memref<64x128xf32, #tpu.memory_space<vmem>>)
    %add3A_245 = arith.constant 5888 : i32
    %add3A_246 = arith.addi %mul3A_2, %add3A_245 : i32
    %dma_start3A_247 = arith.constant 2 : i32
    %dma_start3A_248 = arith.constant 2 : i32
    %dma_start3A_249 = arith.constant 0 : i32
    %dma_start3A_250 = arith.constant 0 : i32
    %dma_start3A_251 = tpu.memref_slice %arg6[%dma_start3A_247, %dma_start3A_249, %dma_start3A_250] : memref<10x64x128xf32, #tpu.memory_space<vmem>> -> memref<1x64x128xf32, #tpu.memory_space<vmem>>
    %dma_start3A_252 = tpu.memref_squeeze %dma_start3A_251 : memref<1x64x128xf32, #tpu.memory_space<vmem>> -> memref<64x128xf32, #tpu.memory_space<vmem>>
    %dma_start3A_253 = arith.constant 0 : i32
    %dma_start3A_254 = tpu.memref_slice %arg4[%add3A_246, %dma_start3A_253] : memref<204800x128xf32, #tpu.memory_space<hbm>> -> memref<64x128xf32, #tpu.memory_space<hbm>>
    %dma_start3A_255 = tpu.memref_slice %arg8[%dma_start3A_248] : memref<10x!tpu.dma_semaphore, #tpu.memory_space<semaphore_mem>> -> memref<1x!tpu.dma_semaphore, #tpu.memory_space<semaphore_mem>>
    %dma_start3A_256 = tpu.memref_squeeze %dma_start3A_255 : memref<1x!tpu.dma_semaphore, #tpu.memory_space<semaphore_mem>> -> memref<!tpu.dma_semaphore, #tpu.memory_space<semaphore_mem>>
    %dma_start3A_257 = arith.constant 0 : i32
    %dma_start3A_258 = tpu.memref_slice %arg4[%add3A_246, %dma_start3A_257] : memref<204800x128xf32, #tpu.memory_space<hbm>> -> memref<64x128xf32, #tpu.memory_space<hbm>>
    %dma_start3A_259 = arith.constant 0 : i32
    %dma_start3A_260 = arith.constant 0 : i32
    %dma_start3A_261 = tpu.memref_slice %arg6[%dma_start3A_247, %dma_start3A_259, %dma_start3A_260] : memref<10x64x128xf32, #tpu.memory_space<vmem>> -> memref<1x64x128xf32, #tpu.memory_space<vmem>>
    %dma_start3A_262 = tpu.memref_squeeze %dma_start3A_261 : memref<1x64x128xf32, #tpu.memory_space<vmem>> -> memref<64x128xf32, #tpu.memory_space<vmem>>
    tpu.enqueue_dma source(%dma_start3A_262 : memref<64x128xf32, #tpu.memory_space<vmem>>) target(%dma_start3A_258 : memref<64x128xf32, #tpu.memory_space<hbm>>) target_semaphore(%dma_start3A_256 : memref<!tpu.dma_semaphore, #tpu.memory_space<semaphore_mem>>)
    %dma_wait3A_263 = arith.constant 3 : i32
    %dma_wait3A_264 = arith.constant 3 : i32
    %dma_wait3A_265 = arith.constant 0 : i32
    %dma_wait3A_266 = arith.constant 0 : i32
    %dma_wait3A_267 = tpu.memref_slice %arg6[%dma_wait3A_263, %dma_wait3A_265, %dma_wait3A_266] : memref<10x64x128xf32, #tpu.memory_space<vmem>> -> memref<1x64x128xf32, #tpu.memory_space<vmem>>
    %dma_wait3A_268 = tpu.memref_squeeze %dma_wait3A_267 : memref<1x64x128xf32, #tpu.memory_space<vmem>> -> memref<64x128xf32, #tpu.memory_space<vmem>>
    %dma_wait3A_269 = arith.constant 0 : i32
    %dma_wait3A_270 = arith.constant 0 : i32
    %dma_wait3A_271 = tpu.memref_slice %arg3[%dma_wait3A_269, %dma_wait3A_270] : memref<100000x128xf32, #tpu.memory_space<hbm>> -> memref<64x128xf32, #tpu.memory_space<hbm>>
    %dma_wait3A_272 = tpu.memref_slice %arg7[%dma_wait3A_264] : memref<10x!tpu.dma_semaphore, #tpu.memory_space<semaphore_mem>> -> memref<1x!tpu.dma_semaphore, #tpu.memory_space<semaphore_mem>>
    %dma_wait3A_273 = tpu.memref_squeeze %dma_wait3A_272 : memref<1x!tpu.dma_semaphore, #tpu.memory_space<semaphore_mem>> -> memref<!tpu.dma_semaphore, #tpu.memory_space<semaphore_mem>>
    %dma_wait3A_274 = arith.constant 0 : i32
    %dma_wait3A_275 = arith.constant 0 : i32
    %dma_wait3A_276 = tpu.memref_slice %arg6[%dma_wait3A_263, %dma_wait3A_274, %dma_wait3A_275] : memref<10x64x128xf32, #tpu.memory_space<vmem>> -> memref<1x64x128xf32, #tpu.memory_space<vmem>>
    %dma_wait3A_277 = tpu.memref_squeeze %dma_wait3A_276 : memref<1x64x128xf32, #tpu.memory_space<vmem>> -> memref<64x128xf32, #tpu.memory_space<vmem>>
    %dma_wait3A_278 = arith.constant 0 : i32
    %dma_wait3A_279 = arith.constant 0 : i32
    %dma_wait3A_280 = tpu.memref_slice %arg3[%dma_wait3A_278, %dma_wait3A_279] : memref<100000x128xf32, #tpu.memory_space<hbm>> -> memref<64x128xf32, #tpu.memory_space<hbm>>
    tpu.wait_dma2 semaphore(%dma_wait3A_273 : memref<!tpu.dma_semaphore, #tpu.memory_space<semaphore_mem>>) src(%dma_wait3A_280 : memref<64x128xf32, #tpu.memory_space<hbm>>) dst(%dma_wait3A_277 : memref<64x128xf32, #tpu.memory_space<vmem>>)
    %add3A_281 = arith.constant 5952 : i32
    %add3A_282 = arith.addi %mul3A_2, %add3A_281 : i32
    %dma_start3A_283 = arith.constant 3 : i32
    %dma_start3A_284 = arith.constant 3 : i32
    %dma_start3A_285 = arith.constant 0 : i32
    %dma_start3A_286 = arith.constant 0 : i32
    %dma_start3A_287 = tpu.memref_slice %arg6[%dma_start3A_283, %dma_start3A_285, %dma_start3A_286] : memref<10x64x128xf32, #tpu.memory_space<vmem>> -> memref<1x64x128xf32, #tpu.memory_space<vmem>>
    %dma_start3A_288 = tpu.memref_squeeze %dma_start3A_287 : memref<1x64x128xf32, #tpu.memory_space<vmem>> -> memref<64x128xf32, #tpu.memory_space<vmem>>
    %dma_start3A_289 = arith.constant 0 : i32
    %dma_start3A_290 = tpu.memref_slice %arg4[%add3A_282, %dma_start3A_289] : memref<204800x128xf32, #tpu.memory_space<hbm>> -> memref<64x128xf32, #tpu.memory_space<hbm>>
    %dma_start3A_291 = tpu.memref_slice %arg8[%dma_start3A_284] : memref<10x!tpu.dma_semaphore, #tpu.memory_space<semaphore_mem>> -> memref<1x!tpu.dma_semaphore, #tpu.memory_space<semaphore_mem>>
    %dma_start3A_292 = tpu.memref_squeeze %dma_start3A_291 : memref<1x!tpu.dma_semaphore, #tpu.memory_space<semaphore_mem>> -> memref<!tpu.dma_semaphore, #tpu.memory_space<semaphore_mem>>
    %dma_start3A_293 = arith.constant 0 : i32
    %dma_start3A_294 = tpu.memref_slice %arg4[%add3A_282, %dma_start3A_293] : memref<204800x128xf32, #tpu.memory_space<hbm>> -> memref<64x128xf32, #tpu.memory_space<hbm>>
    %dma_start3A_295 = arith.constant 0 : i32
    %dma_start3A_296 = arith.constant 0 : i32
    %dma_start3A_297 = tpu.memref_slice %arg6[%dma_start3A_283, %dma_start3A_295, %dma_start3A_296] : memref<10x64x128xf32, #tpu.memory_space<vmem>> -> memref<1x64x128xf32, #tpu.memory_space<vmem>>
    %dma_start3A_298 = tpu.memref_squeeze %dma_start3A_297 : memref<1x64x128xf32, #tpu.memory_space<vmem>> -> memref<64x128xf32, #tpu.memory_space<vmem>>
    tpu.enqueue_dma source(%dma_start3A_298 : memref<64x128xf32, #tpu.memory_space<vmem>>) target(%dma_start3A_294 : memref<64x128xf32, #tpu.memory_space<hbm>>) target_semaphore(%dma_start3A_292 : memref<!tpu.dma_semaphore, #tpu.memory_space<semaphore_mem>>)
    %dma_wait3A_299 = arith.constant 4 : i32
    %dma_wait3A_300 = arith.constant 4 : i32
    %dma_wait3A_301 = arith.constant 0 : i32
    %dma_wait3A_302 = arith.constant 0 : i32
    %dma_wait3A_303 = tpu.memref_slice %arg6[%dma_wait3A_299, %dma_wait3A_301, %dma_wait3A_302] : memref<10x64x128xf32, #tpu.memory_space<vmem>> -> memref<1x64x128xf32, #tpu.memory_space<vmem>>
    %dma_wait3A_304 = tpu.memref_squeeze %dma_wait3A_303 : memref<1x64x128xf32, #tpu.memory_space<vmem>> -> memref<64x128xf32, #tpu.memory_space<vmem>>
    %dma_wait3A_305 = arith.constant 0 : i32
    %dma_wait3A_306 = arith.constant 0 : i32
    %dma_wait3A_307 = tpu.memref_slice %arg3[%dma_wait3A_305, %dma_wait3A_306] : memref<100000x128xf32, #tpu.memory_space<hbm>> -> memref<64x128xf32, #tpu.memory_space<hbm>>
    %dma_wait3A_308 = tpu.memref_slice %arg7[%dma_wait3A_300] : memref<10x!tpu.dma_semaphore, #tpu.memory_space<semaphore_mem>> -> memref<1x!tpu.dma_semaphore, #tpu.memory_space<semaphore_mem>>
    %dma_wait3A_309 = tpu.memref_squeeze %dma_wait3A_308 : memref<1x!tpu.dma_semaphore, #tpu.memory_space<semaphore_mem>> -> memref<!tpu.dma_semaphore, #tpu.memory_space<semaphore_mem>>
    %dma_wait3A_310 = arith.constant 0 : i32
    %dma_wait3A_311 = arith.constant 0 : i32
    %dma_wait3A_312 = tpu.memref_slice %arg6[%dma_wait3A_299, %dma_wait3A_310, %dma_wait3A_311] : memref<10x64x128xf32, #tpu.memory_space<vmem>> -> memref<1x64x128xf32, #tpu.memory_space<vmem>>
    %dma_wait3A_313 = tpu.memref_squeeze %dma_wait3A_312 : memref<1x64x128xf32, #tpu.memory_space<vmem>> -> memref<64x128xf32, #tpu.memory_space<vmem>>
    %dma_wait3A_314 = arith.constant 0 : i32
    %dma_wait3A_315 = arith.constant 0 : i32
    %dma_wait3A_316 = tpu.memref_slice %arg3[%dma_wait3A_314, %dma_wait3A_315] : memref<100000x128xf32, #tpu.memory_space<hbm>> -> memref<64x128xf32, #tpu.memory_space<hbm>>
    tpu.wait_dma2 semaphore(%dma_wait3A_309 : memref<!tpu.dma_semaphore, #tpu.memory_space<semaphore_mem>>) src(%dma_wait3A_316 : memref<64x128xf32, #tpu.memory_space<hbm>>) dst(%dma_wait3A_313 : memref<64x128xf32, #tpu.memory_space<vmem>>)
    %add3A_317 = arith.constant 6016 : i32
    %add3A_318 = arith.addi %mul3A_2, %add3A_317 : i32
    %dma_start3A_319 = arith.constant 4 : i32
    %dma_start3A_320 = arith.constant 4 : i32
    %dma_start3A_321 = arith.constant 0 : i32
    %dma_start3A_322 = arith.constant 0 : i32
    %dma_start3A_323 = tpu.memref_slice %arg6[%dma_start3A_319, %dma_start3A_321, %dma_start3A_322] : memref<10x64x128xf32, #tpu.memory_space<vmem>> -> memref<1x64x128xf32, #tpu.memory_space<vmem>>
    %dma_start3A_324 = tpu.memref_squeeze %dma_start3A_323 : memref<1x64x128xf32, #tpu.memory_space<vmem>> -> memref<64x128xf32, #tpu.memory_space<vmem>>
    %dma_start3A_325 = arith.constant 0 : i32
    %dma_start3A_326 = tpu.memref_slice %arg4[%add3A_318, %dma_start3A_325] : memref<204800x128xf32, #tpu.memory_space<hbm>> -> memref<64x128xf32, #tpu.memory_space<hbm>>
    %dma_start3A_327 = tpu.memref_slice %arg8[%dma_start3A_320] : memref<10x!tpu.dma_semaphore, #tpu.memory_space<semaphore_mem>> -> memref<1x!tpu.dma_semaphore, #tpu.memory_space<semaphore_mem>>
    %dma_start3A_328 = tpu.memref_squeeze %dma_start3A_327 : memref<1x!tpu.dma_semaphore, #tpu.memory_space<semaphore_mem>> -> memref<!tpu.dma_semaphore, #tpu.memory_space<semaphore_mem>>
    %dma_start3A_329 = arith.constant 0 : i32
    %dma_start3A_330 = tpu.memref_slice %arg4[%add3A_318, %dma_start3A_329] : memref<204800x128xf32, #tpu.memory_space<hbm>> -> memref<64x128xf32, #tpu.memory_space<hbm>>
    %dma_start3A_331 = arith.constant 0 : i32
    %dma_start3A_332 = arith.constant 0 : i32
    %dma_start3A_333 = tpu.memref_slice %arg6[%dma_start3A_319, %dma_start3A_331, %dma_start3A_332] : memref<10x64x128xf32, #tpu.memory_space<vmem>> -> memref<1x64x128xf32, #tpu.memory_space<vmem>>
    %dma_start3A_334 = tpu.memref_squeeze %dma_start3A_333 : memref<1x64x128xf32, #tpu.memory_space<vmem>> -> memref<64x128xf32, #tpu.memory_space<vmem>>
    tpu.enqueue_dma source(%dma_start3A_334 : memref<64x128xf32, #tpu.memory_space<vmem>>) target(%dma_start3A_330 : memref<64x128xf32, #tpu.memory_space<hbm>>) target_semaphore(%dma_start3A_328 : memref<!tpu.dma_semaphore, #tpu.memory_space<semaphore_mem>>)
    %dma_wait3A_335 = arith.constant 5 : i32
    %dma_wait3A_336 = arith.constant 5 : i32
    %dma_wait3A_337 = arith.constant 0 : i32
    %dma_wait3A_338 = arith.constant 0 : i32
    %dma_wait3A_339 = tpu.memref_slice %arg6[%dma_wait3A_335, %dma_wait3A_337, %dma_wait3A_338] : memref<10x64x128xf32, #tpu.memory_space<vmem>> -> memref<1x64x128xf32, #tpu.memory_space<vmem>>
    %dma_wait3A_340 = tpu.memref_squeeze %dma_wait3A_339 : memref<1x64x128xf32, #tpu.memory_space<vmem>> -> memref<64x128xf32, #tpu.memory_space<vmem>>
    %dma_wait3A_341 = arith.constant 0 : i32
    %dma_wait3A_342 = arith.constant 0 : i32
    %dma_wait3A_343 = tpu.memref_slice %arg3[%dma_wait3A_341, %dma_wait3A_342] : memref<100000x128xf32, #tpu.memory_space<hbm>> -> memref<64x128xf32, #tpu.memory_space<hbm>>
    %dma_wait3A_344 = tpu.memref_slice %arg7[%dma_wait3A_336] : memref<10x!tpu.dma_semaphore, #tpu.memory_space<semaphore_mem>> -> memref<1x!tpu.dma_semaphore, #tpu.memory_space<semaphore_mem>>
    %dma_wait3A_345 = tpu.memref_squeeze %dma_wait3A_344 : memref<1x!tpu.dma_semaphore, #tpu.memory_space<semaphore_mem>> -> memref<!tpu.dma_semaphore, #tpu.memory_space<semaphore_mem>>
    %dma_wait3A_346 = arith.constant 0 : i32
    %dma_wait3A_347 = arith.constant 0 : i32
    %dma_wait3A_348 = tpu.memref_slice %arg6[%dma_wait3A_335, %dma_wait3A_346, %dma_wait3A_347] : memref<10x64x128xf32, #tpu.memory_space<vmem>> -> memref<1x64x128xf32, #tpu.memory_space<vmem>>
    %dma_wait3A_349 = tpu.memref_squeeze %dma_wait3A_348 : memref<1x64x128xf32, #tpu.memory_space<vmem>> -> memref<64x128xf32, #tpu.memory_space<vmem>>
    %dma_wait3A_350 = arith.constant 0 : i32
    %dma_wait3A_351 = arith.constant 0 : i32
    %dma_wait3A_352 = tpu.memref_slice %arg3[%dma_wait3A_350, %dma_wait3A_351] : memref<100000x128xf32, #tpu.memory_space<hbm>> -> memref<64x128xf32, #tpu.memory_space<hbm>>
    tpu.wait_dma2 semaphore(%dma_wait3A_345 : memref<!tpu.dma_semaphore, #tpu.memory_space<semaphore_mem>>) src(%dma_wait3A_352 : memref<64x128xf32, #tpu.memory_space<hbm>>) dst(%dma_wait3A_349 : memref<64x128xf32, #tpu.memory_space<vmem>>)
    %add3A_353 = arith.constant 6080 : i32
    %add3A_354 = arith.addi %mul3A_2, %add3A_353 : i32
    %dma_start3A_355 = arith.constant 5 : i32
    %dma_start3A_356 = arith.constant 5 : i32
    %dma_start3A_357 = arith.constant 0 : i32
    %dma_start3A_358 = arith.constant 0 : i32
    %dma_start3A_359 = tpu.memref_slice %arg6[%dma_start3A_355, %dma_start3A_357, %dma_start3A_358] : memref<10x64x128xf32, #tpu.memory_space<vmem>> -> memref<1x64x128xf32, #tpu.memory_space<vmem>>
    %dma_start3A_360 = tpu.memref_squeeze %dma_start3A_359 : memref<1x64x128xf32, #tpu.memory_space<vmem>> -> memref<64x128xf32, #tpu.memory_space<vmem>>
    %dma_start3A_361 = arith.constant 0 : i32
    %dma_start3A_362 = tpu.memref_slice %arg4[%add3A_354, %dma_start3A_361] : memref<204800x128xf32, #tpu.memory_space<hbm>> -> memref<64x128xf32, #tpu.memory_space<hbm>>
    %dma_start3A_363 = tpu.memref_slice %arg8[%dma_start3A_356] : memref<10x!tpu.dma_semaphore, #tpu.memory_space<semaphore_mem>> -> memref<1x!tpu.dma_semaphore, #tpu.memory_space<semaphore_mem>>
    %dma_start3A_364 = tpu.memref_squeeze %dma_start3A_363 : memref<1x!tpu.dma_semaphore, #tpu.memory_space<semaphore_mem>> -> memref<!tpu.dma_semaphore, #tpu.memory_space<semaphore_mem>>
    %dma_start3A_365 = arith.constant 0 : i32
    %dma_start3A_366 = tpu.memref_slice %arg4[%add3A_354, %dma_start3A_365] : memref<204800x128xf32, #tpu.memory_space<hbm>> -> memref<64x128xf32, #tpu.memory_space<hbm>>
    %dma_start3A_367 = arith.constant 0 : i32
    %dma_start3A_368 = arith.constant 0 : i32
    %dma_start3A_369 = tpu.memref_slice %arg6[%dma_start3A_355, %dma_start3A_367, %dma_start3A_368] : memref<10x64x128xf32, #tpu.memory_space<vmem>> -> memref<1x64x128xf32, #tpu.memory_space<vmem>>
    %dma_start3A_370 = tpu.memref_squeeze %dma_start3A_369 : memref<1x64x128xf32, #tpu.memory_space<vmem>> -> memref<64x128xf32, #tpu.memory_space<vmem>>
    tpu.enqueue_dma source(%dma_start3A_370 : memref<64x128xf32, #tpu.memory_space<vmem>>) target(%dma_start3A_366 : memref<64x128xf32, #tpu.memory_space<hbm>>) target_semaphore(%dma_start3A_364 : memref<!tpu.dma_semaphore, #tpu.memory_space<semaphore_mem>>)
    %dma_wait3A_371 = arith.constant 6 : i32
    %dma_wait3A_372 = arith.constant 6 : i32
    %dma_wait3A_373 = arith.constant 0 : i32
    %dma_wait3A_374 = arith.constant 0 : i32
    %dma_wait3A_375 = tpu.memref_slice %arg6[%dma_wait3A_371, %dma_wait3A_373, %dma_wait3A_374] : memref<10x64x128xf32, #tpu.memory_space<vmem>> -> memref<1x64x128xf32, #tpu.memory_space<vmem>>
    %dma_wait3A_376 = tpu.memref_squeeze %dma_wait3A_375 : memref<1x64x128xf32, #tpu.memory_space<vmem>> -> memref<64x128xf32, #tpu.memory_space<vmem>>
    %dma_wait3A_377 = arith.constant 0 : i32
    %dma_wait3A_378 = arith.constant 0 : i32
    %dma_wait3A_379 = tpu.memref_slice %arg3[%dma_wait3A_377, %dma_wait3A_378] : memref<100000x128xf32, #tpu.memory_space<hbm>> -> memref<64x128xf32, #tpu.memory_space<hbm>>
    %dma_wait3A_380 = tpu.memref_slice %arg7[%dma_wait3A_372] : memref<10x!tpu.dma_semaphore, #tpu.memory_space<semaphore_mem>> -> memref<1x!tpu.dma_semaphore, #tpu.memory_space<semaphore_mem>>
    %dma_wait3A_381 = tpu.memref_squeeze %dma_wait3A_380 : memref<1x!tpu.dma_semaphore, #tpu.memory_space<semaphore_mem>> -> memref<!tpu.dma_semaphore, #tpu.memory_space<semaphore_mem>>
    %dma_wait3A_382 = arith.constant 0 : i32
    %dma_wait3A_383 = arith.constant 0 : i32
    %dma_wait3A_384 = tpu.memref_slice %arg6[%dma_wait3A_371, %dma_wait3A_382, %dma_wait3A_383] : memref<10x64x128xf32, #tpu.memory_space<vmem>> -> memref<1x64x128xf32, #tpu.memory_space<vmem>>
    %dma_wait3A_385 = tpu.memref_squeeze %dma_wait3A_384 : memref<1x64x128xf32, #tpu.memory_space<vmem>> -> memref<64x128xf32, #tpu.memory_space<vmem>>
    %dma_wait3A_386 = arith.constant 0 : i32
    %dma_wait3A_387 = arith.constant 0 : i32
    %dma_wait3A_388 = tpu.memref_slice %arg3[%dma_wait3A_386, %dma_wait3A_387] : memref<100000x128xf32, #tpu.memory_space<hbm>> -> memref<64x128xf32, #tpu.memory_space<hbm>>
    tpu.wait_dma2 semaphore(%dma_wait3A_381 : memref<!tpu.dma_semaphore, #tpu.memory_space<semaphore_mem>>) src(%dma_wait3A_388 : memref<64x128xf32, #tpu.memory_space<hbm>>) dst(%dma_wait3A_385 : memref<64x128xf32, #tpu.memory_space<vmem>>)
    %add3A_389 = arith.constant 6144 : i32
    %add3A_390 = arith.addi %mul3A_2, %add3A_389 : i32
    %dma_start3A_391 = arith.constant 6 : i32
    %dma_start3A_392 = arith.constant 6 : i32
    %dma_start3A_393 = arith.constant 0 : i32
    %dma_start3A_394 = arith.constant 0 : i32
    %dma_start3A_395 = tpu.memref_slice %arg6[%dma_start3A_391, %dma_start3A_393, %dma_start3A_394] : memref<10x64x128xf32, #tpu.memory_space<vmem>> -> memref<1x64x128xf32, #tpu.memory_space<vmem>>
    %dma_start3A_396 = tpu.memref_squeeze %dma_start3A_395 : memref<1x64x128xf32, #tpu.memory_space<vmem>> -> memref<64x128xf32, #tpu.memory_space<vmem>>
    %dma_start3A_397 = arith.constant 0 : i32
    %dma_start3A_398 = tpu.memref_slice %arg4[%add3A_390, %dma_start3A_397] : memref<204800x128xf32, #tpu.memory_space<hbm>> -> memref<64x128xf32, #tpu.memory_space<hbm>>
    %dma_start3A_399 = tpu.memref_slice %arg8[%dma_start3A_392] : memref<10x!tpu.dma_semaphore, #tpu.memory_space<semaphore_mem>> -> memref<1x!tpu.dma_semaphore, #tpu.memory_space<semaphore_mem>>
    %dma_start3A_400 = tpu.memref_squeeze %dma_start3A_399 : memref<1x!tpu.dma_semaphore, #tpu.memory_space<semaphore_mem>> -> memref<!tpu.dma_semaphore, #tpu.memory_space<semaphore_mem>>
    %dma_start3A_401 = arith.constant 0 : i32
    %dma_start3A_402 = tpu.memref_slice %arg4[%add3A_390, %dma_start3A_401] : memref<204800x128xf32, #tpu.memory_space<hbm>> -> memref<64x128xf32, #tpu.memory_space<hbm>>
    %dma_start3A_403 = arith.constant 0 : i32
    %dma_start3A_404 = arith.constant 0 : i32
    %dma_start3A_405 = tpu.memref_slice %arg6[%dma_start3A_391, %dma_start3A_403, %dma_start3A_404] : memref<10x64x128xf32, #tpu.memory_space<vmem>> -> memref<1x64x128xf32, #tpu.memory_space<vmem>>
    %dma_start3A_406 = tpu.memref_squeeze %dma_start3A_405 : memref<1x64x128xf32, #tpu.memory_space<vmem>> -> memref<64x128xf32, #tpu.memory_space<vmem>>
    tpu.enqueue_dma source(%dma_start3A_406 : memref<64x128xf32, #tpu.memory_space<vmem>>) target(%dma_start3A_402 : memref<64x128xf32, #tpu.memory_space<hbm>>) target_semaphore(%dma_start3A_400 : memref<!tpu.dma_semaphore, #tpu.memory_space<semaphore_mem>>)
    %dma_wait3A_407 = arith.constant 7 : i32
    %dma_wait3A_408 = arith.constant 7 : i32
    %dma_wait3A_409 = arith.constant 0 : i32
    %dma_wait3A_410 = arith.constant 0 : i32
    %dma_wait3A_411 = tpu.memref_slice %arg6[%dma_wait3A_407, %dma_wait3A_409, %dma_wait3A_410] : memref<10x64x128xf32, #tpu.memory_space<vmem>> -> memref<1x64x128xf32, #tpu.memory_space<vmem>>
    %dma_wait3A_412 = tpu.memref_squeeze %dma_wait3A_411 : memref<1x64x128xf32, #tpu.memory_space<vmem>> -> memref<64x128xf32, #tpu.memory_space<vmem>>
    %dma_wait3A_413 = arith.constant 0 : i32
    %dma_wait3A_414 = arith.constant 0 : i32
    %dma_wait3A_415 = tpu.memref_slice %arg3[%dma_wait3A_413, %dma_wait3A_414] : memref<100000x128xf32, #tpu.memory_space<hbm>> -> memref<64x128xf32, #tpu.memory_space<hbm>>
    %dma_wait3A_416 = tpu.memref_slice %arg7[%dma_wait3A_408] : memref<10x!tpu.dma_semaphore, #tpu.memory_space<semaphore_mem>> -> memref<1x!tpu.dma_semaphore, #tpu.memory_space<semaphore_mem>>
    %dma_wait3A_417 = tpu.memref_squeeze %dma_wait3A_416 : memref<1x!tpu.dma_semaphore, #tpu.memory_space<semaphore_mem>> -> memref<!tpu.dma_semaphore, #tpu.memory_space<semaphore_mem>>
    %dma_wait3A_418 = arith.constant 0 : i32
    %dma_wait3A_419 = arith.constant 0 : i32
    %dma_wait3A_420 = tpu.memref_slice %arg6[%dma_wait3A_407, %dma_wait3A_418, %dma_wait3A_419] : memref<10x64x128xf32, #tpu.memory_space<vmem>> -> memref<1x64x128xf32, #tpu.memory_space<vmem>>
    %dma_wait3A_421 = tpu.memref_squeeze %dma_wait3A_420 : memref<1x64x128xf32, #tpu.memory_space<vmem>> -> memref<64x128xf32, #tpu.memory_space<vmem>>
    %dma_wait3A_422 = arith.constant 0 : i32
    %dma_wait3A_423 = arith.constant 0 : i32
    %dma_wait3A_424 = tpu.memref_slice %arg3[%dma_wait3A_422, %dma_wait3A_423] : memref<100000x128xf32, #tpu.memory_space<hbm>> -> memref<64x128xf32, #tpu.memory_space<hbm>>
    tpu.wait_dma2 semaphore(%dma_wait3A_417 : memref<!tpu.dma_semaphore, #tpu.memory_space<semaphore_mem>>) src(%dma_wait3A_424 : memref<64x128xf32, #tpu.memory_space<hbm>>) dst(%dma_wait3A_421 : memref<64x128xf32, #tpu.memory_space<vmem>>)
    %add3A_425 = arith.constant 6208 : i32
    %add3A_426 = arith.addi %mul3A_2, %add3A_425 : i32
    %dma_start3A_427 = arith.constant 7 : i32
    %dma_start3A_428 = arith.constant 7 : i32
    %dma_start3A_429 = arith.constant 0 : i32
    %dma_start3A_430 = arith.constant 0 : i32
    %dma_start3A_431 = tpu.memref_slice %arg6[%dma_start3A_427, %dma_start3A_429, %dma_start3A_430] : memref<10x64x128xf32, #tpu.memory_space<vmem>> -> memref<1x64x128xf32, #tpu.memory_space<vmem>>
    %dma_start3A_432 = tpu.memref_squeeze %dma_start3A_431 : memref<1x64x128xf32, #tpu.memory_space<vmem>> -> memref<64x128xf32, #tpu.memory_space<vmem>>
    %dma_start3A_433 = arith.constant 0 : i32
    %dma_start3A_434 = tpu.memref_slice %arg4[%add3A_426, %dma_start3A_433] : memref<204800x128xf32, #tpu.memory_space<hbm>> -> memref<64x128xf32, #tpu.memory_space<hbm>>
    %dma_start3A_435 = tpu.memref_slice %arg8[%dma_start3A_428] : memref<10x!tpu.dma_semaphore, #tpu.memory_space<semaphore_mem>> -> memref<1x!tpu.dma_semaphore, #tpu.memory_space<semaphore_mem>>
    %dma_start3A_436 = tpu.memref_squeeze %dma_start3A_435 : memref<1x!tpu.dma_semaphore, #tpu.memory_space<semaphore_mem>> -> memref<!tpu.dma_semaphore, #tpu.memory_space<semaphore_mem>>
    %dma_start3A_437 = arith.constant 0 : i32
    %dma_start3A_438 = tpu.memref_slice %arg4[%add3A_426, %dma_start3A_437] : memref<204800x128xf32, #tpu.memory_space<hbm>> -> memref<64x128xf32, #tpu.memory_space<hbm>>
    %dma_start3A_439 = arith.constant 0 : i32
    %dma_start3A_440 = arith.constant 0 : i32
    %dma_start3A_441 = tpu.memref_slice %arg6[%dma_start3A_427, %dma_start3A_439, %dma_start3A_440] : memref<10x64x128xf32, #tpu.memory_space<vmem>> -> memref<1x64x128xf32, #tpu.memory_space<vmem>>
    %dma_start3A_442 = tpu.memref_squeeze %dma_start3A_441 : memref<1x64x128xf32, #tpu.memory_space<vmem>> -> memref<64x128xf32, #tpu.memory_space<vmem>>
    tpu.enqueue_dma source(%dma_start3A_442 : memref<64x128xf32, #tpu.memory_space<vmem>>) target(%dma_start3A_438 : memref<64x128xf32, #tpu.memory_space<hbm>>) target_semaphore(%dma_start3A_436 : memref<!tpu.dma_semaphore, #tpu.memory_space<semaphore_mem>>)
    %dma_wait3A_443 = arith.constant 8 : i32
    %dma_wait3A_444 = arith.constant 8 : i32
    %dma_wait3A_445 = arith.constant 0 : i32
    %dma_wait3A_446 = arith.constant 0 : i32
    %dma_wait3A_447 = tpu.memref_slice %arg6[%dma_wait3A_443, %dma_wait3A_445, %dma_wait3A_446] : memref<10x64x128xf32, #tpu.memory_space<vmem>> -> memref<1x64x128xf32, #tpu.memory_space<vmem>>
    %dma_wait3A_448 = tpu.memref_squeeze %dma_wait3A_447 : memref<1x64x128xf32, #tpu.memory_space<vmem>> -> memref<64x128xf32, #tpu.memory_space<vmem>>
    %dma_wait3A_449 = arith.constant 0 : i32
    %dma_wait3A_450 = arith.constant 0 : i32
    %dma_wait3A_451 = tpu.memref_slice %arg3[%dma_wait3A_449, %dma_wait3A_450] : memref<100000x128xf32, #tpu.memory_space<hbm>> -> memref<64x128xf32, #tpu.memory_space<hbm>>
    %dma_wait3A_452 = tpu.memref_slice %arg7[%dma_wait3A_444] : memref<10x!tpu.dma_semaphore, #tpu.memory_space<semaphore_mem>> -> memref<1x!tpu.dma_semaphore, #tpu.memory_space<semaphore_mem>>
    %dma_wait3A_453 = tpu.memref_squeeze %dma_wait3A_452 : memref<1x!tpu.dma_semaphore, #tpu.memory_space<semaphore_mem>> -> memref<!tpu.dma_semaphore, #tpu.memory_space<semaphore_mem>>
    %dma_wait3A_454 = arith.constant 0 : i32
    %dma_wait3A_455 = arith.constant 0 : i32
    %dma_wait3A_456 = tpu.memref_slice %arg6[%dma_wait3A_443, %dma_wait3A_454, %dma_wait3A_455] : memref<10x64x128xf32, #tpu.memory_space<vmem>> -> memref<1x64x128xf32, #tpu.memory_space<vmem>>
    %dma_wait3A_457 = tpu.memref_squeeze %dma_wait3A_456 : memref<1x64x128xf32, #tpu.memory_space<vmem>> -> memref<64x128xf32, #tpu.memory_space<vmem>>
    %dma_wait3A_458 = arith.constant 0 : i32
    %dma_wait3A_459 = arith.constant 0 : i32
    %dma_wait3A_460 = tpu.memref_slice %arg3[%dma_wait3A_458, %dma_wait3A_459] : memref<100000x128xf32, #tpu.memory_space<hbm>> -> memref<64x128xf32, #tpu.memory_space<hbm>>
    tpu.wait_dma2 semaphore(%dma_wait3A_453 : memref<!tpu.dma_semaphore, #tpu.memory_space<semaphore_mem>>) src(%dma_wait3A_460 : memref<64x128xf32, #tpu.memory_space<hbm>>) dst(%dma_wait3A_457 : memref<64x128xf32, #tpu.memory_space<vmem>>)
    %add3A_461 = arith.constant 6272 : i32
    %add3A_462 = arith.addi %mul3A_2, %add3A_461 : i32
    %dma_start3A_463 = arith.constant 8 : i32
    %dma_start3A_464 = arith.constant 8 : i32
    %dma_start3A_465 = arith.constant 0 : i32
    %dma_start3A_466 = arith.constant 0 : i32
    %dma_start3A_467 = tpu.memref_slice %arg6[%dma_start3A_463, %dma_start3A_465, %dma_start3A_466] : memref<10x64x128xf32, #tpu.memory_space<vmem>> -> memref<1x64x128xf32, #tpu.memory_space<vmem>>
    %dma_start3A_468 = tpu.memref_squeeze %dma_start3A_467 : memref<1x64x128xf32, #tpu.memory_space<vmem>> -> memref<64x128xf32, #tpu.memory_space<vmem>>
    %dma_start3A_469 = arith.constant 0 : i32
    %dma_start3A_470 = tpu.memref_slice %arg4[%add3A_462, %dma_start3A_469] : memref<204800x128xf32, #tpu.memory_space<hbm>> -> memref<64x128xf32, #tpu.memory_space<hbm>>
    %dma_start3A_471 = tpu.memref_slice %arg8[%dma_start3A_464] : memref<10x!tpu.dma_semaphore, #tpu.memory_space<semaphore_mem>> -> memref<1x!tpu.dma_semaphore, #tpu.memory_space<semaphore_mem>>
    %dma_start3A_472 = tpu.memref_squeeze %dma_start3A_471 : memref<1x!tpu.dma_semaphore, #tpu.memory_space<semaphore_mem>> -> memref<!tpu.dma_semaphore, #tpu.memory_space<semaphore_mem>>
    %dma_start3A_473 = arith.constant 0 : i32
    %dma_start3A_474 = tpu.memref_slice %arg4[%add3A_462, %dma_start3A_473] : memref<204800x128xf32, #tpu.memory_space<hbm>> -> memref<64x128xf32, #tpu.memory_space<hbm>>
    %dma_start3A_475 = arith.constant 0 : i32
    %dma_start3A_476 = arith.constant 0 : i32
    %dma_start3A_477 = tpu.memref_slice %arg6[%dma_start3A_463, %dma_start3A_475, %dma_start3A_476] : memref<10x64x128xf32, #tpu.memory_space<vmem>> -> memref<1x64x128xf32, #tpu.memory_space<vmem>>
    %dma_start3A_478 = tpu.memref_squeeze %dma_start3A_477 : memref<1x64x128xf32, #tpu.memory_space<vmem>> -> memref<64x128xf32, #tpu.memory_space<vmem>>
    tpu.enqueue_dma source(%dma_start3A_478 : memref<64x128xf32, #tpu.memory_space<vmem>>) target(%dma_start3A_474 : memref<64x128xf32, #tpu.memory_space<hbm>>) target_semaphore(%dma_start3A_472 : memref<!tpu.dma_semaphore, #tpu.memory_space<semaphore_mem>>)
    %dma_wait3A_479 = arith.constant 9 : i32
    %dma_wait3A_480 = arith.constant 9 : i32
    %dma_wait3A_481 = arith.constant 0 : i32
    %dma_wait3A_482 = arith.constant 0 : i32
    %dma_wait3A_483 = tpu.memref_slice %arg6[%dma_wait3A_479, %dma_wait3A_481, %dma_wait3A_482] : memref<10x64x128xf32, #tpu.memory_space<vmem>> -> memref<1x64x128xf32, #tpu.memory_space<vmem>>
    %dma_wait3A_484 = tpu.memref_squeeze %dma_wait3A_483 : memref<1x64x128xf32, #tpu.memory_space<vmem>> -> memref<64x128xf32, #tpu.memory_space<vmem>>
    %dma_wait3A_485 = arith.constant 0 : i32
    %dma_wait3A_486 = arith.constant 0 : i32
    %dma_wait3A_487 = tpu.memref_slice %arg3[%dma_wait3A_485, %dma_wait3A_486] : memref<100000x128xf32, #tpu.memory_space<hbm>> -> memref<64x128xf32, #tpu.memory_space<hbm>>
    %dma_wait3A_488 = tpu.memref_slice %arg7[%dma_wait3A_480] : memref<10x!tpu.dma_semaphore, #tpu.memory_space<semaphore_mem>> -> memref<1x!tpu.dma_semaphore, #tpu.memory_space<semaphore_mem>>
    %dma_wait3A_489 = tpu.memref_squeeze %dma_wait3A_488 : memref<1x!tpu.dma_semaphore, #tpu.memory_space<semaphore_mem>> -> memref<!tpu.dma_semaphore, #tpu.memory_space<semaphore_mem>>
    %dma_wait3A_490 = arith.constant 0 : i32
    %dma_wait3A_491 = arith.constant 0 : i32
    %dma_wait3A_492 = tpu.memref_slice %arg6[%dma_wait3A_479, %dma_wait3A_490, %dma_wait3A_491] : memref<10x64x128xf32, #tpu.memory_space<vmem>> -> memref<1x64x128xf32, #tpu.memory_space<vmem>>
    %dma_wait3A_493 = tpu.memref_squeeze %dma_wait3A_492 : memref<1x64x128xf32, #tpu.memory_space<vmem>> -> memref<64x128xf32, #tpu.memory_space<vmem>>
    %dma_wait3A_494 = arith.constant 0 : i32
    %dma_wait3A_495 = arith.constant 0 : i32
    %dma_wait3A_496 = tpu.memref_slice %arg3[%dma_wait3A_494, %dma_wait3A_495] : memref<100000x128xf32, #tpu.memory_space<hbm>> -> memref<64x128xf32, #tpu.memory_space<hbm>>
    tpu.wait_dma2 semaphore(%dma_wait3A_489 : memref<!tpu.dma_semaphore, #tpu.memory_space<semaphore_mem>>) src(%dma_wait3A_496 : memref<64x128xf32, #tpu.memory_space<hbm>>) dst(%dma_wait3A_493 : memref<64x128xf32, #tpu.memory_space<vmem>>)
    %add3A_497 = arith.constant 6336 : i32
    %add3A_498 = arith.addi %mul3A_2, %add3A_497 : i32
    %dma_start3A_499 = arith.constant 9 : i32
    %dma_start3A_500 = arith.constant 9 : i32
    %dma_start3A_501 = arith.constant 0 : i32
    %dma_start3A_502 = arith.constant 0 : i32
    %dma_start3A_503 = tpu.memref_slice %arg6[%dma_start3A_499, %dma_start3A_501, %dma_start3A_502] : memref<10x64x128xf32, #tpu.memory_space<vmem>> -> memref<1x64x128xf32, #tpu.memory_space<vmem>>
    %dma_start3A_504 = tpu.memref_squeeze %dma_start3A_503 : memref<1x64x128xf32, #tpu.memory_space<vmem>> -> memref<64x128xf32, #tpu.memory_space<vmem>>
    %dma_start3A_505 = arith.constant 0 : i32
    %dma_start3A_506 = tpu.memref_slice %arg4[%add3A_498, %dma_start3A_505] : memref<204800x128xf32, #tpu.memory_space<hbm>> -> memref<64x128xf32, #tpu.memory_space<hbm>>
    %dma_start3A_507 = tpu.memref_slice %arg8[%dma_start3A_500] : memref<10x!tpu.dma_semaphore, #tpu.memory_space<semaphore_mem>> -> memref<1x!tpu.dma_semaphore, #tpu.memory_space<semaphore_mem>>
    %dma_start3A_508 = tpu.memref_squeeze %dma_start3A_507 : memref<1x!tpu.dma_semaphore, #tpu.memory_space<semaphore_mem>> -> memref<!tpu.dma_semaphore, #tpu.memory_space<semaphore_mem>>
    %dma_start3A_509 = arith.constant 0 : i32
    %dma_start3A_510 = tpu.memref_slice %arg4[%add3A_498, %dma_start3A_509] : memref<204800x128xf32, #tpu.memory_space<hbm>> -> memref<64x128xf32, #tpu.memory_space<hbm>>
    %dma_start3A_511 = arith.constant 0 : i32
    %dma_start3A_512 = arith.constant 0 : i32
    %dma_start3A_513 = tpu.memref_slice %arg6[%dma_start3A_499, %dma_start3A_511, %dma_start3A_512] : memref<10x64x128xf32, #tpu.memory_space<vmem>> -> memref<1x64x128xf32, #tpu.memory_space<vmem>>
    %dma_start3A_514 = tpu.memref_squeeze %dma_start3A_513 : memref<1x64x128xf32, #tpu.memory_space<vmem>> -> memref<64x128xf32, #tpu.memory_space<vmem>>
    tpu.enqueue_dma source(%dma_start3A_514 : memref<64x128xf32, #tpu.memory_space<vmem>>) target(%dma_start3A_510 : memref<64x128xf32, #tpu.memory_space<hbm>>) target_semaphore(%dma_start3A_508 : memref<!tpu.dma_semaphore, #tpu.memory_space<semaphore_mem>>)
    %dma_wait3A_515 = arith.constant 0 : i32
    %dma_wait3A_516 = arith.constant 0 : i32
    %dma_wait3A_517 = arith.constant 0 : i32
    %dma_wait3A_518 = arith.constant 0 : i32
    %dma_wait3A_519 = tpu.memref_slice %arg6[%dma_wait3A_515, %dma_wait3A_517, %dma_wait3A_518] : memref<10x64x128xf32, #tpu.memory_space<vmem>> -> memref<1x64x128xf32, #tpu.memory_space<vmem>>
    %dma_wait3A_520 = tpu.memref_squeeze %dma_wait3A_519 : memref<1x64x128xf32, #tpu.memory_space<vmem>> -> memref<64x128xf32, #tpu.memory_space<vmem>>
    %dma_wait3A_521 = arith.constant 0 : i32
    %dma_wait3A_522 = arith.constant 0 : i32
    %dma_wait3A_523 = tpu.memref_slice %arg3[%dma_wait3A_521, %dma_wait3A_522] : memref<100000x128xf32, #tpu.memory_space<hbm>> -> memref<64x128xf32, #tpu.memory_space<hbm>>
    %dma_wait3A_524 = tpu.memref_slice %arg8[%dma_wait3A_516] : memref<10x!tpu.dma_semaphore, #tpu.memory_space<semaphore_mem>> -> memref<1x!tpu.dma_semaphore, #tpu.memory_space<semaphore_mem>>
    %dma_wait3A_525 = tpu.memref_squeeze %dma_wait3A_524 : memref<1x!tpu.dma_semaphore, #tpu.memory_space<semaphore_mem>> -> memref<!tpu.dma_semaphore, #tpu.memory_space<semaphore_mem>>
    %dma_wait3A_526 = arith.constant 0 : i32
    %dma_wait3A_527 = arith.constant 0 : i32
    %dma_wait3A_528 = tpu.memref_slice %arg6[%dma_wait3A_515, %dma_wait3A_526, %dma_wait3A_527] : memref<10x64x128xf32, #tpu.memory_space<vmem>> -> memref<1x64x128xf32, #tpu.memory_space<vmem>>
    %dma_wait3A_529 = tpu.memref_squeeze %dma_wait3A_528 : memref<1x64x128xf32, #tpu.memory_space<vmem>> -> memref<64x128xf32, #tpu.memory_space<vmem>>
    %dma_wait3A_530 = arith.constant 0 : i32
    %dma_wait3A_531 = arith.constant 0 : i32
    %dma_wait3A_532 = tpu.memref_slice %arg3[%dma_wait3A_530, %dma_wait3A_531] : memref<100000x128xf32, #tpu.memory_space<hbm>> -> memref<64x128xf32, #tpu.memory_space<hbm>>
    tpu.wait_dma2 semaphore(%dma_wait3A_525 : memref<!tpu.dma_semaphore, #tpu.memory_space<semaphore_mem>>) src(%dma_wait3A_532 : memref<64x128xf32, #tpu.memory_space<hbm>>) dst(%dma_wait3A_529 : memref<64x128xf32, #tpu.memory_space<vmem>>)
    %dma_wait3A_533 = arith.constant 1 : i32
    %dma_wait3A_534 = arith.constant 1 : i32
    %dma_wait3A_535 = arith.constant 0 : i32
    %dma_wait3A_536 = arith.constant 0 : i32
    %dma_wait3A_537 = tpu.memref_slice %arg6[%dma_wait3A_533, %dma_wait3A_535, %dma_wait3A_536] : memref<10x64x128xf32, #tpu.memory_space<vmem>> -> memref<1x64x128xf32, #tpu.memory_space<vmem>>
    %dma_wait3A_538 = tpu.memref_squeeze %dma_wait3A_537 : memref<1x64x128xf32, #tpu.memory_space<vmem>> -> memref<64x128xf32, #tpu.memory_space<vmem>>
    %dma_wait3A_539 = arith.constant 0 : i32
    %dma_wait3A_540 = arith.constant 0 : i32
    %dma_wait3A_541 = tpu.memref_slice %arg3[%dma_wait3A_539, %dma_wait3A_540] : memref<100000x128xf32, #tpu.memory_space<hbm>> -> memref<64x128xf32, #tpu.memory_space<hbm>>
    %dma_wait3A_542 = tpu.memref_slice %arg8[%dma_wait3A_534] : memref<10x!tpu.dma_semaphore, #tpu.memory_space<semaphore_mem>> -> memref<1x!tpu.dma_semaphore, #tpu.memory_space<semaphore_mem>>
    %dma_wait3A_543 = tpu.memref_squeeze %dma_wait3A_542 : memref<1x!tpu.dma_semaphore, #tpu.memory_space<semaphore_mem>> -> memref<!tpu.dma_semaphore, #tpu.memory_space<semaphore_mem>>
    %dma_wait3A_544 = arith.constant 0 : i32
    %dma_wait3A_545 = arith.constant 0 : i32
    %dma_wait3A_546 = tpu.memref_slice %arg6[%dma_wait3A_533, %dma_wait3A_544, %dma_wait3A_545] : memref<10x64x128xf32, #tpu.memory_space<vmem>> -> memref<1x64x128xf32, #tpu.memory_space<vmem>>
    %dma_wait3A_547 = tpu.memref_squeeze %dma_wait3A_546 : memref<1x64x128xf32, #tpu.memory_space<vmem>> -> memref<64x128xf32, #tpu.memory_space<vmem>>
    %dma_wait3A_548 = arith.constant 0 : i32
    %dma_wait3A_549 = arith.constant 0 : i32
    %dma_wait3A_550 = tpu.memref_slice %arg3[%dma_wait3A_548, %dma_wait3A_549] : memref<100000x128xf32, #tpu.memory_space<hbm>> -> memref<64x128xf32, #tpu.memory_space<hbm>>
    tpu.wait_dma2 semaphore(%dma_wait3A_543 : memref<!tpu.dma_semaphore, #tpu.memory_space<semaphore_mem>>) src(%dma_wait3A_550 : memref<64x128xf32, #tpu.memory_space<hbm>>) dst(%dma_wait3A_547 : memref<64x128xf32, #tpu.memory_space<vmem>>)
    %dma_wait3A_551 = arith.constant 2 : i32
    %dma_wait3A_552 = arith.constant 2 : i32
    %dma_wait3A_553 = arith.constant 0 : i32
    %dma_wait3A_554 = arith.constant 0 : i32
    %dma_wait3A_555 = tpu.memref_slice %arg6[%dma_wait3A_551, %dma_wait3A_553, %dma_wait3A_554] : memref<10x64x128xf32, #tpu.memory_space<vmem>> -> memref<1x64x128xf32, #tpu.memory_space<vmem>>
    %dma_wait3A_556 = tpu.memref_squeeze %dma_wait3A_555 : memref<1x64x128xf32, #tpu.memory_space<vmem>> -> memref<64x128xf32, #tpu.memory_space<vmem>>
    %dma_wait3A_557 = arith.constant 0 : i32
    %dma_wait3A_558 = arith.constant 0 : i32
    %dma_wait3A_559 = tpu.memref_slice %arg3[%dma_wait3A_557, %dma_wait3A_558] : memref<100000x128xf32, #tpu.memory_space<hbm>> -> memref<64x128xf32, #tpu.memory_space<hbm>>
    %dma_wait3A_560 = tpu.memref_slice %arg8[%dma_wait3A_552] : memref<10x!tpu.dma_semaphore, #tpu.memory_space<semaphore_mem>> -> memref<1x!tpu.dma_semaphore, #tpu.memory_space<semaphore_mem>>
    %dma_wait3A_561 = tpu.memref_squeeze %dma_wait3A_560 : memref<1x!tpu.dma_semaphore, #tpu.memory_space<semaphore_mem>> -> memref<!tpu.dma_semaphore, #tpu.memory_space<semaphore_mem>>
    %dma_wait3A_562 = arith.constant 0 : i32
    %dma_wait3A_563 = arith.constant 0 : i32
    %dma_wait3A_564 = tpu.memref_slice %arg6[%dma_wait3A_551, %dma_wait3A_562, %dma_wait3A_563] : memref<10x64x128xf32, #tpu.memory_space<vmem>> -> memref<1x64x128xf32, #tpu.memory_space<vmem>>
    %dma_wait3A_565 = tpu.memref_squeeze %dma_wait3A_564 : memref<1x64x128xf32, #tpu.memory_space<vmem>> -> memref<64x128xf32, #tpu.memory_space<vmem>>
    %dma_wait3A_566 = arith.constant 0 : i32
    %dma_wait3A_567 = arith.constant 0 : i32
    %dma_wait3A_568 = tpu.memref_slice %arg3[%dma_wait3A_566, %dma_wait3A_567] : memref<100000x128xf32, #tpu.memory_space<hbm>> -> memref<64x128xf32, #tpu.memory_space<hbm>>
    tpu.wait_dma2 semaphore(%dma_wait3A_561 : memref<!tpu.dma_semaphore, #tpu.memory_space<semaphore_mem>>) src(%dma_wait3A_568 : memref<64x128xf32, #tpu.memory_space<hbm>>) dst(%dma_wait3A_565 : memref<64x128xf32, #tpu.memory_space<vmem>>)
    %dma_wait3A_569 = arith.constant 3 : i32
    %dma_wait3A_570 = arith.constant 3 : i32
    %dma_wait3A_571 = arith.constant 0 : i32
    %dma_wait3A_572 = arith.constant 0 : i32
    %dma_wait3A_573 = tpu.memref_slice %arg6[%dma_wait3A_569, %dma_wait3A_571, %dma_wait3A_572] : memref<10x64x128xf32, #tpu.memory_space<vmem>> -> memref<1x64x128xf32, #tpu.memory_space<vmem>>
    %dma_wait3A_574 = tpu.memref_squeeze %dma_wait3A_573 : memref<1x64x128xf32, #tpu.memory_space<vmem>> -> memref<64x128xf32, #tpu.memory_space<vmem>>
    %dma_wait3A_575 = arith.constant 0 : i32
    %dma_wait3A_576 = arith.constant 0 : i32
    %dma_wait3A_577 = tpu.memref_slice %arg3[%dma_wait3A_575, %dma_wait3A_576] : memref<100000x128xf32, #tpu.memory_space<hbm>> -> memref<64x128xf32, #tpu.memory_space<hbm>>
    %dma_wait3A_578 = tpu.memref_slice %arg8[%dma_wait3A_570] : memref<10x!tpu.dma_semaphore, #tpu.memory_space<semaphore_mem>> -> memref<1x!tpu.dma_semaphore, #tpu.memory_space<semaphore_mem>>
    %dma_wait3A_579 = tpu.memref_squeeze %dma_wait3A_578 : memref<1x!tpu.dma_semaphore, #tpu.memory_space<semaphore_mem>> -> memref<!tpu.dma_semaphore, #tpu.memory_space<semaphore_mem>>
    %dma_wait3A_580 = arith.constant 0 : i32
    %dma_wait3A_581 = arith.constant 0 : i32
    %dma_wait3A_582 = tpu.memref_slice %arg6[%dma_wait3A_569, %dma_wait3A_580, %dma_wait3A_581] : memref<10x64x128xf32, #tpu.memory_space<vmem>> -> memref<1x64x128xf32, #tpu.memory_space<vmem>>
    %dma_wait3A_583 = tpu.memref_squeeze %dma_wait3A_582 : memref<1x64x128xf32, #tpu.memory_space<vmem>> -> memref<64x128xf32, #tpu.memory_space<vmem>>
    %dma_wait3A_584 = arith.constant 0 : i32
    %dma_wait3A_585 = arith.constant 0 : i32
    %dma_wait3A_586 = tpu.memref_slice %arg3[%dma_wait3A_584, %dma_wait3A_585] : memref<100000x128xf32, #tpu.memory_space<hbm>> -> memref<64x128xf32, #tpu.memory_space<hbm>>
    tpu.wait_dma2 semaphore(%dma_wait3A_579 : memref<!tpu.dma_semaphore, #tpu.memory_space<semaphore_mem>>) src(%dma_wait3A_586 : memref<64x128xf32, #tpu.memory_space<hbm>>) dst(%dma_wait3A_583 : memref<64x128xf32, #tpu.memory_space<vmem>>)
    %dma_wait3A_587 = arith.constant 4 : i32
    %dma_wait3A_588 = arith.constant 4 : i32
    %dma_wait3A_589 = arith.constant 0 : i32
    %dma_wait3A_590 = arith.constant 0 : i32
    %dma_wait3A_591 = tpu.memref_slice %arg6[%dma_wait3A_587, %dma_wait3A_589, %dma_wait3A_590] : memref<10x64x128xf32, #tpu.memory_space<vmem>> -> memref<1x64x128xf32, #tpu.memory_space<vmem>>
    %dma_wait3A_592 = tpu.memref_squeeze %dma_wait3A_591 : memref<1x64x128xf32, #tpu.memory_space<vmem>> -> memref<64x128xf32, #tpu.memory_space<vmem>>
    %dma_wait3A_593 = arith.constant 0 : i32
    %dma_wait3A_594 = arith.constant 0 : i32
    %dma_wait3A_595 = tpu.memref_slice %arg3[%dma_wait3A_593, %dma_wait3A_594] : memref<100000x128xf32, #tpu.memory_space<hbm>> -> memref<64x128xf32, #tpu.memory_space<hbm>>
    %dma_wait3A_596 = tpu.memref_slice %arg8[%dma_wait3A_588] : memref<10x!tpu.dma_semaphore, #tpu.memory_space<semaphore_mem>> -> memref<1x!tpu.dma_semaphore, #tpu.memory_space<semaphore_mem>>
    %dma_wait3A_597 = tpu.memref_squeeze %dma_wait3A_596 : memref<1x!tpu.dma_semaphore, #tpu.memory_space<semaphore_mem>> -> memref<!tpu.dma_semaphore, #tpu.memory_space<semaphore_mem>>
    %dma_wait3A_598 = arith.constant 0 : i32
    %dma_wait3A_599 = arith.constant 0 : i32
    %dma_wait3A_600 = tpu.memref_slice %arg6[%dma_wait3A_587, %dma_wait3A_598, %dma_wait3A_599] : memref<10x64x128xf32, #tpu.memory_space<vmem>> -> memref<1x64x128xf32, #tpu.memory_space<vmem>>
    %dma_wait3A_601 = tpu.memref_squeeze %dma_wait3A_600 : memref<1x64x128xf32, #tpu.memory_space<vmem>> -> memref<64x128xf32, #tpu.memory_space<vmem>>
    %dma_wait3A_602 = arith.constant 0 : i32
    %dma_wait3A_603 = arith.constant 0 : i32
    %dma_wait3A_604 = tpu.memref_slice %arg3[%dma_wait3A_602, %dma_wait3A_603] : memref<100000x128xf32, #tpu.memory_space<hbm>> -> memref<64x128xf32, #tpu.memory_space<hbm>>
    tpu.wait_dma2 semaphore(%dma_wait3A_597 : memref<!tpu.dma_semaphore, #tpu.memory_space<semaphore_mem>>) src(%dma_wait3A_604 : memref<64x128xf32, #tpu.memory_space<hbm>>) dst(%dma_wait3A_601 : memref<64x128xf32, #tpu.memory_space<vmem>>)
    %dma_wait3A_605 = arith.constant 5 : i32
    %dma_wait3A_606 = arith.constant 5 : i32
    %dma_wait3A_607 = arith.constant 0 : i32
    %dma_wait3A_608 = arith.constant 0 : i32
    %dma_wait3A_609 = tpu.memref_slice %arg6[%dma_wait3A_605, %dma_wait3A_607, %dma_wait3A_608] : memref<10x64x128xf32, #tpu.memory_space<vmem>> -> memref<1x64x128xf32, #tpu.memory_space<vmem>>
    %dma_wait3A_610 = tpu.memref_squeeze %dma_wait3A_609 : memref<1x64x128xf32, #tpu.memory_space<vmem>> -> memref<64x128xf32, #tpu.memory_space<vmem>>
    %dma_wait3A_611 = arith.constant 0 : i32
    %dma_wait3A_612 = arith.constant 0 : i32
    %dma_wait3A_613 = tpu.memref_slice %arg3[%dma_wait3A_611, %dma_wait3A_612] : memref<100000x128xf32, #tpu.memory_space<hbm>> -> memref<64x128xf32, #tpu.memory_space<hbm>>
    %dma_wait3A_614 = tpu.memref_slice %arg8[%dma_wait3A_606] : memref<10x!tpu.dma_semaphore, #tpu.memory_space<semaphore_mem>> -> memref<1x!tpu.dma_semaphore, #tpu.memory_space<semaphore_mem>>
    %dma_wait3A_615 = tpu.memref_squeeze %dma_wait3A_614 : memref<1x!tpu.dma_semaphore, #tpu.memory_space<semaphore_mem>> -> memref<!tpu.dma_semaphore, #tpu.memory_space<semaphore_mem>>
    %dma_wait3A_616 = arith.constant 0 : i32
    %dma_wait3A_617 = arith.constant 0 : i32
    %dma_wait3A_618 = tpu.memref_slice %arg6[%dma_wait3A_605, %dma_wait3A_616, %dma_wait3A_617] : memref<10x64x128xf32, #tpu.memory_space<vmem>> -> memref<1x64x128xf32, #tpu.memory_space<vmem>>
    %dma_wait3A_619 = tpu.memref_squeeze %dma_wait3A_618 : memref<1x64x128xf32, #tpu.memory_space<vmem>> -> memref<64x128xf32, #tpu.memory_space<vmem>>
    %dma_wait3A_620 = arith.constant 0 : i32
    %dma_wait3A_621 = arith.constant 0 : i32
    %dma_wait3A_622 = tpu.memref_slice %arg3[%dma_wait3A_620, %dma_wait3A_621] : memref<100000x128xf32, #tpu.memory_space<hbm>> -> memref<64x128xf32, #tpu.memory_space<hbm>>
    tpu.wait_dma2 semaphore(%dma_wait3A_615 : memref<!tpu.dma_semaphore, #tpu.memory_space<semaphore_mem>>) src(%dma_wait3A_622 : memref<64x128xf32, #tpu.memory_space<hbm>>) dst(%dma_wait3A_619 : memref<64x128xf32, #tpu.memory_space<vmem>>)
    %dma_wait3A_623 = arith.constant 6 : i32
    %dma_wait3A_624 = arith.constant 6 : i32
    %dma_wait3A_625 = arith.constant 0 : i32
    %dma_wait3A_626 = arith.constant 0 : i32
    %dma_wait3A_627 = tpu.memref_slice %arg6[%dma_wait3A_623, %dma_wait3A_625, %dma_wait3A_626] : memref<10x64x128xf32, #tpu.memory_space<vmem>> -> memref<1x64x128xf32, #tpu.memory_space<vmem>>
    %dma_wait3A_628 = tpu.memref_squeeze %dma_wait3A_627 : memref<1x64x128xf32, #tpu.memory_space<vmem>> -> memref<64x128xf32, #tpu.memory_space<vmem>>
    %dma_wait3A_629 = arith.constant 0 : i32
    %dma_wait3A_630 = arith.constant 0 : i32
    %dma_wait3A_631 = tpu.memref_slice %arg3[%dma_wait3A_629, %dma_wait3A_630] : memref<100000x128xf32, #tpu.memory_space<hbm>> -> memref<64x128xf32, #tpu.memory_space<hbm>>
    %dma_wait3A_632 = tpu.memref_slice %arg8[%dma_wait3A_624] : memref<10x!tpu.dma_semaphore, #tpu.memory_space<semaphore_mem>> -> memref<1x!tpu.dma_semaphore, #tpu.memory_space<semaphore_mem>>
    %dma_wait3A_633 = tpu.memref_squeeze %dma_wait3A_632 : memref<1x!tpu.dma_semaphore, #tpu.memory_space<semaphore_mem>> -> memref<!tpu.dma_semaphore, #tpu.memory_space<semaphore_mem>>
    %dma_wait3A_634 = arith.constant 0 : i32
    %dma_wait3A_635 = arith.constant 0 : i32
    %dma_wait3A_636 = tpu.memref_slice %arg6[%dma_wait3A_623, %dma_wait3A_634, %dma_wait3A_635] : memref<10x64x128xf32, #tpu.memory_space<vmem>> -> memref<1x64x128xf32, #tpu.memory_space<vmem>>
    %dma_wait3A_637 = tpu.memref_squeeze %dma_wait3A_636 : memref<1x64x128xf32, #tpu.memory_space<vmem>> -> memref<64x128xf32, #tpu.memory_space<vmem>>
    %dma_wait3A_638 = arith.constant 0 : i32
    %dma_wait3A_639 = arith.constant 0 : i32
    %dma_wait3A_640 = tpu.memref_slice %arg3[%dma_wait3A_638, %dma_wait3A_639] : memref<100000x128xf32, #tpu.memory_space<hbm>> -> memref<64x128xf32, #tpu.memory_space<hbm>>
    tpu.wait_dma2 semaphore(%dma_wait3A_633 : memref<!tpu.dma_semaphore, #tpu.memory_space<semaphore_mem>>) src(%dma_wait3A_640 : memref<64x128xf32, #tpu.memory_space<hbm>>) dst(%dma_wait3A_637 : memref<64x128xf32, #tpu.memory_space<vmem>>)
    %dma_wait3A_641 = arith.constant 7 : i32
    %dma_wait3A_642 = arith.constant 7 : i32
    %dma_wait3A_643 = arith.constant 0 : i32
    %dma_wait3A_644 = arith.constant 0 : i32
    %dma_wait3A_645 = tpu.memref_slice %arg6[%dma_wait3A_641, %dma_wait3A_643, %dma_wait3A_644] : memref<10x64x128xf32, #tpu.memory_space<vmem>> -> memref<1x64x128xf32, #tpu.memory_space<vmem>>
    %dma_wait3A_646 = tpu.memref_squeeze %dma_wait3A_645 : memref<1x64x128xf32, #tpu.memory_space<vmem>> -> memref<64x128xf32, #tpu.memory_space<vmem>>
    %dma_wait3A_647 = arith.constant 0 : i32
    %dma_wait3A_648 = arith.constant 0 : i32
    %dma_wait3A_649 = tpu.memref_slice %arg3[%dma_wait3A_647, %dma_wait3A_648] : memref<100000x128xf32, #tpu.memory_space<hbm>> -> memref<64x128xf32, #tpu.memory_space<hbm>>
    %dma_wait3A_650 = tpu.memref_slice %arg8[%dma_wait3A_642] : memref<10x!tpu.dma_semaphore, #tpu.memory_space<semaphore_mem>> -> memref<1x!tpu.dma_semaphore, #tpu.memory_space<semaphore_mem>>
    %dma_wait3A_651 = tpu.memref_squeeze %dma_wait3A_650 : memref<1x!tpu.dma_semaphore, #tpu.memory_space<semaphore_mem>> -> memref<!tpu.dma_semaphore, #tpu.memory_space<semaphore_mem>>
    %dma_wait3A_652 = arith.constant 0 : i32
    %dma_wait3A_653 = arith.constant 0 : i32
    %dma_wait3A_654 = tpu.memref_slice %arg6[%dma_wait3A_641, %dma_wait3A_652, %dma_wait3A_653] : memref<10x64x128xf32, #tpu.memory_space<vmem>> -> memref<1x64x128xf32, #tpu.memory_space<vmem>>
    %dma_wait3A_655 = tpu.memref_squeeze %dma_wait3A_654 : memref<1x64x128xf32, #tpu.memory_space<vmem>> -> memref<64x128xf32, #tpu.memory_space<vmem>>
    %dma_wait3A_656 = arith.constant 0 : i32
    %dma_wait3A_657 = arith.constant 0 : i32
    %dma_wait3A_658 = tpu.memref_slice %arg3[%dma_wait3A_656, %dma_wait3A_657] : memref<100000x128xf32, #tpu.memory_space<hbm>> -> memref<64x128xf32, #tpu.memory_space<hbm>>
    tpu.wait_dma2 semaphore(%dma_wait3A_651 : memref<!tpu.dma_semaphore, #tpu.memory_space<semaphore_mem>>) src(%dma_wait3A_658 : memref<64x128xf32, #tpu.memory_space<hbm>>) dst(%dma_wait3A_655 : memref<64x128xf32, #tpu.memory_space<vmem>>)
    %dma_wait3A_659 = arith.constant 8 : i32
    %dma_wait3A_660 = arith.constant 8 : i32
    %dma_wait3A_661 = arith.constant 0 : i32
    %dma_wait3A_662 = arith.constant 0 : i32
    %dma_wait3A_663 = tpu.memref_slice %arg6[%dma_wait3A_659, %dma_wait3A_661, %dma_wait3A_662] : memref<10x64x128xf32, #tpu.memory_space<vmem>> -> memref<1x64x128xf32, #tpu.memory_space<vmem>>
    %dma_wait3A_664 = tpu.memref_squeeze %dma_wait3A_663 : memref<1x64x128xf32, #tpu.memory_space<vmem>> -> memref<64x128xf32, #tpu.memory_space<vmem>>
    %dma_wait3A_665 = arith.constant 0 : i32
    %dma_wait3A_666 = arith.constant 0 : i32
    %dma_wait3A_667 = tpu.memref_slice %arg3[%dma_wait3A_665, %dma_wait3A_666] : memref<100000x128xf32, #tpu.memory_space<hbm>> -> memref<64x128xf32, #tpu.memory_space<hbm>>
    %dma_wait3A_668 = tpu.memref_slice %arg8[%dma_wait3A_660] : memref<10x!tpu.dma_semaphore, #tpu.memory_space<semaphore_mem>> -> memref<1x!tpu.dma_semaphore, #tpu.memory_space<semaphore_mem>>
    %dma_wait3A_669 = tpu.memref_squeeze %dma_wait3A_668 : memref<1x!tpu.dma_semaphore, #tpu.memory_space<semaphore_mem>> -> memref<!tpu.dma_semaphore, #tpu.memory_space<semaphore_mem>>
    %dma_wait3A_670 = arith.constant 0 : i32
    %dma_wait3A_671 = arith.constant 0 : i32
    %dma_wait3A_672 = tpu.memref_slice %arg6[%dma_wait3A_659, %dma_wait3A_670, %dma_wait3A_671] : memref<10x64x128xf32, #tpu.memory_space<vmem>> -> memref<1x64x128xf32, #tpu.memory_space<vmem>>
    %dma_wait3A_673 = tpu.memref_squeeze %dma_wait3A_672 : memref<1x64x128xf32, #tpu.memory_space<vmem>> -> memref<64x128xf32, #tpu.memory_space<vmem>>
    %dma_wait3A_674 = arith.constant 0 : i32
    %dma_wait3A_675 = arith.constant 0 : i32
    %dma_wait3A_676 = tpu.memref_slice %arg3[%dma_wait3A_674, %dma_wait3A_675] : memref<100000x128xf32, #tpu.memory_space<hbm>> -> memref<64x128xf32, #tpu.memory_space<hbm>>
    tpu.wait_dma2 semaphore(%dma_wait3A_669 : memref<!tpu.dma_semaphore, #tpu.memory_space<semaphore_mem>>) src(%dma_wait3A_676 : memref<64x128xf32, #tpu.memory_space<hbm>>) dst(%dma_wait3A_673 : memref<64x128xf32, #tpu.memory_space<vmem>>)
    %dma_wait3A_677 = arith.constant 9 : i32
    %dma_wait3A_678 = arith.constant 9 : i32
    %dma_wait3A_679 = arith.constant 0 : i32
    %dma_wait3A_680 = arith.constant 0 : i32
    %dma_wait3A_681 = tpu.memref_slice %arg6[%dma_wait3A_677, %dma_wait3A_679, %dma_wait3A_680] : memref<10x64x128xf32, #tpu.memory_space<vmem>> -> memref<1x64x128xf32, #tpu.memory_space<vmem>>
    %dma_wait3A_682 = tpu.memref_squeeze %dma_wait3A_681 : memref<1x64x128xf32, #tpu.memory_space<vmem>> -> memref<64x128xf32, #tpu.memory_space<vmem>>
    %dma_wait3A_683 = arith.constant 0 : i32
    %dma_wait3A_684 = arith.constant 0 : i32
    %dma_wait3A_685 = tpu.memref_slice %arg3[%dma_wait3A_683, %dma_wait3A_684] : memref<100000x128xf32, #tpu.memory_space<hbm>> -> memref<64x128xf32, #tpu.memory_space<hbm>>
    %dma_wait3A_686 = tpu.memref_slice %arg8[%dma_wait3A_678] : memref<10x!tpu.dma_semaphore, #tpu.memory_space<semaphore_mem>> -> memref<1x!tpu.dma_semaphore, #tpu.memory_space<semaphore_mem>>
    %dma_wait3A_687 = tpu.memref_squeeze %dma_wait3A_686 : memref<1x!tpu.dma_semaphore, #tpu.memory_space<semaphore_mem>> -> memref<!tpu.dma_semaphore, #tpu.memory_space<semaphore_mem>>
    %dma_wait3A_688 = arith.constant 0 : i32
    %dma_wait3A_689 = arith.constant 0 : i32
    %dma_wait3A_690 = tpu.memref_slice %arg6[%dma_wait3A_677, %dma_wait3A_688, %dma_wait3A_689] : memref<10x64x128xf32, #tpu.memory_space<vmem>> -> memref<1x64x128xf32, #tpu.memory_space<vmem>>
    %dma_wait3A_691 = tpu.memref_squeeze %dma_wait3A_690 : memref<1x64x128xf32, #tpu.memory_space<vmem>> -> memref<64x128xf32, #tpu.memory_space<vmem>>
    %dma_wait3A_692 = arith.constant 0 : i32
    %dma_wait3A_693 = arith.constant 0 : i32
    %dma_wait3A_694 = tpu.memref_slice %arg3[%dma_wait3A_692, %dma_wait3A_693] : memref<100000x128xf32, #tpu.memory_space<hbm>> -> memref<64x128xf32, #tpu.memory_space<hbm>>
    tpu.wait_dma2 semaphore(%dma_wait3A_687 : memref<!tpu.dma_semaphore, #tpu.memory_space<semaphore_mem>>) src(%dma_wait3A_694 : memref<64x128xf32, #tpu.memory_space<hbm>>) dst(%dma_wait3A_691 : memref<64x128xf32, #tpu.memory_space<vmem>>)
    return
  }
}

</mosaic_0001>

<sc_bundles>
// kernel: kernel.3.cloned.1.call-start
scs
__scs_entry_jumppad:
0x0: {  	(pc) =	sbr.rel $0x88, $3  }
0x1: {  	(tag) =	ssettag $0x0;
	lr =	simm.s32 $0x1  }
0x2: {  	[smem:$0x3F9F] =	sst lr;
	_ =	strace $0xD0000000  }
0x3: {  	_ = 	snop  }
0x4: {  	_ = 	snop  }
0x5: {  	_ = 	snop  }
0x6: {  	_ = 	snop  }
0x7: {  	_ = 	snop  }
__scs_overlays_trampoline_lowered:
0x8: {  	[smem:$0x3FAE] =	sst s0  }
0x9: {  	[smem:$0x3FAF] =	sst s1  }
0xa: {  	[smem:$0x3FB0] =	sst s2  }
0xb: {  	[smem:$0x3FB1] =	sst s3  }
0xc: {  	[smem:$0x3FB2] =	sst s4  }
0xd: {  	[smem:$0x3FB3] =	sst s5  }
0xe: {  	[smem:$0x3FB4] =	sst s6  }
0xf: {  	[smem:$0x3FB5] =	sst s7  }
0x10: {  	[smem:$0x3FB6] =	sst s8  }
0x11: {  	[smem:$0x3FB7] =	sst s9;
	s0 =	simm.s32 @!p0 $0x0  }
0x12: {  	s1 =	sld [smem:$0x3F9D];
	s0 =	simm.s32 @p0 $0x1  }
0x13: {  	[smem:$0x3FB8] =	sst s0;
	s0 =	simm.s32 @!p1 $0x0  }
0x14: {  	s2 =	sld [smem:$0x3F9C];
	s0 =	simm.s32 @p1 $0x1  }
0x15: {  	[smem:$0x3FB9] =	sst s0;
	s0 =	simm.s32 @!p2 $0x0  }
0x16: {  	s3 =	sld [smem:$0x3FDB];
	s0 =	simm.s32 @p2 $0x1  }
0x17: {  	s4 =	simm.s32 $0x1BF5;
	[smem:$0x3FBB] =	sst s0  }
0x18: {  	s0 =	sld [smem:$0x3F9E];
	_ =	swait.ge [sflag:s4], $0x0  }
0x19: {  	s7 =	sld [smem:$0x3F9F]  }
0x1a: {  	s8 =	sadd.s32 $0xFFFFE003, lr  }
0x1b: {  	s9 =	sadd.s32 $0xFFFFFEF7, lr;
	s5 =	simm.s32 $0xFFFFFFFF;
	p2 =	slt.u32 s8, $0xFFFFF086  }
0x1c: {  	p1 =	slt.u32 s9, $0xF7A;
	s5 =	simm.s32 @!p2 $0x0  }
0x1d: {  	s5 =	simm.s32 @p1 $0x1;
	p0 =	seq.s32 s7, s2  }
0x1e: {  	s7 =	smul.u32 @!p0 $0xF7A, s2;
	p2 =	seq.s32 @!p0 s5, $0x0  }
0x1f: {  	s9 =	smul.u32 $0xF7A, s1;
	s8 =	simm.s32 @!p0 $0x1BF5;
	p2 =	por !p2, p0  }
0x20: {  	[sflag:s8] =	ssyncset.s32 @!p0 $0xFFFFF086;
	s6 =	sadd.s32 @!p0 s3, s7;
	s7 =	simm.s32 @!p0 $0x108  }
0x21: {  	s3 =	sadd.s32 s3, s9;
	s6 =	sadd.s32 @!p0 $0x88, s6;
	s7 =	simm.s32 @p2 $0x1082  }
0x22: {  	[simem:s7], [sflag:s8] =	dma.local @!p0 [hbm:s6], $0xF7A  }
0x23: {  	s9 =	sor.u32 $0xD0000000, s2;
	s6 =	simm.s32 $0x108;
	_ =	swait.ge @!p0 [sflag:s8], $0x0  }
0x24: {  	s3 =	sadd.s32 $0x88, s3;
	s6 =	simm.s32 @!p1 $0x1082;
	[sflag:s4] =	ssyncset.s32 $0xFFFFF086  }
0x25: {  	[simem:s6], [sflag:s4] =	dma.local [hbm:s3], $0xF7A  }
0x26: {  	[smem:$0x3F9F] =	sst s1;
	(tag) =	ssettag s2;
	_ =	strace s9  }
0x27: {  	s1 =	sld [smem:$0x3FAF]  }
0x28: {  	s2 =	sld [smem:$0x3FB0]  }
0x29: {  	s4 =	sld [smem:$0x3FB2]  }
0x2a: {  	p0 =	seq.s32 s5, $0x0;
	s5 =	sld [smem:$0x3FB3]  }
0x2b: {  	s6 =	sld [smem:$0x3FB4]  }
0x2c: {  	s7 =	sld [smem:$0x3FB5]  }
0x2d: {  	s3 =	simm.s32 $0x108;
	s8 =	sld [smem:$0x3FB6]  }
0x2e: {  	s3 =	simm.s32 @!p0 $0x1082;
	s9 =	sld [smem:$0x3FB7]  }
0x2f: {  	lr =	sadd.s32 s0, s3;
	s0 =	sld [smem:$0x3FAE]  }
0x30: {  	s3 =	sld [smem:$0x3FB1]  }
0x31: {  	[smem:$0x3FBA] =	sst s10  }
0x32: {  	s10 =	sld [smem:$0x3FB8];
	_ =	sdelay $0x3  }
0x33: {  	p0 =	seq.s32 s10, $0x1;
	s10 =	sld [smem:$0x3FBA];
	_ =	sdelay $0x3  }
0x34: {  	[smem:$0x3FBA] =	sst s10  }
0x35: {  	s10 =	sld [smem:$0x3FB9];
	_ =	sdelay $0x3  }
0x36: {  	p1 =	seq.s32 s10, $0x1;
	s10 =	sld [smem:$0x3FBA];
	_ =	sdelay $0x3  }
0x37: {  	[smem:$0x3FBA] =	sst s10  }
0x38: {  	s10 =	sld [smem:$0x3FBB]  }
0x39: {  	_ = 	snop;
	(pc) =	sbr.ind lr, $3  }
0x3a: {  	_ = 	snop  }
0x3b: {  	_ = 	snop  }
0x3c: {  	p2 =	seq.s32 s10, $0x1;
	s10 =	sld [smem:$0x3FBA]  }
0x3d: {  	_ =	shalt  }
0x3e: {  	_ =	shalt  }
0x3f: {  	_ =	shalt  }
0x40: {  	_ =	shalt  }
0x41: {  	_ =	shalt  }
0x42: {  	_ =	shalt  }
0x43: {  	_ =	shalt  }
0x44: {  	_ =	shalt  }
0x45: {  	_ =	shalt  }
0x46: {  	_ =	shalt  }
0x47: {  	_ =	shalt  }
0x48: {  	_ =	shalt  }
0x49: {  	_ =	shalt  }
0x4a: {  	_ =	shalt  }
0x4b: {  	_ =	shalt  }
0x4c: {  	_ =	shalt  }
0x4d: {  	_ =	shalt  }
0x4e: {  	_ =	shalt  }
0x4f: {  	_ =	shalt  }
0x50: {  	_ =	shalt  }
0x51: {  	_ =	shalt  }
0x52: {  	_ =	shalt  }
0x53: {  	_ =	shalt  }
0x54: {  	_ =	shalt  }
0x55: {  	_ =	shalt  }
0x56: {  	_ =	shalt  }
0x57: {  	_ =	shalt  }
0x58: {  	_ =	shalt  }
0x59: {  	_ =	shalt  }
0x5a: {  	_ =	shalt  }
0x5b: {  	_ =	shalt  }
0x5c: {  	_ =	shalt  }
0x5d: {  	_ =	shalt  }
0x5e: {  	_ =	shalt  }
0x5f: {  	_ =	shalt  }
0x60: {  	_ =	shalt  }
0x61: {  	_ =	shalt  }
0x62: {  	_ =	shalt  }
0x63: {  	_ =	shalt  }
0x64: {  	_ =	shalt  }
0x65: {  	_ =	shalt  }
0x66: {  	_ =	shalt  }
0x67: {  	_ =	shalt  }
0x68: {  	_ =	shalt  }
0x69: {  	_ =	shalt  }
0x6a: {  	_ =	shalt  }
0x6b: {  	_ =	shalt  }
0x6c: {  	_ =	shalt  }
0x6d: {  	_ =	shalt  }
0x6e: {  	_ =	shalt  }
0x6f: {  	_ =	shalt  }
0x70: {  	_ =	shalt  }
0x71: {  	_ =	shalt  }
0x72: {  	_ =	shalt  }
0x73: {  	_ =	shalt  }
0x74: {  	_ =	shalt  }
0x75: {  	_ =	shalt  }
0x76: {  	_ =	shalt  }
0x77: {  	_ =	shalt  }
0x78: {  	_ =	shalt  }
0x79: {  	_ =	shalt  }
0x7a: {  	_ =	shalt  }
0x7b: {  	_ =	shalt  }
0x7c: {  	_ =	shalt  }
0x7d: {  	_ =	shalt  }
0x7e: {  	_ =	shalt  }
0x7f: {  	_ =	shalt  }
0x80: {  	_ =	shalt  }
0x81: {  	_ =	shalt  }
0x82: {  	_ =	shalt  }
0x83: {  	_ =	shalt  }
0x84: {  	_ =	shalt  }
0x85: {  	_ =	shalt  }
0x86: {  	_ =	shalt  }
0x87: {  	_ =	shalt  }
.Lfunc_end0:
.L_simem_size_0:
called_computation_lowered:
.L_overlay_start_0:
0x88: {  	s2 =	sld [smem:$0x3FD9]  }
0x89: {  	s3 =	sld [smem:$0x3FFE];
	_ =	sdelay $0x1  }
0x8a: {  	s1 =	srdreg.scid  }
0x8b: {  	s0 =	sand.u32 $0x1, s1  }
0x8c: {  	s17 =	sshll.u32 s0, $0xA;
	s2 =	sadd.s32 s3, s2  }
0x8d: {  	s2 =	sadd.s32 s2, s17  }
0x8e: {  	[smem:$0x3FC6] =	sst s2  }
0x8f: {  	_ = 	snop  }
0x90: {  	s2 =	sld [smem:$0x3FC8]  }
0x91: {  	s18 =	sld [smem:$0x3FD0];
	(tm) =	ssettm $0x1  }
0x92: {  	s4 =	sld [smem:$0x3FFB];
	_ =	sdelay $0x3  }
0x93: {  	_ =	strace s4  }
0x94: {  	s4 =	sld [smem:$0x3FFC];
	_ =	sdelay $0x3  }
0x95: {  	_ =	strace s4  }
0x96: {  	s4 =	sld [smem:$0x3FFD];
	_ =	sdelay $0x3  }
0x97: {  	_ =	strace s4  }
0x98: {  	_ =	strace $0x8FFFFFFF  }
0x99: {  	s19 =	sld [smem:$0x3FDB];
	_ =	sdelay $0x1  }
0x9a: {  	s5 =	simm.s32 $_scs_section_size  }
0x9b: {  	s6 =	simm.s32 $_size__tile_overlayer_lowered;
	s7 =	simm.s32 $_tile_overlayer_lowered  }
0x9c: {  	s22 =	simm.s32 $0x1BFF;
	s21 =	sshll.u32 s7, $0x1;
	s4 =	sadd.s32 s5, s19  }
0x9d: {  	s8 =	simm.s32 $0x0;
	s20 =	sshll.u32 s6, $0x1;
	s6 =	sadd.s32 s21, s4  }
0x9e: {  	[timem:s8], [sflag:s22] =	dma.local [hbm:s6], s20  }
0x9f: {  	_ =	swait.ge [sflag:s22], s20  }
0xa0: {  	s5 =	ssub.s32 $0x0, s20;
	[sflag:s22] =	ssyncset.done $0x0  }
0xa1: {  	[sflag:s22] =	ssyncadd.s32 s5;
	_ =	sdelay $0x1  }
0xa2: {  	s23 =	simm.s32 $0x1B8B  }
0xa3: {  	_ =	swait.ge [sflag:s23], $0x1  }
0xa4: {  	[sflag:s23] =	ssyncset.done $0x0  }
0xa5: {  	s25 =	simm.s32 $0x1B8E;
	s24 =	sld [smem:$0x3FFE];
	[sflag:s23] =	ssyncadd.s32 $0xFFFFFFFF  }
0xa6: {  	s26 =	simm.s32 $execute0_lowered;
	[smem:$0x3FD2] =	sst s25  }
0xa7: {  	s6 =	sshll.u32 s26, $0x1;
	_ =	strace $0x80000046;
	[dreg:$0x1] =	wrdreg $0xFFFFFFFF  }
0xa8: {  	s28 =	simm.s32 $_size_execute0_lowered;
	s4 =	sadd.s32 s4, s6;
	[dreg:$0x0] =	wrdreg $0x0  }
0xa9: {  	s6 =	sshll.u32 s28, $0x1;
	[dreg:$0x2] =	wrdreg s4  }
0xaa: {  	[dreg:$0x3] =	wrdreg s6  }
0xab: {  	[dreg:$0x4] =	wrdreg $0xC0  }
0xac: {  	_ =	task [dreg:s8], $0x5FFFF  }
0xad: {  	[dreg:$0x1] =	wrdreg $0xFFFFFFFF  }
0xae: {  	[dreg:$0x0] =	wrdreg $0x60  }
0xaf: {  	[dreg:$0x2] =	wrdreg s24  }
0xb0: {  	[dreg:$0x3] =	wrdreg s2  }
0xb1: {  	[dreg:$0x4] =	wrdreg s18  }
0xb2: {  	[dreg:$0x5] =	wrdreg $0x9  }
0xb3: {  	_ =	task.clear_ibuf [dreg:s8], $0x6FFFF;
	_ =	strace $0x90000046  }
0xb4: {  	s29 =	simm.s32 $0x9;
	_ =	strace $0x80000048  }
0xb5: {  	_ =	swait.ge [sflag:s29], $0x1  }
0xb6: {  	[sflag:s29] =	ssyncadd.s32 $0xFFFFFFFF  }
0xb7: {  	_ =	strace $0x90000048  }
0xb8: {  	_ =	sfence  }
0xb9: {  	s30 =	sld [smem:$0x0];
	_ =	sdelay $0x2  }
0xba: {  	s31 =	sshll.u32 s1, $0xD;
	s1 =	sshrl.u32 s1, $0x2  }
0xbb: {  	s3 =	sand.u32 $0x4000, s31;
	s1 =	sadd.s32 s1, s30  }
0xbc: {  	s0 =	sor.u32 s3, s0;
	s1 =	sshll.u32 s1, $0x11  }
0xbd: {  	s0 =	sor.u32 s1, s0  }
0xbe: {  	s0 =	sadd.s32 $0x8F2B, s0  }
0xbf: {  	[sflag:s0] =	ssyncadd.remote.s32 $0x1  }
0xc0: {  	_ =	sfence.sel $0xFFFF  }
0xc1: {  	[dreg:$0x0] =	wrdreg $0xFFFFFFFF;
	(pc) =	sbr.abs _section_cstart, $3  }
0xc2: {  	[dreg:$0x1] =	wrdreg $0xFFFFFFFF  }
0xc3: {  	_ =	task.clear_ibuf [dreg:s8], $0x2FFFF;
	_ =	strace $0x9FFFFFFF  }
0xc4: {  	(tm) =	ssettm $0x7FFFFFFF  }
0xc5: {  	_ =	shalt  }
tec
execute0_lowered:
.L_overlay_start_1:
0x0: {  	(tag) =	ssettag $0x1  }
0x1: {  	s1 =	srdreg.scid;
	s8 =	stileid.u32  }
0x2: {  	s0 =	rddreg [dreg:$0x0];
	s1 =	sand.u32 $0x1, s1;
	s21 =	smul.u32 $0x190000, s8  }
0x3: {  	s2 =	rddreg [dreg:$0x1];
	s3 =	sshll.u32 s8, $0x1;
	s18 =	smul.u32 $0x19000, s1  }
0x4: {  	s3 =	sor.u32 s1, s3;
	s6 =	ssub.s32 $0x2, s1;
	s1 =	smul.u32 $0xC8000, s1  }
0x5: {  	s22 =	rddreg [dreg:$0x2];
	s5 =	smul.u32 $0x680, s3  }
0x6: {  	s4 =	simm.s32 $0x0;
	s11 =	simm.s32 $0x1;
	s7 =	smul.u32 $0xC8000, s3  }
0x7: {  	s12 =	simm.s32 $0xF;
	[smem:$0x7FF] =	sst s4;
	s3 =	smul.u32 $0x19000, s3  }
0x8: {  	s31 =	simm.s32 $0x3400;
	_ =	strace $0x80000047;
	s13 =	sshrl.u32 s6, $0x1  }
0x9: {  	s1 =	sadd.s32 s1, s21;
	s0 =	sadd.s32 s5, s0;
	s3 =	sadd.s32 s22, s3  }
0xa: {  	s5 =	ssub.s32 s6, s13;
	s30 =	sadd.s32 $0x14000, s1;
	[dreg:$0x5] =	wrdreg s3  }
0xb: {  	s14 =	sshrl.u32 s7, $0x3;
	s0 =	sadd.s32 $0x400, s0;
	[dreg:$0x11] =	wrdreg s30  }
0xc: {  	s29 =	smax.u32 s5, $0x1;
	[dreg:$0x4] =	wrdreg s0;
	s0 =	sadd.s32 s22, s14  }
0xd: {  	s15 =	smul.u32 $0x32000, s8;
	[dreg:$0xf] =	wrdreg s29;
	s16 =	sadd.s32 $0x16C00, s0  }
0xe: {  	s21 =	simm.s32 $0xA;
	s17 =	sadd.s32 $0x17000, s0;
	[dreg:$0x6] =	wrdreg s16  }
0xf: {  	s13 =	simm.s32 $0x6;
	s19 =	sadd.s32 $0x17400, s0;
	[dreg:$0x7] =	wrdreg s17  }
0x10: {  	s3 =	sadd.s32 s15, s22;
	s20 =	sadd.s32 $0x17800, s0;
	[dreg:$0x8] =	wrdreg s19  }
0x11: {  	s15 =	simm.s32 $0x7;
	s23 =	sadd.s32 $0x17C00, s0;
	[dreg:$0x9] =	wrdreg s20  }
0x12: {  	s28 =	sadd.s32 s18, s3;
	s24 =	sadd.s32 $0x18000, s0;
	[dreg:$0xa] =	wrdreg s23  }
0x13: {  	s14 =	simm.s32 $0x10;
	s25 =	sadd.s32 $0x18400, s0;
	[dreg:$0xb] =	wrdreg s24  }
0x14: {  	s18 =	simm.s32 $0x12;
	s26 =	sadd.s32 $0x18800, s0;
	[dreg:$0xc] =	wrdreg s25  }
0x15: {  	s3 =	simm.s32 $0x13;
	s0 =	sadd.s32 $0x18C00, s0;
	[dreg:$0xd] =	wrdreg s26  }
0x16: {  	[dreg:$0xe] =	wrdreg s0;
	s0 =	sadd.s32 $0x2400, s28;
	s20 =	simm.s32 $0x40  }
0x17: {  	s16 =	simm.s32 $0x11;
	s19 =	simm.s32 $0x8;
	s17 =	simm.s32 $0x9  }
0x18: {  	s23 =	simm.s32 $0x14;
	[dreg:$0x10] =	wrdreg s0;
	s0 =	simm.s32 $0x0  }
.LBB2_1:
0x19: {  	[dreg:$0x12] =	wrdreg s0  }
0x1a: {  	s1 =	rddreg [dreg:$0x4];
	s26 =	simm.s32 $0x15  }
0x1b: {  	[tilespmem:s4], [sflag:$0x15] =	stream.linear.gather [hbm4b:s1+s4], $0x3200, $0x38;
	[tilespmem:$0x17400] =	vst v63  }
0x1c: {  	_ =	swait.ge [sflag:s26], $0x3200  }
0x1d: {  	[sflag:s26] =	ssyncset.done $0x0  }
0x1e: {  	s25 =	simm.s32 $0x3400;
	[sflag:s26] =	ssyncadd.s32 $0xFFFFCE00  }
0x1f: {  	[tilespmem:s25], [sflag:$0x1] =	stream.indirect.gather [hbm4b:s2+s20], $0x80, s4, s20, $0xb8;
	[tilespmem:$0x17400] =	vst v63  }
0x20: {  	s29 =	simm.s32 $0x80;
	s24 =	simm.s32 $0x5400  }
0x21: {  	[tilespmem:s24], [sflag:$0x2] =	stream.indirect.gather [hbm4b:s2+s20], $0x80, s29, s20, $0xb8;
	[tilespmem:$0x17400] =	vst v63  }
0x22: {  	s0 =	simm.s32 $0x100;
	s28 =	simm.s32 $0x7400  }
0x23: {  	[tilespmem:s28], [sflag:$0x3] =	stream.indirect.gather [hbm4b:s2+s20], $0x80, s0, s20, $0xb8;
	[tilespmem:$0x17400] =	vst v63  }
0x24: {  	s5 =	simm.s32 $0x180;
	s29 =	simm.s32 $0x9400  }
0x25: {  	[tilespmem:s29], [sflag:$0x4] =	stream.indirect.gather [hbm4b:s2+s20], $0x80, s5, s20, $0xb8;
	[tilespmem:$0x17400] =	vst v63  }
0x26: {  	s6 =	simm.s32 $0x200;
	s5 =	simm.s32 $0xB400  }
0x27: {  	[tilespmem:s5], [sflag:$0x5] =	stream.indirect.gather [hbm4b:s2+s20], $0x80, s6, s20, $0xb8;
	[tilespmem:$0x17400] =	vst v63  }
0x28: {  	s7 =	simm.s32 $0x280;
	s6 =	simm.s32 $0xD400  }
0x29: {  	[tilespmem:s6], [sflag:$0x6] =	stream.indirect.gather [hbm4b:s2+s20], $0x80, s7, s20, $0xb8;
	[tilespmem:$0x17400] =	vst v63  }
0x2a: {  	s8 =	simm.s32 $0x300;
	s7 =	simm.s32 $0xF400  }
0x2b: {  	[tilespmem:s7], [sflag:$0x7] =	stream.indirect.gather [hbm4b:s2+s20], $0x80, s8, s20, $0xb8;
	[tilespmem:$0x17400] =	vst v63  }
0x2c: {  	s9 =	simm.s32 $0x380;
	s8 =	simm.s32 $0x11400  }
0x2d: {  	[tilespmem:s8], [sflag:$0x8] =	stream.indirect.gather [hbm4b:s2+s20], $0x80, s9, s20, $0xb8;
	[tilespmem:$0x17400] =	vst v63  }
0x2e: {  	s10 =	simm.s32 $0x400;
	s9 =	simm.s32 $0x13400  }
0x2f: {  	[tilespmem:s9], [sflag:$0x9] =	stream.indirect.gather [hbm4b:s2+s20], $0x80, s10, s20, $0xb8;
	[tilespmem:$0x17400] =	vst v63  }
0x30: {  	s26 =	simm.s32 $0x480;
	s10 =	simm.s32 $0x15400  }
0x31: {  	[tilespmem:s10], [sflag:$0xA] =	stream.indirect.gather [hbm4b:s2+s20], $0x80, s26, s20, $0xb8;
	[tilespmem:$0x17400] =	vst v63  }
0x32: {  	_ =	swait.ge [sflag:s11], $0x2000  }
0x33: {  	[sflag:s11] =	ssyncset.done $0x0  }
0x34: {  	s26 =	simm.s32 $0xB;
	s0 =	rddreg [dreg:$0x5];
	[sflag:s11] =	ssyncadd.s32 $0xFFFFE000  }
0x35: {  	[hbm4b:s0+s4] =	stream.linear.scatter [tilespmem:s25], [sflag:$0xB], $0x2000, $0x38;
	[tilespmem:$0x17400] =	vst v63  }
0x36: {  	_ =	swait.ge [sflag:s26], $0x2000  }
0x37: {  	[sflag:s26] =	ssyncset.done $0x0  }
0x38: {  	s0 =	simm.s32 $0x500;
	[sflag:s26] =	ssyncadd.s32 $0xFFFFE000;
	s26 =	simm.s32 $0x2  }
0x39: {  	[tilespmem:s25], [sflag:$0x1] =	stream.indirect.gather [hbm4b:s2+s20], $0x80, s0, s20, $0xb8;
	[tilespmem:$0x17400] =	vst v63  }
0x3a: {  	_ =	swait.ge [sflag:s26], $0x2000  }
0x3b: {  	[sflag:s26] =	ssyncset.done $0x0  }
0x3c: {  	[sflag:s26] =	ssyncadd.s32 $0xFFFFE000;
	s26 =	rddreg [dreg:$0x10]  }
0x3d: {  	s25 =	simm.s32 $0xC;
	s0 =	sadd.s32 $0xFFFFE000, s26  }
0x3e: {  	[hbm4b:s0+s4] =	stream.linear.scatter [tilespmem:s24], [sflag:$0xC], $0x2000, $0x38;
	[tilespmem:$0x17400] =	vst v63  }
0x3f: {  	_ =	swait.ge [sflag:s25], $0x2000  }
0x40: {  	[sflag:s25] =	ssyncset.done $0x0  }
0x41: {  	s0 =	simm.s32 $0x580;
	[sflag:s25] =	ssyncadd.s32 $0xFFFFE000;
	s25 =	simm.s32 $0x3  }
0x42: {  	[tilespmem:s24], [sflag:$0x2] =	stream.indirect.gather [hbm4b:s2+s20], $0x80, s0, s20, $0xb8;
	[tilespmem:$0x17400] =	vst v63  }
0x43: {  	_ =	swait.ge [sflag:s25], $0x2000  }
0x44: {  	[sflag:s25] =	ssyncset.done $0x0  }
0x45: {  	s1 =	simm.s32 $0xD;
	s0 =	sadd.s32 $0xFFFFE400, s26;
	[sflag:s25] =	ssyncadd.s32 $0xFFFFE000  }
0x46: {  	[hbm4b:s0+s4] =	stream.linear.scatter [tilespmem:s28], [sflag:$0xD], $0x2000, $0x38;
	[tilespmem:$0x17400] =	vst v63  }
0x47: {  	_ =	swait.ge [sflag:s1], $0x2000  }
0x48: {  	[sflag:s1] =	ssyncset.done $0x0  }
0x49: {  	s24 =	simm.s32 $0x600;
	s25 =	simm.s32 $0x4;
	[sflag:s1] =	ssyncadd.s32 $0xFFFFE000  }
0x4a: {  	[tilespmem:s28], [sflag:$0x3] =	stream.indirect.gather [hbm4b:s2+s20], $0x80, s24, s20, $0xb8;
	[tilespmem:$0x17400] =	vst v63  }
0x4b: {  	_ =	swait.ge [sflag:s25], $0x2000  }
0x4c: {  	[sflag:s25] =	ssyncset.done $0x0  }
0x4d: {  	s0 =	sadd.s32 $0xFFFFE800, s26;
	s24 =	simm.s32 $0xE;
	[sflag:s25] =	ssyncadd.s32 $0xFFFFE000  }
0x4e: {  	[hbm4b:s0+s4] =	stream.linear.scatter [tilespmem:s29], [sflag:$0xE], $0x2000, $0x38;
	[tilespmem:$0x17400] =	vst v63  }
0x4f: {  	_ =	swait.ge [sflag:s24], $0x2000  }
0x50: {  	[sflag:s24] =	ssyncset.done $0x0  }
0x51: {  	s25 =	simm.s32 $0x680;
	[sflag:s24] =	ssyncadd.s32 $0xFFFFE000  }
0x52: {  	[tilespmem:s29], [sflag:$0x4] =	stream.indirect.gather [hbm4b:s2+s20], $0x80, s25, s20, $0xb8;
	[tilespmem:$0x17400] =	vst v63  }
0x53: {  	s29 =	simm.s32 $0x5  }
0x54: {  	_ =	swait.ge [sflag:s29], $0x2000  }
0x55: {  	[sflag:s29] =	ssyncset.done $0x0  }
0x56: {  	s0 =	sadd.s32 $0xFFFFEC00, s26;
	[sflag:s29] =	ssyncadd.s32 $0xFFFFE000  }
0x57: {  	[hbm4b:s0+s4] =	stream.linear.scatter [tilespmem:s5], [sflag:$0xF], $0x2000, $0x38;
	[tilespmem:$0x17400] =	vst v63  }
0x58: {  	_ =	swait.ge [sflag:s12], $0x2000  }
0x59: {  	[sflag:s12] =	ssyncset.done $0x0  }
0x5a: {  	s24 =	simm.s32 $0x700;
	[sflag:s12] =	ssyncadd.s32 $0xFFFFE000  }
0x5b: {  	[tilespmem:s5], [sflag:$0x5] =	stream.indirect.gather [hbm4b:s2+s20], $0x80, s24, s20, $0xb8;
	[tilespmem:$0x17400] =	vst v63  }
0x5c: {  	_ =	swait.ge [sflag:s13], $0x2000  }
0x5d: {  	[sflag:s13] =	ssyncset.done $0x0  }
0x5e: {  	s25 =	sadd.s32 $0xFFFFF000, s26;
	[sflag:s13] =	ssyncadd.s32 $0xFFFFE000  }
0x5f: {  	[hbm4b:s25+s4] =	stream.linear.scatter [tilespmem:s6], [sflag:$0x10], $0x2000, $0x38;
	[tilespmem:$0x17400] =	vst v63  }
0x60: {  	_ =	swait.ge [sflag:s14], $0x2000  }
0x61: {  	[sflag:s14] =	ssyncset.done $0x0  }
0x62: {  	s29 =	simm.s32 $0x780;
	[sflag:s14] =	ssyncadd.s32 $0xFFFFE000  }
0x63: {  	[tilespmem:s6], [sflag:$0x6] =	stream.indirect.gather [hbm4b:s2+s20], $0x80, s29, s20, $0xb8;
	[tilespmem:$0x17400] =	vst v63  }
0x64: {  	_ =	swait.ge [sflag:s15], $0x2000  }
0x65: {  	[sflag:s15] =	ssyncset.done $0x0  }
0x66: {  	s0 =	sadd.s32 $0xFFFFF400, s26;
	[sflag:s15] =	ssyncadd.s32 $0xFFFFE000  }
0x67: {  	[hbm4b:s0+s4] =	stream.linear.scatter [tilespmem:s7], [sflag:$0x11], $0x2000, $0x38;
	[tilespmem:$0x17400] =	vst v63  }
0x68: {  	_ =	swait.ge [sflag:s16], $0x2000  }
0x69: {  	[sflag:s16] =	ssyncset.done $0x0  }
0x6a: {  	s5 =	simm.s32 $0x800;
	[sflag:s16] =	ssyncadd.s32 $0xFFFFE000  }
0x6b: {  	[tilespmem:s7], [sflag:$0x7] =	stream.indirect.gather [hbm4b:s2+s20], $0x80, s5, s20, $0xb8;
	[tilespmem:$0x17400] =	vst v63  }
0x6c: {  	_ =	swait.ge [sflag:s19], $0x2000  }
0x6d: {  	[sflag:s19] =	ssyncset.done $0x0  }
0x6e: {  	s6 =	sadd.s32 $0xFFFFF800, s26;
	[sflag:s19] =	ssyncadd.s32 $0xFFFFE000  }
0x6f: {  	[hbm4b:s6+s4] =	stream.linear.scatter [tilespmem:s8], [sflag:$0x12], $0x2000, $0x38;
	[tilespmem:$0x17400] =	vst v63  }
0x70: {  	_ =	swait.ge [sflag:s18], $0x2000  }
0x71: {  	[sflag:s18] =	ssyncset.done $0x0  }
0x72: {  	s7 =	simm.s32 $0x880;
	[sflag:s18] =	ssyncadd.s32 $0xFFFFE000  }
0x73: {  	[tilespmem:s8], [sflag:$0x8] =	stream.indirect.gather [hbm4b:s2+s20], $0x80, s7, s20, $0xb8;
	[tilespmem:$0x17400] =	vst v63  }
0x74: {  	_ =	swait.ge [sflag:s17], $0x2000  }
0x75: {  	[sflag:s17] =	ssyncset.done $0x0  }
0x76: {  	s8 =	sadd.s32 $0xFFFFFC00, s26;
	[sflag:s17] =	ssyncadd.s32 $0xFFFFE000  }
0x77: {  	[hbm4b:s8+s4] =	stream.linear.scatter [tilespmem:s9], [sflag:$0x13], $0x2000, $0x38;
	[tilespmem:$0x17400] =	vst v63  }
0x78: {  	_ =	swait.ge [sflag:s3], $0x2000  }
0x79: {  	[sflag:s3] =	ssyncset.done $0x0  }
0x7a: {  	s24 =	simm.s32 $0x900;
	[sflag:s3] =	ssyncadd.s32 $0xFFFFE000  }
0x7b: {  	[tilespmem:s9], [sflag:$0x9] =	stream.indirect.gather [hbm4b:s2+s20], $0x80, s24, s20, $0xb8;
	[tilespmem:$0x17400] =	vst v63  }
0x7c: {  	_ =	swait.ge [sflag:s21], $0x2000  }
0x7d: {  	[sflag:s21] =	ssyncset.done $0x0  }
0x7e: {  	[sflag:s21] =	ssyncadd.s32 $0xFFFFE000  }
0x7f: {  	[hbm4b:s26+s4] =	stream.linear.scatter [tilespmem:s10], [sflag:$0x14], $0x2000, $0x38;
	[tilespmem:$0x17400] =	vst v63  }
0x80: {  	_ =	swait.ge [sflag:s23], $0x2000  }
0x81: {  	[sflag:s23] =	ssyncset.done $0x0  }
0x82: {  	s25 =	simm.s32 $0x980;
	[sflag:s23] =	ssyncadd.s32 $0xFFFFE000  }
0x83: {  	[tilespmem:s10], [sflag:$0xA] =	stream.indirect.gather [hbm4b:s2+s20], $0x80, s25, s20, $0xb8;
	[tilespmem:$0x17400] =	vst v63  }
0x84: {  	_ =	swait.ge [sflag:s11], $0x2000  }
0x85: {  	s30 =	sadd.s32 $0x2800, s26;
	s25 =	simm.s32 $0x1400;
	s28 =	rddreg [dreg:$0x11]  }
0x86: {  	[sflag:s11] =	ssyncset.done $0x0;
	s29 =	sshrl.u32 s28, $0x3;
	s28 =	sadd.s32 $0x14000, s28  }
0x87: {  	[sflag:s11] =	ssyncadd.s32 $0xFFFFE000;
	s11 =	simm.s32 $0x1;
	s1 =	sadd.s32 s22, s29  }
.LBB2_2:
0x88: {  	s24 =	simm.s32 $0x3400  }
0x89: {  	[hbm4b:s1+s4] =	stream.linear.scatter [tilespmem:s24], [sflag:$0xB], $0x2000, $0x38;
	[tilespmem:$0x17400] =	vst v63  }
0x8a: {  	s0 =	simm.s32 $0xB;
	s1 =	smov.u32 s25  }
0x8b: {  	p0 =	sne.s32 s25, $0xA000;
	s25 =	sadd.s32 $0x1400, s25;
	_ =	swait.ge [sflag:s0], $0x2000  }
0x8c: {  	s26 =	smov.u32 s22;
	s1 =	sshra.s32 s1, $0x2;
	[sflag:s0] =	ssyncset.done $0x0  }
0x8d: {  	s22 =	sadd.s32 $0x500, s1;
	[sflag:s0] =	ssyncadd.s32 $0xFFFFE000;
	s0 =	simm.s32 $0x2  }
0x8e: {  	[tilespmem:s24], [sflag:$0x1] =	stream.indirect.gather [hbm4b:s2+s20], $0x80, s22, s20, $0xb8;
	[tilespmem:$0x17400] =	vst v63  }
0x8f: {  	_ =	swait.ge [sflag:s0], $0x2000  }
0x90: {  	s29 =	simm.s32 $0x5400;
	[sflag:s0] =	ssyncset.done $0x0  }
0x91: {  	s22 =	sadd.s32 $0xFFFFE000, s30;
	[sflag:s0] =	ssyncadd.s32 $0xFFFFE000;
	s0 =	simm.s32 $0xC  }
0x92: {  	[hbm4b:s22+s4] =	stream.linear.scatter [tilespmem:s29], [sflag:$0xC], $0x2000, $0x38;
	[tilespmem:$0x17400] =	vst v63  }
0x93: {  	_ =	swait.ge [sflag:s0], $0x2000  }
0x94: {  	s24 =	simm.s32 $0x5400;
	[sflag:s0] =	ssyncset.done $0x0  }
0x95: {  	s22 =	sadd.s32 $0x580, s1;
	[sflag:s0] =	ssyncadd.s32 $0xFFFFE000;
	s0 =	simm.s32 $0x3  }
0x96: {  	[tilespmem:s29], [sflag:$0x2] =	stream.indirect.gather [hbm4b:s2+s20], $0x80, s22, s20, $0xb8;
	[tilespmem:$0x17400] =	vst v63  }
0x97: {  	_ =	swait.ge [sflag:s0], $0x2000  }
0x98: {  	s5 =	simm.s32 $0xD;
	[sflag:s0] =	ssyncset.done $0x0  }
0x99: {  	s22 =	sadd.s32 $0xFFFFE400, s30;
	[sflag:s0] =	ssyncadd.s32 $0xFFFFE000;
	s0 =	simm.s32 $0x7400  }
0x9a: {  	[hbm4b:s22+s4] =	stream.linear.scatter [tilespmem:s0], [sflag:$0xD], $0x2000, $0x38;
	[tilespmem:$0x17400] =	vst v63  }
0x9b: {  	_ =	swait.ge [sflag:s5], $0x2000  }
0x9c: {  	[sflag:s5] =	ssyncset.done $0x0  }
0x9d: {  	s22 =	sadd.s32 $0x600, s1;
	[sflag:s5] =	ssyncadd.s32 $0xFFFFE000  }
0x9e: {  	[tilespmem:s0], [sflag:$0x3] =	stream.indirect.gather [hbm4b:s2+s20], $0x80, s22, s20, $0xb8;
	[tilespmem:$0x17400] =	vst v63  }
0x9f: {  	s29 =	simm.s32 $0x7400;
	s0 =	simm.s32 $0x4  }
0xa0: {  	_ =	swait.ge [sflag:s0], $0x2000  }
0xa1: {  	s5 =	simm.s32 $0x9400;
	[sflag:s0] =	ssyncset.done $0x0  }
0xa2: {  	s22 =	sadd.s32 $0xFFFFE800, s30;
	[sflag:s0] =	ssyncadd.s32 $0xFFFFE000;
	s0 =	simm.s32 $0xE  }
0xa3: {  	[hbm4b:s22+s4] =	stream.linear.scatter [tilespmem:s5], [sflag:$0xE], $0x2000, $0x38;
	[tilespmem:$0x17400] =	vst v63  }
0xa4: {  	_ =	swait.ge [sflag:s0], $0x2000  }
0xa5: {  	[sflag:s0] =	ssyncset.done $0x0  }
0xa6: {  	s22 =	sadd.s32 $0x680, s1;
	[sflag:s0] =	ssyncadd.s32 $0xFFFFE000  }
0xa7: {  	[tilespmem:s5], [sflag:$0x4] =	stream.indirect.gather [hbm4b:s2+s20], $0x80, s22, s20, $0xb8;
	[tilespmem:$0x17400] =	vst v63  }
0xa8: {  	s0 =	simm.s32 $0x9400;
	s5 =	simm.s32 $0x5  }
0xa9: {  	_ =	swait.ge [sflag:s5], $0x2000  }
0xaa: {  	[sflag:s5] =	ssyncset.done $0x0  }
0xab: {  	s6 =	simm.s32 $0xB400;
	s22 =	sadd.s32 $0xFFFFEC00, s30;
	[sflag:s5] =	ssyncadd.s32 $0xFFFFE000  }
0xac: {  	[hbm4b:s22+s4] =	stream.linear.scatter [tilespmem:s6], [sflag:$0xF], $0x2000, $0x38;
	[tilespmem:$0x17400] =	vst v63  }
0xad: {  	_ =	swait.ge [sflag:s12], $0x2000  }
0xae: {  	[sflag:s12] =	ssyncset.done $0x0  }
0xaf: {  	s5 =	simm.s32 $0xB400;
	s22 =	sadd.s32 $0x700, s1;
	[sflag:s12] =	ssyncadd.s32 $0xFFFFE000  }
0xb0: {  	[tilespmem:s6], [sflag:$0x5] =	stream.indirect.gather [hbm4b:s2+s20], $0x80, s22, s20, $0xb8;
	[tilespmem:$0x17400] =	vst v63  }
0xb1: {  	_ =	swait.ge [sflag:s13], $0x2000  }
0xb2: {  	[sflag:s13] =	ssyncset.done $0x0  }
0xb3: {  	s7 =	simm.s32 $0xD400;
	s22 =	sadd.s32 $0xFFFFF000, s30;
	[sflag:s13] =	ssyncadd.s32 $0xFFFFE000  }
0xb4: {  	[hbm4b:s22+s4] =	stream.linear.scatter [tilespmem:s7], [sflag:$0x10], $0x2000, $0x38;
	[tilespmem:$0x17400] =	vst v63  }
0xb5: {  	_ =	swait.ge [sflag:s14], $0x2000  }
0xb6: {  	[sflag:s14] =	ssyncset.done $0x0  }
0xb7: {  	s6 =	simm.s32 $0xD400;
	s22 =	sadd.s32 $0x780, s1;
	[sflag:s14] =	ssyncadd.s32 $0xFFFFE000  }
0xb8: {  	[tilespmem:s7], [sflag:$0x6] =	stream.indirect.gather [hbm4b:s2+s20], $0x80, s22, s20, $0xb8;
	[tilespmem:$0x17400] =	vst v63  }
0xb9: {  	_ =	swait.ge [sflag:s15], $0x2000  }
0xba: {  	[sflag:s15] =	ssyncset.done $0x0  }
0xbb: {  	s8 =	simm.s32 $0xF400;
	s22 =	sadd.s32 $0xFFFFF400, s30;
	[sflag:s15] =	ssyncadd.s32 $0xFFFFE000  }
0xbc: {  	[hbm4b:s22+s4] =	stream.linear.scatter [tilespmem:s8], [sflag:$0x11], $0x2000, $0x38;
	[tilespmem:$0x17400] =	vst v63  }
0xbd: {  	_ =	swait.ge [sflag:s16], $0x2000  }
0xbe: {  	[sflag:s16] =	ssyncset.done $0x0  }
0xbf: {  	s7 =	simm.s32 $0xF400;
	s22 =	sadd.s32 $0x800, s1;
	[sflag:s16] =	ssyncadd.s32 $0xFFFFE000  }
0xc0: {  	[tilespmem:s8], [sflag:$0x7] =	stream.indirect.gather [hbm4b:s2+s20], $0x80, s22, s20, $0xb8;
	[tilespmem:$0x17400] =	vst v63  }
0xc1: {  	_ =	swait.ge [sflag:s19], $0x2000  }
0xc2: {  	[sflag:s19] =	ssyncset.done $0x0  }
0xc3: {  	s9 =	simm.s32 $0x11400;
	s22 =	sadd.s32 $0xFFFFF800, s30;
	[sflag:s19] =	ssyncadd.s32 $0xFFFFE000  }
0xc4: {  	[hbm4b:s22+s4] =	stream.linear.scatter [tilespmem:s9], [sflag:$0x12], $0x2000, $0x38;
	[tilespmem:$0x17400] =	vst v63  }
0xc5: {  	_ =	swait.ge [sflag:s18], $0x2000  }
0xc6: {  	[sflag:s18] =	ssyncset.done $0x0  }
0xc7: {  	s8 =	simm.s32 $0x11400;
	s22 =	sadd.s32 $0x880, s1;
	[sflag:s18] =	ssyncadd.s32 $0xFFFFE000  }
0xc8: {  	[tilespmem:s9], [sflag:$0x8] =	stream.indirect.gather [hbm4b:s2+s20], $0x80, s22, s20, $0xb8;
	[tilespmem:$0x17400] =	vst v63  }
0xc9: {  	_ =	swait.ge [sflag:s17], $0x2000  }
0xca: {  	[sflag:s17] =	ssyncset.done $0x0  }
0xcb: {  	s10 =	simm.s32 $0x13400;
	s22 =	sadd.s32 $0xFFFFFC00, s30;
	[sflag:s17] =	ssyncadd.s32 $0xFFFFE000  }
0xcc: {  	[hbm4b:s22+s4] =	stream.linear.scatter [tilespmem:s10], [sflag:$0x13], $0x2000, $0x38;
	[tilespmem:$0x17400] =	vst v63  }
0xcd: {  	_ =	swait.ge [sflag:s3], $0x2000  }
0xce: {  	[sflag:s3] =	ssyncset.done $0x0  }
0xcf: {  	s22 =	sadd.s32 $0x900, s1;
	[sflag:s3] =	ssyncadd.s32 $0xFFFFE000  }
0xd0: {  	[tilespmem:s10], [sflag:$0x9] =	stream.indirect.gather [hbm4b:s2+s20], $0x80, s22, s20, $0xb8;
	[tilespmem:$0x17400] =	vst v63  }
0xd1: {  	s9 =	simm.s32 $0x13400;
	s22 =	smov.u32 s26  }
0xd2: {  	_ =	swait.ge [sflag:s21], $0x2000  }
0xd3: {  	[sflag:s21] =	ssyncset.done $0x0  }
0xd4: {  	s26 =	simm.s32 $0x15400;
	[sflag:s21] =	ssyncadd.s32 $0xFFFFE000  }
0xd5: {  	[hbm4b:s30+s4] =	stream.linear.scatter [tilespmem:s26], [sflag:$0x14], $0x2000, $0x38;
	[tilespmem:$0x17400] =	vst v63  }
0xd6: {  	_ =	swait.ge [sflag:s23], $0x2000  }
0xd7: {  	s1 =	sadd.s32 $0x980, s1;
	[sflag:s23] =	ssyncset.done $0x0  }
.Ltmp0:
0xd8: {  	s10 =	simm.s32 $0x15400;
	[sflag:s23] =	ssyncadd.s32 $0xFFFFE000;
	(pc) =	sbr.rel @p0 .LBB2_2-.Ltmp0, $4  }
0xd9: {  	[tilespmem:s26], [sflag:$0xA] =	stream.indirect.gather [hbm4b:s2+s20], $0x80, s1, s20, $0xb8;
	[tilespmem:$0x17400] =	vst v63  }
0xda: {  	_ =	swait.ge [sflag:s11], $0x2000  }
0xdb: {  	s1 =	sshrl.u32 s28, $0x3;
	s28 =	sadd.s32 $0x14000, s28;
	[sflag:s11] =	ssyncset.done $0x0  }
0xdc: {  	s30 =	sadd.s32 $0x2800, s30;
	s1 =	sadd.s32 s22, s1;
	[sflag:s11] =	ssyncadd.s32 $0xFFFFE000  }
0xdd: {  	[hbm4b:s1+s4] =	stream.linear.scatter [tilespmem:s31], [sflag:$0xB], $0x2000, $0x38;
	[tilespmem:$0x17400] =	vst v63  }
0xde: {  	s30 =	simm.s32 $0x2  }
0xdf: {  	_ =	swait.ge [sflag:s30], $0x2000  }
0xe0: {  	[sflag:s30] =	ssyncset.done $0x0  }
0xe1: {  	s25 =	simm.s32 $0x3;
	s11 =	rddreg [dreg:$0x6];
	[sflag:s30] =	ssyncadd.s32 $0xFFFFE000  }
0xe2: {  	[hbm4b:s11+s4] =	stream.linear.scatter [tilespmem:s24], [sflag:$0xC], $0x2000, $0x38;
	[tilespmem:$0x17400] =	vst v63  }
0xe3: {  	_ =	swait.ge [sflag:s25], $0x2000  }
0xe4: {  	[sflag:s25] =	ssyncset.done $0x0  }
0xe5: {  	s28 =	simm.s32 $0x4;
	s26 =	rddreg [dreg:$0x7];
	[sflag:s25] =	ssyncadd.s32 $0xFFFFE000  }
0xe6: {  	[hbm4b:s26+s4] =	stream.linear.scatter [tilespmem:s29], [sflag:$0xD], $0x2000, $0x38;
	[tilespmem:$0x17400] =	vst v63  }
0xe7: {  	_ =	swait.ge [sflag:s28], $0x2000  }
0xe8: {  	[sflag:s28] =	ssyncset.done $0x0  }
0xe9: {  	s30 =	simm.s32 $0x5;
	s29 =	rddreg [dreg:$0x8];
	[sflag:s28] =	ssyncadd.s32 $0xFFFFE000  }
0xea: {  	[hbm4b:s29+s4] =	stream.linear.scatter [tilespmem:s0], [sflag:$0xE], $0x2000, $0x38;
	[tilespmem:$0x17400] =	vst v63  }
0xeb: {  	_ =	swait.ge [sflag:s30], $0x2000  }
0xec: {  	[sflag:s30] =	ssyncset.done $0x0  }
0xed: {  	s0 =	rddreg [dreg:$0x9];
	[sflag:s30] =	ssyncadd.s32 $0xFFFFE000  }
0xee: {  	[hbm4b:s0+s4] =	stream.linear.scatter [tilespmem:s5], [sflag:$0xF], $0x2000, $0x38;
	[tilespmem:$0x17400] =	vst v63  }
0xef: {  	_ =	swait.ge [sflag:s13], $0x2000  }
0xf0: {  	[sflag:s13] =	ssyncset.done $0x0  }
0xf1: {  	s5 =	rddreg [dreg:$0xa];
	[sflag:s13] =	ssyncadd.s32 $0xFFFFE000  }
0xf2: {  	[hbm4b:s5+s4] =	stream.linear.scatter [tilespmem:s6], [sflag:$0x10], $0x2000, $0x38;
	[tilespmem:$0x17400] =	vst v63  }
0xf3: {  	_ =	swait.ge [sflag:s15], $0x2000  }
0xf4: {  	[sflag:s15] =	ssyncset.done $0x0  }
0xf5: {  	s6 =	rddreg [dreg:$0xb];
	[sflag:s15] =	ssyncadd.s32 $0xFFFFE000  }
0xf6: {  	[hbm4b:s6+s4] =	stream.linear.scatter [tilespmem:s7], [sflag:$0x11], $0x2000, $0x38;
	[tilespmem:$0x17400] =	vst v63  }
0xf7: {  	_ =	swait.ge [sflag:s19], $0x2000  }
0xf8: {  	[sflag:s19] =	ssyncset.done $0x0  }
0xf9: {  	s7 =	rddreg [dreg:$0xc];
	[sflag:s19] =	ssyncadd.s32 $0xFFFFE000  }
0xfa: {  	[hbm4b:s7+s4] =	stream.linear.scatter [tilespmem:s8], [sflag:$0x12], $0x2000, $0x38;
	[tilespmem:$0x17400] =	vst v63  }
0xfb: {  	_ =	swait.ge [sflag:s17], $0x2000  }
0xfc: {  	[sflag:s17] =	ssyncset.done $0x0  }
0xfd: {  	s8 =	rddreg [dreg:$0xd];
	[sflag:s17] =	ssyncadd.s32 $0xFFFFE000  }
0xfe: {  	[hbm4b:s8+s4] =	stream.linear.scatter [tilespmem:s9], [sflag:$0x13], $0x2000, $0x38;
	[tilespmem:$0x17400] =	vst v63  }
0xff: {  	_ =	swait.ge [sflag:s21], $0x2000  }
0x100: {  	[sflag:s21] =	ssyncset.done $0x0  }
0x101: {  	s24 =	simm.s32 $0xB;
	s11 =	rddreg [dreg:$0xe];
	[sflag:s21] =	ssyncadd.s32 $0xFFFFE000  }
0x102: {  	[hbm4b:s11+s4] =	stream.linear.scatter [tilespmem:s10], [sflag:$0x14], $0x2000, $0x38;
	[tilespmem:$0x17400] =	vst v63  }
0x103: {  	_ =	swait.ge [sflag:s24], $0x2000  }
0x104: {  	[sflag:s24] =	ssyncset.done $0x0  }
0x105: {  	s25 =	simm.s32 $0xC;
	[sflag:s24] =	ssyncadd.s32 $0xFFFFE000  }
0x106: {  	_ =	swait.ge [sflag:s25], $0x2000  }
0x107: {  	[sflag:s25] =	ssyncset.done $0x0  }
0x108: {  	s26 =	simm.s32 $0xD;
	[sflag:s25] =	ssyncadd.s32 $0xFFFFE000  }
0x109: {  	_ =	swait.ge [sflag:s26], $0x2000  }
0x10a: {  	[sflag:s26] =	ssyncset.done $0x0  }
0x10b: {  	s28 =	simm.s32 $0xE;
	[sflag:s26] =	ssyncadd.s32 $0xFFFFE000  }
0x10c: {  	_ =	swait.ge [sflag:s28], $0x2000  }
0x10d: {  	[sflag:s28] =	ssyncset.done $0x0  }
0x10e: {  	[sflag:s28] =	ssyncadd.s32 $0xFFFFE000  }
0x10f: {  	_ =	swait.ge [sflag:s12], $0x2000  }
0x110: {  	[sflag:s12] =	ssyncset.done $0x0  }
0x111: {  	[sflag:s12] =	ssyncadd.s32 $0xFFFFE000  }
0x112: {  	_ =	swait.ge [sflag:s14], $0x2000  }
0x113: {  	[sflag:s14] =	ssyncset.done $0x0  }
0x114: {  	[sflag:s14] =	ssyncadd.s32 $0xFFFFE000  }
0x115: {  	_ =	swait.ge [sflag:s16], $0x2000  }
0x116: {  	[sflag:s16] =	ssyncset.done $0x0  }
0x117: {  	[sflag:s16] =	ssyncadd.s32 $0xFFFFE000  }
0x118: {  	_ =	swait.ge [sflag:s18], $0x2000  }
0x119: {  	[sflag:s18] =	ssyncset.done $0x0  }
0x11a: {  	[sflag:s18] =	ssyncadd.s32 $0xFFFFE000  }
0x11b: {  	_ =	swait.ge [sflag:s3], $0x2000  }
0x11c: {  	[sflag:s3] =	ssyncset.done $0x0  }
0x11d: {  	[sflag:s3] =	ssyncadd.s32 $0xFFFFE000  }
0x11e: {  	_ =	swait.ge [sflag:s23], $0x2000  }
0x11f: {  	s29 =	rddreg [dreg:$0x12]  }
0x120: {  	s30 =	rddreg [dreg:$0xf];
	s0 =	sadd.s32 $0x1, s29  }
0x121: {  	p0 =	sne.s32 s0, s30  }
.Ltmp1:
0x122: {  	_ = 	snop;
	(pc) =	sbr.rel @p0 .LBB2_1-.Ltmp1, $3  }
0x123: {  	_ =	sdelay $0x1  }
0x124: {  	[sflag:s23] =	ssyncset.done $0x0  }
0x125: {  	s11 =	simm.s32 $0x1;
	[sflag:s23] =	ssyncadd.s32 $0xFFFFE000  }
0x126: {  	_ =	sfence.sel $0x180000  }
0x127: {  	[bflag:$0x0] =	sbarrier.arrive $0xFFFF  }
0x128: {  	_ =	strace $0x90000047  }
0x129: {  	s0 =	stileid.u32;
	[bflag:$0x2] =	sbarrier.arrive $0xFFFF  }
0x12a: {  	p0 =	sne.s32 s0, $0x0;
	s0 =	rddreg [dreg:$0x3]  }
0x12b: {  	s0 =	sadd.s32 @!p0 $0x100000, s0  }
0x12c: {  	[sflag:s0] =	ssyncadd.tile.s32 @!p0 $0x1;
	_ =	shalt  }
.Lfunc_end2:
_tile_overlayer_lowered:
.L_overlay_start_2:
0x12d: {  	(tag) =	ssettag $0x2  }
0x12e: {  	s0 =	rddreg [dreg:$0x0];
	s2 =	stileid.u32  }
0x12f: {  	s1 =	rddreg [dreg:$0x1];
	p0 =	sne.s32 s2, $0x0  }
0x130: {  	s3 =	rddreg [dreg:$0x2];
	[bflag:$0x3] =	sbarrier.arrive $0xFFFF;
	s2 =	simm.s32 @!p0 $0x1C15  }
0x131: {  	[timem:s3], [sflag:s2] =	dma.local @!p0 [hbm:s0], s1  }
0x132: {  	s0 =	simm.s32 @!p0 $0x15  }
0x133: {  	_ =	swait.ge @!p0 [sflag:s0], s1  }
0x134: {  	s1 =	ssub.s32 @!p0 $0x0, s1;
	[sflag:s0] =	ssyncset.done @!p0 $0x0  }
0x135: {  	[sflag:s0] =	ssyncadd.s32 @!p0 s1  }
0x136: {  	[bflag:$0x3] =	sbarrier.arrive $0xFFFF  }
0x137: {  	_ =	shalt  }

</sc_bundles>
